<compile_context>
chip_gen: v7x
topology: tpu7x:2x2x1
jax: 0.10.2.dev20260603
libtpu: 0.0.44.dev20260713+nightly
codegen_flags: <defaults>
</compile_context>

<pallas_src>
import functools

import jax
import jax.numpy as jnp
from jax import lax
from jax.experimental import pallas as pl
from jax.experimental.pallas import tpu as pltpu
from jax.experimental.pallas import tpu_sc as plsc

N = 10000
E = 320000
D_IN = 128
H = 64

NC = 2
NS = 16
NW = NC * NS
BLK = 128
NBLK = 80
EPW = NBLK * BLK
E_PAD = NW * EPW
N_ACC = 10240
DUMMY = N_ACC - 1
ZPT = N_ACC // NS
DPT = N // NS
NBUF = 4
TPT = N // NS
NDR = N_ACC // NS

RB = 1000
GRID = N // RB


def _sc_mesh():
    return plsc.VectorSubcoreMesh(core_axis_name="c", subcore_axis_name="s")



def _sc_degree(dst3):

    @functools.partial(
        pl.kernel,
        mesh=_sc_mesh(),
        out_type=jax.ShapeDtypeStruct((NC, N_ACC), jnp.float32),
        scratch_types=[
            pltpu.VMEM((NBLK, BLK), jnp.int32),
            pltpu.VMEM((BLK,), jnp.float32),
            pltpu.VMEM((NDR,), jnp.float32),
            pltpu.VMEM_SHARED((N_ACC,), jnp.float32),
        ],
        compiler_params=pltpu.CompilerParams(use_tc_tiling_on_sc=False),
    )
    def k(dst_hbm, outp, dstv, ones_v, zv, dacc):
        c = lax.axis_index("c")
        s = lax.axis_index("s")
        wid = s * NC + c
        one16 = jnp.ones((16,), jnp.float32)
        zero16 = jnp.zeros((16,), jnp.float32)
        for i in range(BLK // 16):
            ones_v[pl.ds(i * 16, 16)] = one16

        def zb(i, carry):
            zv[pl.ds(i * 16, 16)] = zero16
            return carry

        lax.fori_loop(0, NDR // 16, zb, 0)
        pltpu.sync_copy(zv, dacc.at[pl.ds(s * NDR, NDR)])
        pltpu.sync_copy(dst_hbm.at[wid], dstv)
        plsc.subcore_barrier()

        def step(j, carry):
            pltpu.sync_copy(ones_v, dacc.at[dstv.at[j]], add=True)
            return carry

        lax.fori_loop(0, NBLK, step, 0)
        plsc.subcore_barrier()
        pltpu.sync_copy(dacc.at[pl.ds(s * NDR, NDR)],
                        outp.at[c, pl.ds(s * NDR, NDR)])

    return k(dst3)



def _sc_scatter_rows(tab, src3, dst3):

    @functools.partial(
        pl.kernel,
        mesh=_sc_mesh(),
        out_type=[jax.ShapeDtypeStruct((N, H), jnp.bfloat16),
                  jax.ShapeDtypeStruct((N, H), jnp.bfloat16)],
        scratch_types=[
            pltpu.VMEM((NBLK, BLK), jnp.int32),
            pltpu.VMEM((NBLK, BLK), jnp.int32),
            [pltpu.VMEM((BLK, H), jnp.bfloat16) for _ in range(NBUF)],
            pltpu.VMEM_SHARED((N_ACC, H), jnp.bfloat16),
            pltpu.VMEM_SHARED((N, H), jnp.bfloat16),
            [pltpu.SemaphoreType.DMA for _ in range(NBUF)],
            [pltpu.SemaphoreType.DMA for _ in range(NBUF)],
        ],
        compiler_params=pltpu.CompilerParams(use_tc_tiling_on_sc=False),
    )
    def k(tab_hbm, src_hbm, dst_hbm, out0, out1, srcv, dstv, rows,
          acc, tabs, sems, ssems):
        c = lax.axis_index("c")
        s = lax.axis_index("s")
        wid = s * NC + c
        zero32 = jnp.zeros((32,), jnp.bfloat16)

        pltpu.sync_copy(tab_hbm.at[pl.ds(s * TPT, TPT)],
                        tabs.at[pl.ds(s * TPT, TPT)])

        def zr_body(r, carry):
            for cc in range(H // 32):
                rows[0][r, pl.ds(cc * 32, 32)] = zero32
            return carry

        lax.fori_loop(0, BLK, zr_body, 0)
        for kk in range(ZPT // BLK):
            pltpu.sync_copy(rows[0], acc.at[pl.ds(s * ZPT + kk * BLK, BLK)])
        pltpu.sync_copy(src_hbm.at[wid], srcv)
        pltpu.sync_copy(dst_hbm.at[wid], dstv)
        plsc.subcore_barrier()

        for b in range(NBUF):
            pltpu.async_copy(tabs.at[srcv.at[b]], rows[b], sems[b])

        def outer(g, carry):
            for b in range(NBUF):
                j = g * NBUF + b
                pltpu.make_async_copy(tabs.at[srcv.at[j]],
                                      rows[b], sems[b]).wait()
                pltpu.async_copy(rows[b], acc.at[dstv.at[j]], ssems[b],
                                 add=True)

                @pl.when(j + NBUF < NBLK)
                def _():
                    pltpu.make_async_copy(rows[b], acc.at[dstv.at[j]],
                                          ssems[b]).wait()
                    pltpu.async_copy(tabs.at[srcv.at[j + NBUF]],
                                     rows[b], sems[b])
            return carry

        lax.fori_loop(0, NBLK // NBUF, outer, 0)
        for b in range(NBUF):
            j = NBLK - NBUF + b
            pltpu.make_async_copy(rows[b], acc.at[dstv.at[j]],
                                  ssems[b]).wait()
        plsc.subcore_barrier()

        @pl.when(c == 0)
        def _():
            pltpu.sync_copy(acc.at[pl.ds(s * DPT, DPT)],
                            out0.at[pl.ds(s * DPT, DPT)])

        @pl.when(c == 1)
        def _():
            pltpu.sync_copy(acc.at[pl.ds(s * DPT, DPT)],
                            out1.at[pl.ds(s * DPT, DPT)])

    return k(tab, src3, dst3)



def _tc1_body(x_ref, w1_ref, degp_ref, g1s_ref, dinv_ref):
    deg = degp_ref[:, 0:1] + degp_ref[:, 1:2] + 1.0
    dinv = lax.rsqrt(deg)
    g1 = jnp.dot(x_ref[...], w1_ref[...], preferred_element_type=jnp.float32)
    g1s_ref[...] = (g1 * dinv).astype(jnp.bfloat16)
    dinv_ref[...] = dinv


def _tc1(x, W1, degp):
    return pl.pallas_call(
        _tc1_body,
        grid=(GRID,),
        in_specs=[
            pl.BlockSpec((RB, D_IN), lambda i: (i, 0)),
            pl.BlockSpec((D_IN, H), lambda i: (0, 0)),
            pl.BlockSpec((RB, NC), lambda i: (i, 0)),
        ],
        out_specs=[
            pl.BlockSpec((RB, H), lambda i: (i, 0)),
            pl.BlockSpec((RB, 1), lambda i: (i, 0)),
        ],
        out_shape=[
            jax.ShapeDtypeStruct((N, H), jnp.bfloat16),
            jax.ShapeDtypeStruct((N, 1), jnp.float32),
        ],
    )(x, W1, degp)


def _tc2_body(a0_ref, a1_ref, gs_ref, dinv_ref, b_ref, w_ref, out_ref):
    s = (a0_ref[...].astype(jnp.float32) + a1_ref[...].astype(jnp.float32))
    gs = gs_ref[...].astype(jnp.float32)
    dinv = dinv_ref[...]
    h = jnp.maximum(dinv * s + gs * dinv + b_ref[...], 0.0)
    g = jnp.dot(h, w_ref[...], preferred_element_type=jnp.float32)
    out_ref[...] = (g * dinv).astype(jnp.bfloat16)


def _tc2(a0, a1, gs, dinv, b, W):
    return pl.pallas_call(
        _tc2_body,
        grid=(GRID,),
        in_specs=[
            pl.BlockSpec((RB, H), lambda i: (i, 0)),
            pl.BlockSpec((RB, H), lambda i: (i, 0)),
            pl.BlockSpec((RB, H), lambda i: (i, 0)),
            pl.BlockSpec((RB, 1), lambda i: (i, 0)),
            pl.BlockSpec((1, H), lambda i: (0, 0)),
            pl.BlockSpec((H, H), lambda i: (0, 0)),
        ],
        out_specs=pl.BlockSpec((RB, H), lambda i: (i, 0)),
        out_shape=jax.ShapeDtypeStruct((N, H), jnp.bfloat16),
    )(a0, a1, gs, dinv, b, W)


def _tc3_body(a0_ref, a1_ref, gs_ref, dinv_ref, b2_ref, wr_ref, wz_ref,
              wn_ref, bih_ref, bhh_ref, wp_ref, bp_ref, out_ref, hnew_ref):
    s = (a0_ref[...].astype(jnp.float32) + a1_ref[...].astype(jnp.float32))
    gs = gs_ref[...].astype(jnp.float32)
    dinv = dinv_ref[...]
    h2 = jnp.maximum(dinv * s + gs * dinv + b2_ref[...], 0.0)
    gr = jnp.dot(h2, wr_ref[...], preferred_element_type=jnp.float32)
    gz = jnp.dot(h2, wz_ref[...], preferred_element_type=jnp.float32)
    gn = jnp.dot(h2, wn_ref[...], preferred_element_type=jnp.float32)
    bih = bih_ref[...]
    bhh = bhh_ref[...]
    r = jax.nn.sigmoid(gr + bih[0:1, :] + bhh[0:1, :])
    z = jax.nn.sigmoid(gz + bih[1:2, :] + bhh[1:2, :])
    n = jnp.tanh(gn + bih[2:3, :] + r * bhh[2:3, :])
    hnew = (1.0 - z) * n
    hnew_ref[0] = hnew
    out_ref[...] = (jnp.dot(hnew, wp_ref[...],
                            preferred_element_type=jnp.float32) + bp_ref[...])


def _tc3(a0, a1, gs, dinv, b2, WrT, WzT, WnT, bih3, bhh3, Wp, bp):
    return pl.pallas_call(
        _tc3_body,
        grid=(GRID,),
        in_specs=[
            pl.BlockSpec((RB, H), lambda i: (i, 0)),
            pl.BlockSpec((RB, H), lambda i: (i, 0)),
            pl.BlockSpec((RB, H), lambda i: (i, 0)),
            pl.BlockSpec((RB, 1), lambda i: (i, 0)),
            pl.BlockSpec((1, H), lambda i: (0, 0)),
            pl.BlockSpec((H, H), lambda i: (0, 0)),
            pl.BlockSpec((H, H), lambda i: (0, 0)),
            pl.BlockSpec((H, H), lambda i: (0, 0)),
            pl.BlockSpec((3, H), lambda i: (0, 0)),
            pl.BlockSpec((3, H), lambda i: (0, 0)),
            pl.BlockSpec((H, H), lambda i: (0, 0)),
            pl.BlockSpec((1, H), lambda i: (0, 0)),
        ],
        out_specs=[
            pl.BlockSpec((RB, H), lambda i: (i, 0)),
            pl.BlockSpec((1, RB, H), lambda i: (0, i, 0)),
        ],
        out_shape=[
            jax.ShapeDtypeStruct((N, H), jnp.float32),
            jax.ShapeDtypeStruct((1, N, H), jnp.float32),
        ],
    )(a0, a1, gs, dinv, b2, WrT, WzT, WnT, bih3, bhh3, Wp, bp)



def kernel(x, edge_index, W1, b1, W2, b2, W_ih, W_hh, b_ih, b_hh, Wp, bp):
    pad = E_PAD - E
    src3 = jnp.concatenate(
        [edge_index[0], jnp.zeros((pad,), jnp.int32)]).reshape(NW, NBLK, BLK)
    dst3 = jnp.concatenate(
        [edge_index[1],
         jnp.full((pad,), DUMMY, jnp.int32)]).reshape(NW, NBLK, BLK)

    degp = _sc_degree(dst3)
    degp_t = degp.T[:N]

    g1s, dinv = _tc1(x, W1, degp_t)
    a10, a11 = _sc_scatter_rows(g1s, src3, dst3)
    g2s = _tc2(a10, a11, g1s, dinv, b1.reshape(1, H), W2)
    a20, a21 = _sc_scatter_rows(g2s, src3, dst3)

    WihT = W_ih.T
    out, hidden = _tc3(
        a20, a21, g2s, dinv, b2.reshape(1, H),
        WihT[:, 0:H], WihT[:, H:2 * H], WihT[:, 2 * H:3 * H],
        b_ih.reshape(3, H), b_hh.reshape(3, H), Wp, bp.reshape(1, H))
    return (out, hidden)

# --- scband reference (transcript-rebuilt; emitter-appended) ---
"""Pipeline reference for scband-dynamic-gemmodel-46858093199626 (READ-ONLY COPY).

The authoritative reference and input builder live on the scoring server;
editing this copy changes nothing except your own understanding.
"""

import jax, jax.numpy as jnp
import numpy as np

N = 10000
E = 320000
D_IN = 128
H = 64
D_TGT = 64


def setup_inputs(seed: int = 0) -> dict:
    key = jax.random.key(seed)
    ks = jax.random.split(key, 12)
    x = jax.random.normal(ks[0], (N, D_IN), dtype=jnp.float32)
    edge_index = jax.random.randint(ks[1], (2, E), 0, N, dtype=jnp.int32)
    W1 = jax.random.normal(ks[2], (D_IN, H), dtype=jnp.float32) / np.sqrt(D_IN)
    b1 = jnp.zeros((H,), dtype=jnp.float32)
    W2 = jax.random.normal(ks[3], (H, H), dtype=jnp.float32) / np.sqrt(H)
    b2 = jnp.zeros((H,), dtype=jnp.float32)
    W_ih = jax.random.normal(ks[4], (3 * H, H), dtype=jnp.float32) / np.sqrt(H)
    W_hh = jax.random.normal(ks[5], (3 * H, H), dtype=jnp.float32) / np.sqrt(H)
    b_ih = jnp.zeros((3 * H,), dtype=jnp.float32)
    b_hh = jnp.zeros((3 * H,), dtype=jnp.float32)
    Wp = jax.random.normal(ks[6], (H, D_TGT), dtype=jnp.float32) / np.sqrt(H)
    bp = jnp.zeros((D_TGT,), dtype=jnp.float32)
    return {"x": x, "edge_index": edge_index, "W1": W1, "b1": b1, "W2": W2, "b2": b2,
            "W_ih": W_ih, "W_hh": W_hh, "b_ih": b_ih, "b_hh": b_hh, "Wp": Wp, "bp": bp}


def gcn_conv(x, edge_index, W, b):
    src = edge_index[0]
    dst = edge_index[1]
    loop = jnp.arange(N, dtype=src.dtype)
    src = jnp.concatenate([src, loop])
    dst = jnp.concatenate([dst, loop])
    deg = jnp.zeros((N,), dtype=x.dtype).at[dst].add(1.0)
    dinv = jnp.where(deg > 0, 1.0 / jnp.sqrt(deg), 0.0)
    norm = dinv[src] * dinv[dst]
    h = x @ W
    msg = h[src] * norm[:, None]
    out = jnp.zeros((N, W.shape[1]), dtype=x.dtype).at[dst].add(msg)
    return out + b


def gru_step(x, h, W_ih, W_hh, b_ih, b_hh):
    gi = x @ W_ih.T + b_ih
    gh = h @ W_hh.T + b_hh
    i_r, i_z, i_n = jnp.split(gi, 3, axis=-1)
    h_r, h_z, h_n = jnp.split(gh, 3, axis=-1)
    r = jax.nn.sigmoid(i_r + h_r)
    z = jax.nn.sigmoid(i_z + h_z)
    n = jnp.tanh(i_n + r * h_n)
    return (1.0 - z) * n + z * h


def reference(x, edge_index, W1, b1, W2, b2, W_ih, W_hh, b_ih, b_hh, Wp, bp):
    h = jax.nn.relu(gcn_conv(x, edge_index, W1, b1))
    h = jax.nn.relu(gcn_conv(h, edge_index, W2, b2))
    prev = jnp.zeros((N, H), dtype=h.dtype)
    hnew = gru_step(h, prev, W_ih, W_hh, b_ih, b_hh)
    out = hnew @ Wp + bp
    hidden = hnew[None, :, :]
    return (out, hidden)

if __name__ == "__main__":
    import jax
    _d = setup_inputs()
    print(jax.jit(kernel)(*tuple(_d.values())))

</pallas_src>

<mosaic_0001>
#map = affine_map<(d0, d1) -> (0, 0, 0)>
#map1 = affine_map<(d0, d1) -> (0, 0)>
module attributes {stable_mosaic.version = 14 : i64} {
  func.func @k(%arg0: i32, %arg1: i32, %arg2: memref<32x80x128xi32, #tpu.memory_space<hbm>>, %arg3: memref<2x10240xf32, #tpu.memory_space<hbm>>, %arg4: memref<80x128xi32, #tpu.memory_space<vmem>>, %arg5: memref<128xf32, #tpu.memory_space<vmem>>, %arg6: memref<640xf32, #tpu.memory_space<vmem>>, %arg7: memref<10240xf32, #tpu.memory_space<vmem_shared>>) attributes {dimension_semantics = [#tpu.dimension_semantics<core_parallel>, #tpu.dimension_semantics<subcore_parallel>], iteration_bounds = array<i64: 2, 16>, scalar_prefetch = 0 : i64, scratch_operands = 4 : i64, tpu.core_type = #tpu.core_type<sc_vector_subcore>, window_params = [{transform_indices = #map}, {transform_indices = #map1}]} {
    %mul3A = arith.constant 2 : i32
    %mul3A_0 = arith.muli %arg1, %mul3A : i32
    %add3A = arith.addi %mul3A_0, %arg0 : i32
    %broadcast_in_dim3A = arith.constant 1.000000e+00 : f32
    %broadcast_in_dim3A_1 = vector.broadcast %broadcast_in_dim3A : f32 to vector<16xf32>
    %broadcast_in_dim3A_2 = arith.constant 0.000000e+00 : f32
    %broadcast_in_dim3A_3 = vector.broadcast %broadcast_in_dim3A_2 : f32 to vector<16xf32>
    %swap3A = arith.constant 0 : index
    %swap3A_4 = tpu.vector_load %arg5[%swap3A] {strides = array<i32>} : memref<128xf32, #tpu.memory_space<vmem>>, vector<16xf32>,
    %swap3A_5 = vector.shape_cast %swap3A_4 : vector<16xf32> to vector<16xf32>
    %swap3A_6 = vector.shape_cast %broadcast_in_dim3A_1 : vector<16xf32> to vector<16xf32>
    tpu.vector_store %arg5[%swap3A], %swap3A_6 {strides = array<i32>} : memref<128xf32, #tpu.memory_space<vmem>>, vector<16xf32>,
    %swap3A_7 = arith.constant 16 : index
    %swap3A_8 = tpu.vector_load %arg5[%swap3A_7] {strides = array<i32>} : memref<128xf32, #tpu.memory_space<vmem>>, vector<16xf32>,
    %swap3A_9 = vector.shape_cast %swap3A_8 : vector<16xf32> to vector<16xf32>
    %swap3A_10 = vector.shape_cast %broadcast_in_dim3A_1 : vector<16xf32> to vector<16xf32>
    tpu.vector_store %arg5[%swap3A_7], %swap3A_10 {strides = array<i32>} : memref<128xf32, #tpu.memory_space<vmem>>, vector<16xf32>,
    %swap3A_11 = arith.constant 32 : index
    %swap3A_12 = tpu.vector_load %arg5[%swap3A_11] {strides = array<i32>} : memref<128xf32, #tpu.memory_space<vmem>>, vector<16xf32>,
    %swap3A_13 = vector.shape_cast %swap3A_12 : vector<16xf32> to vector<16xf32>
    %swap3A_14 = vector.shape_cast %broadcast_in_dim3A_1 : vector<16xf32> to vector<16xf32>
    tpu.vector_store %arg5[%swap3A_11], %swap3A_14 {strides = array<i32>} : memref<128xf32, #tpu.memory_space<vmem>>, vector<16xf32>,
    %swap3A_15 = arith.constant 48 : index
    %swap3A_16 = tpu.vector_load %arg5[%swap3A_15] {strides = array<i32>} : memref<128xf32, #tpu.memory_space<vmem>>, vector<16xf32>,
    %swap3A_17 = vector.shape_cast %swap3A_16 : vector<16xf32> to vector<16xf32>
    %swap3A_18 = vector.shape_cast %broadcast_in_dim3A_1 : vector<16xf32> to vector<16xf32>
    tpu.vector_store %arg5[%swap3A_15], %swap3A_18 {strides = array<i32>} : memref<128xf32, #tpu.memory_space<vmem>>, vector<16xf32>,
    %swap3A_19 = arith.constant 64 : index
    %swap3A_20 = tpu.vector_load %arg5[%swap3A_19] {strides = array<i32>} : memref<128xf32, #tpu.memory_space<vmem>>, vector<16xf32>,
    %swap3A_21 = vector.shape_cast %swap3A_20 : vector<16xf32> to vector<16xf32>
    %swap3A_22 = vector.shape_cast %broadcast_in_dim3A_1 : vector<16xf32> to vector<16xf32>
    tpu.vector_store %arg5[%swap3A_19], %swap3A_22 {strides = array<i32>} : memref<128xf32, #tpu.memory_space<vmem>>, vector<16xf32>,
    %swap3A_23 = arith.constant 80 : index
    %swap3A_24 = tpu.vector_load %arg5[%swap3A_23] {strides = array<i32>} : memref<128xf32, #tpu.memory_space<vmem>>, vector<16xf32>,
    %swap3A_25 = vector.shape_cast %swap3A_24 : vector<16xf32> to vector<16xf32>
    %swap3A_26 = vector.shape_cast %broadcast_in_dim3A_1 : vector<16xf32> to vector<16xf32>
    tpu.vector_store %arg5[%swap3A_23], %swap3A_26 {strides = array<i32>} : memref<128xf32, #tpu.memory_space<vmem>>, vector<16xf32>,
    %swap3A_27 = arith.constant 96 : index
    %swap3A_28 = tpu.vector_load %arg5[%swap3A_27] {strides = array<i32>} : memref<128xf32, #tpu.memory_space<vmem>>, vector<16xf32>,
    %swap3A_29 = vector.shape_cast %swap3A_28 : vector<16xf32> to vector<16xf32>
    %swap3A_30 = vector.shape_cast %broadcast_in_dim3A_1 : vector<16xf32> to vector<16xf32>
    tpu.vector_store %arg5[%swap3A_27], %swap3A_30 {strides = array<i32>} : memref<128xf32, #tpu.memory_space<vmem>>, vector<16xf32>,
    %swap3A_31 = arith.constant 112 : index
    %swap3A_32 = tpu.vector_load %arg5[%swap3A_31] {strides = array<i32>} : memref<128xf32, #tpu.memory_space<vmem>>, vector<16xf32>,
    %swap3A_33 = vector.shape_cast %swap3A_32 : vector<16xf32> to vector<16xf32>
    %swap3A_34 = vector.shape_cast %broadcast_in_dim3A_1 : vector<16xf32> to vector<16xf32>
    tpu.vector_store %arg5[%swap3A_31], %swap3A_34 {strides = array<i32>} : memref<128xf32, #tpu.memory_space<vmem>>, vector<16xf32>,
    %scan3A = arith.constant 0 : i32
    %scan3A_35 = arith.constant 0 : i32
    %scan3A_36 = arith.constant 40 : i32
    %scan3A_37 = arith.addi %scan3A_35, %scan3A_36 : i32
    %scan3A_38 = arith.constant 1 : i32
    scf.for %scan3A_53 = %scan3A_35 to %scan3A_37 step %scan3A_38  : i32 {
      %mul3A_54 = arith.constant 16 : i32
      %mul3A_55 = arith.muli %scan3A_53, %mul3A_54 : i32
      %swap3A_56 = arith.index_cast %mul3A_55 : i32 to index
      %swap3A_57 = tpu.vector_load %arg6[%swap3A_56] {strides = array<i32>} : memref<640xf32, #tpu.memory_space<vmem>>, vector<16xf32>,
      %swap3A_58 = vector.shape_cast %swap3A_57 : vector<16xf32> to vector<16xf32>
      %swap3A_59 = vector.shape_cast %broadcast_in_dim3A_3 : vector<16xf32> to vector<16xf32>
      tpu.vector_store %arg6[%swap3A_56], %swap3A_59 {strides = array<i32>} : memref<640xf32, #tpu.memory_space<vmem>>, vector<16xf32>,
    }
    %scan3A_39 = arith.constant 40 : i32
    %mul3A_40 = arith.constant 640 : i32
    %mul3A_41 = arith.muli %arg1, %mul3A_40 : i32
    "tpu.region"() ({
      %run_scoped3A = tpu.sem_alloc : memref<!tpu.dma_semaphore, #tpu.memory_space<semaphore_mem>>
      %dma_start3A = tpu.memref_slice %arg7[%mul3A_41] : memref<10240xf32, #tpu.memory_space<vmem_shared>> -> memref<640xf32, #tpu.memory_space<vmem_shared>>
      %dma_start3A_53 = tpu.memref_slice %arg7[%mul3A_41] : memref<10240xf32, #tpu.memory_space<vmem_shared>> -> memref<640xf32, #tpu.memory_space<vmem_shared>>
      tpu.enqueue_dma source(%arg6 : memref<640xf32, #tpu.memory_space<vmem>>) target(%dma_start3A_53 : memref<640xf32, #tpu.memory_space<vmem_shared>>) target_semaphore(%run_scoped3A : memref<!tpu.dma_semaphore, #tpu.memory_space<semaphore_mem>>)
      %dma_wait3A = tpu.memref_slice %arg7[%mul3A_41] : memref<10240xf32, #tpu.memory_space<vmem_shared>> -> memref<640xf32, #tpu.memory_space<vmem_shared>>
      %dma_wait3A_54 = tpu.memref_slice %arg7[%mul3A_41] : memref<10240xf32, #tpu.memory_space<vmem_shared>> -> memref<640xf32, #tpu.memory_space<vmem_shared>>
      tpu.wait_dma2 semaphore(%run_scoped3A : memref<!tpu.dma_semaphore, #tpu.memory_space<semaphore_mem>>) src(%arg6 : memref<640xf32, #tpu.memory_space<vmem>>) dst(%dma_wait3A_54 : memref<640xf32, #tpu.memory_space<vmem_shared>>)
      tpu.yield
    }) : () -> ()
    "tpu.region"() ({
      %run_scoped3A = tpu.sem_alloc : memref<!tpu.dma_semaphore, #tpu.memory_space<semaphore_mem>>
      %dma_start3A = arith.constant 0 : i32
      %dma_start3A_53 = arith.constant 0 : i32
      %dma_start3A_54 = tpu.memref_slice %arg2[%add3A, %dma_start3A, %dma_start3A_53] : memref<32x80x128xi32, #tpu.memory_space<hbm>> -> memref<1x80x128xi32, #tpu.memory_space<hbm>>
      %dma_start3A_55 = tpu.memref_squeeze %dma_start3A_54 : memref<1x80x128xi32, #tpu.memory_space<hbm>> -> memref<80x128xi32, #tpu.memory_space<hbm>>
      %dma_start3A_56 = arith.constant 0 : i32
      %dma_start3A_57 = arith.constant 0 : i32
      %dma_start3A_58 = tpu.memref_slice %arg2[%add3A, %dma_start3A_56, %dma_start3A_57] : memref<32x80x128xi32, #tpu.memory_space<hbm>> -> memref<1x80x128xi32, #tpu.memory_space<hbm>>
      %dma_start3A_59 = tpu.memref_squeeze %dma_start3A_58 : memref<1x80x128xi32, #tpu.memory_space<hbm>> -> memref<80x128xi32, #tpu.memory_space<hbm>>
      tpu.enqueue_dma source(%dma_start3A_59 : memref<80x128xi32, #tpu.memory_space<hbm>>) target(%arg4 : memref<80x128xi32, #tpu.memory_space<vmem>>) target_semaphore(%run_scoped3A : memref<!tpu.dma_semaphore, #tpu.memory_space<semaphore_mem>>)
      %dma_wait3A = arith.constant 0 : i32
      %dma_wait3A_60 = arith.constant 0 : i32
      %dma_wait3A_61 = tpu.memref_slice %arg2[%add3A, %dma_wait3A, %dma_wait3A_60] : memref<32x80x128xi32, #tpu.memory_space<hbm>> -> memref<1x80x128xi32, #tpu.memory_space<hbm>>
      %dma_wait3A_62 = tpu.memref_squeeze %dma_wait3A_61 : memref<1x80x128xi32, #tpu.memory_space<hbm>> -> memref<80x128xi32, #tpu.memory_space<hbm>>
      %dma_wait3A_63 = arith.constant 0 : i32
      %dma_wait3A_64 = arith.constant 0 : i32
      %dma_wait3A_65 = tpu.memref_slice %arg2[%add3A, %dma_wait3A_63, %dma_wait3A_64] : memref<32x80x128xi32, #tpu.memory_space<hbm>> -> memref<1x80x128xi32, #tpu.memory_space<hbm>>
      %dma_wait3A_66 = tpu.memref_squeeze %dma_wait3A_65 : memref<1x80x128xi32, #tpu.memory_space<hbm>> -> memref<80x128xi32, #tpu.memory_space<hbm>>
      tpu.wait_dma2 semaphore(%run_scoped3A : memref<!tpu.dma_semaphore, #tpu.memory_space<semaphore_mem>>) src(%dma_wait3A_66 : memref<80x128xi32, #tpu.memory_space<hbm>>) dst(%arg4 : memref<80x128xi32, #tpu.memory_space<vmem>>)
      tpu.yield
    }) : () -> ()
    %barrier3A = arith.constant 0 : index
    tpu.barrier barrier_id(%barrier3A)
    %scan3A_42 = arith.constant 0 : i32
    %scan3A_43 = arith.constant 0 : i32
    %scan3A_44 = arith.constant 80 : i32
    %scan3A_45 = arith.addi %scan3A_43, %scan3A_44 : i32
    %scan3A_46 = arith.constant 1 : i32
    scf.for %scan3A_53 = %scan3A_43 to %scan3A_45 step %scan3A_46  : i32 {
      "tpu.region"() ({
        %run_scoped3A = tpu.sem_alloc : memref<!tpu.dma_semaphore, #tpu.memory_space<semaphore_mem>>
        %dma_start3A = arith.constant 0 : i32
        %dma_start3A_54 = tpu.memref_slice %arg4[%scan3A_53, %dma_start3A] : memref<80x128xi32, #tpu.memory_space<vmem>> -> memref<1x128xi32, #tpu.memory_space<vmem>>
        %dma_start3A_55 = tpu.memref_squeeze %dma_start3A_54 : memref<1x128xi32, #tpu.memory_space<vmem>> -> memref<128xi32, #tpu.memory_space<vmem>>
        %dma_start3A_56 = arith.constant 0 : i32
        %dma_start3A_57 = tpu.memref_slice %arg7[%dma_start3A_56] : memref<10240xf32, #tpu.memory_space<vmem_shared>> -> memref<10240xf32, #tpu.memory_space<vmem_shared>>
        tpu.enqueue_indirect_dma source(%arg5 : memref<128xf32, #tpu.memory_space<vmem>>) target(%dma_start3A_57 : memref<10240xf32, #tpu.memory_space<vmem_shared>>) offsets(%dma_start3A_55 : memref<128xi32, #tpu.memory_space<vmem>>) semaphore(%run_scoped3A : memref<!tpu.dma_semaphore, #tpu.memory_space<semaphore_mem>>) {add = true}
        %dma_wait3A = arith.constant 0 : i32
        %dma_wait3A_58 = tpu.memref_slice %arg4[%scan3A_53, %dma_wait3A] : memref<80x128xi32, #tpu.memory_space<vmem>> -> memref<1x128xi32, #tpu.memory_space<vmem>>
        %dma_wait3A_59 = tpu.memref_squeeze %dma_wait3A_58 : memref<1x128xi32, #tpu.memory_space<vmem>> -> memref<128xi32, #tpu.memory_space<vmem>>
        %dma_wait3A_60 = arith.constant 0 : i32
        %dma_wait3A_61 = tpu.memref_slice %arg7[%dma_wait3A_60] : memref<10240xf32, #tpu.memory_space<vmem_shared>> -> memref<10240xf32, #tpu.memory_space<vmem_shared>>
        tpu.wait_indirect_dma semaphore(%run_scoped3A : memref<!tpu.dma_semaphore, #tpu.memory_space<semaphore_mem>>) src(%arg5 : memref<128xf32, #tpu.memory_space<vmem>>) dst(%dma_wait3A_61 : memref<10240xf32, #tpu.memory_space<vmem_shared>>)
        tpu.yield
      }) : () -> ()
    }
    %scan3A_47 = arith.constant 80 : i32
    %barrier3A_48 = arith.constant 0 : index
    tpu.barrier barrier_id(%barrier3A_48)
    %mul3A_49 = arith.constant 640 : i32
    %mul3A_50 = arith.muli %arg1, %mul3A_49 : i32
    %mul3A_51 = arith.constant 640 : i32
    %mul3A_52 = arith.muli %arg1, %mul3A_51 : i32
    "tpu.region"() ({
      %run_scoped3A = tpu.sem_alloc : memref<!tpu.dma_semaphore, #tpu.memory_space<semaphore_mem>>
      %dma_start3A = tpu.memref_slice %arg3[%arg0, %mul3A_52] : memref<2x10240xf32, #tpu.memory_space<hbm>> -> memref<1x640xf32, #tpu.memory_space<hbm>>
      %dma_start3A_53 = tpu.memref_squeeze %dma_start3A : memref<1x640xf32, #tpu.memory_space<hbm>> -> memref<640xf32, #tpu.memory_space<hbm>>
      %dma_start3A_54 = tpu.memref_slice %arg7[%mul3A_50] : memref<10240xf32, #tpu.memory_space<vmem_shared>> -> memref<640xf32, #tpu.memory_space<vmem_shared>>
      tpu.enqueue_dma source(%dma_start3A_54 : memref<640xf32, #tpu.memory_space<vmem_shared>>) target(%dma_start3A_53 : memref<640xf32, #tpu.memory_space<hbm>>) target_semaphore(%run_scoped3A : memref<!tpu.dma_semaphore, #tpu.memory_space<semaphore_mem>>)
      %dma_wait3A = tpu.memref_slice %arg3[%arg0, %mul3A_52] : memref<2x10240xf32, #tpu.memory_space<hbm>> -> memref<1x640xf32, #tpu.memory_space<hbm>>
      %dma_wait3A_55 = tpu.memref_squeeze %dma_wait3A : memref<1x640xf32, #tpu.memory_space<hbm>> -> memref<640xf32, #tpu.memory_space<hbm>>
      %dma_wait3A_56 = tpu.memref_slice %arg7[%mul3A_50] : memref<10240xf32, #tpu.memory_space<vmem_shared>> -> memref<640xf32, #tpu.memory_space<vmem_shared>>
      tpu.wait_dma2 semaphore(%run_scoped3A : memref<!tpu.dma_semaphore, #tpu.memory_space<semaphore_mem>>) src(%dma_wait3A_56 : memref<640xf32, #tpu.memory_space<vmem_shared>>) dst(%dma_wait3A_55 : memref<640xf32, #tpu.memory_space<hbm>>)
      tpu.yield
    }) : () -> ()
    return
  }
}

#map = affine_map<(d0, d1) -> (0, 0)>
#map1 = affine_map<(d0, d1) -> (0, 0, 0)>
module attributes {stable_mosaic.version = 14 : i64} {
  func.func @k(%arg0: i32, %arg1: i32, %arg2: memref<10000x64xbf16, #tpu.memory_space<hbm>>, %arg3: memref<32x80x128xi32, #tpu.memory_space<hbm>>, %arg4: memref<32x80x128xi32, #tpu.memory_space<hbm>>, %arg5: memref<10000x64xbf16, #tpu.memory_space<hbm>>, %arg6: memref<10000x64xbf16, #tpu.memory_space<hbm>>, %arg7: memref<80x128xi32, #tpu.memory_space<vmem>>, %arg8: memref<80x128xi32, #tpu.memory_space<vmem>>, %arg9: memref<128x64xbf16, #tpu.memory_space<vmem>>, %arg10: memref<128x64xbf16, #tpu.memory_space<vmem>>, %arg11: memref<128x64xbf16, #tpu.memory_space<vmem>>, %arg12: memref<128x64xbf16, #tpu.memory_space<vmem>>, %arg13: memref<10240x64xbf16, #tpu.memory_space<vmem_shared>>, %arg14: memref<10000x64xbf16, #tpu.memory_space<vmem_shared>>, %arg15: memref<!tpu.dma_semaphore, #tpu.memory_space<semaphore_mem>>, %arg16: memref<!tpu.dma_semaphore, #tpu.memory_space<semaphore_mem>>, %arg17: memref<!tpu.dma_semaphore, #tpu.memory_space<semaphore_mem>>, %arg18: memref<!tpu.dma_semaphore, #tpu.memory_space<semaphore_mem>>, %arg19: memref<!tpu.dma_semaphore, #tpu.memory_space<semaphore_mem>>, %arg20: memref<!tpu.dma_semaphore, #tpu.memory_space<semaphore_mem>>, %arg21: memref<!tpu.dma_semaphore, #tpu.memory_space<semaphore_mem>>, %arg22: memref<!tpu.dma_semaphore, #tpu.memory_space<semaphore_mem>>) attributes {dimension_semantics = [#tpu.dimension_semantics<core_parallel>, #tpu.dimension_semantics<subcore_parallel>], iteration_bounds = array<i64: 2, 16>, scalar_prefetch = 0 : i64, scratch_operands = 16 : i64, tpu.core_type = #tpu.core_type<sc_vector_subcore>, window_params = [{transform_indices = #map}, {transform_indices = #map1}, {transform_indices = #map1}, {transform_indices = #map}, {transform_indices = #map}]} {
    %mul3A = arith.constant 2 : i32
    %mul3A_0 = arith.muli %arg1, %mul3A : i32
    %add3A = arith.addi %mul3A_0, %arg0 : i32
    %broadcast_in_dim3A = arith.constant 0.000000e+00 : bf16
    %broadcast_in_dim3A_1 = vector.broadcast %broadcast_in_dim3A : bf16 to vector<32xbf16>
    %mul3A_2 = arith.constant 625 : i32
    %mul3A_3 = arith.muli %arg1, %mul3A_2 : i32
    %mul3A_4 = arith.constant 625 : i32
    %mul3A_5 = arith.muli %arg1, %mul3A_4 : i32
    "tpu.region"() ({
      %run_scoped3A = tpu.sem_alloc : memref<!tpu.dma_semaphore, #tpu.memory_space<semaphore_mem>>
      %dma_start3A_99 = arith.constant 0 : i32
      %dma_start3A_100 = tpu.memref_slice %arg14[%mul3A_5, %dma_start3A_99] : memref<10000x64xbf16, #tpu.memory_space<vmem_shared>> -> memref<625x64xbf16, #tpu.memory_space<vmem_shared>>
      %dma_start3A_101 = arith.constant 0 : i32
      %dma_start3A_102 = tpu.memref_slice %arg2[%mul3A_3, %dma_start3A_101] : memref<10000x64xbf16, #tpu.memory_space<hbm>> -> memref<625x64xbf16, #tpu.memory_space<hbm>>
      tpu.enqueue_dma source(%dma_start3A_102 : memref<625x64xbf16, #tpu.memory_space<hbm>>) target(%dma_start3A_100 : memref<625x64xbf16, #tpu.memory_space<vmem_shared>>) target_semaphore(%run_scoped3A : memref<!tpu.dma_semaphore, #tpu.memory_space<semaphore_mem>>)
      %dma_wait3A_103 = arith.constant 0 : i32
      %dma_wait3A_104 = tpu.memref_slice %arg14[%mul3A_5, %dma_wait3A_103] : memref<10000x64xbf16, #tpu.memory_space<vmem_shared>> -> memref<625x64xbf16, #tpu.memory_space<vmem_shared>>
      %dma_wait3A_105 = arith.constant 0 : i32
      %dma_wait3A_106 = tpu.memref_slice %arg2[%mul3A_3, %dma_wait3A_105] : memref<10000x64xbf16, #tpu.memory_space<hbm>> -> memref<625x64xbf16, #tpu.memory_space<hbm>>
      tpu.wait_dma2 semaphore(%run_scoped3A : memref<!tpu.dma_semaphore, #tpu.memory_space<semaphore_mem>>) src(%dma_wait3A_106 : memref<625x64xbf16, #tpu.memory_space<hbm>>) dst(%dma_wait3A_104 : memref<625x64xbf16, #tpu.memory_space<vmem_shared>>)
      tpu.yield
    }) : () -> ()
    %scan3A = arith.constant 0 : i32
    %scan3A_6 = arith.constant 0 : i32
    %scan3A_7 = arith.constant 128 : i32
    %scan3A_8 = arith.addi %scan3A_6, %scan3A_7 : i32
    %scan3A_9 = arith.constant 1 : i32
    scf.for %scan3A_99 = %scan3A_6 to %scan3A_8 step %scan3A_9  : i32 {
      %swap3A = arith.index_cast %scan3A_99 : i32 to index
      %swap3A_100 = arith.constant 0 : index
      %swap3A_101 = tpu.vector_load %arg9[%swap3A, %swap3A_100] {strides = array<i32>} : memref<128x64xbf16, #tpu.memory_space<vmem>>, vector<1x32xbf16>,
      %swap3A_102 = vector.shape_cast %swap3A_101 : vector<1x32xbf16> to vector<32xbf16>
      %swap3A_103 = vector.shape_cast %broadcast_in_dim3A_1 : vector<32xbf16> to vector<1x32xbf16>
      tpu.vector_store %arg9[%swap3A, %swap3A_100], %swap3A_103 {strides = array<i32>} : memref<128x64xbf16, #tpu.memory_space<vmem>>, vector<1x32xbf16>,
      %swap3A_104 = arith.index_cast %scan3A_99 : i32 to index
      %swap3A_105 = arith.constant 32 : index
      %swap3A_106 = tpu.vector_load %arg9[%swap3A_104, %swap3A_105] {strides = array<i32>} : memref<128x64xbf16, #tpu.memory_space<vmem>>, vector<1x32xbf16>,
      %swap3A_107 = vector.shape_cast %swap3A_106 : vector<1x32xbf16> to vector<32xbf16>
      %swap3A_108 = vector.shape_cast %broadcast_in_dim3A_1 : vector<32xbf16> to vector<1x32xbf16>
      tpu.vector_store %arg9[%swap3A_104, %swap3A_105], %swap3A_108 {strides = array<i32>} : memref<128x64xbf16, #tpu.memory_space<vmem>>, vector<1x32xbf16>,
    }
    %scan3A_10 = arith.constant 128 : i32
    %mul3A_11 = arith.constant 640 : i32
    %mul3A_12 = arith.muli %arg1, %mul3A_11 : i32
    %add3A_13 = arith.constant 0 : i32
    %add3A_14 = arith.addi %mul3A_12, %add3A_13 : i32
    "tpu.region"() ({
      %run_scoped3A = tpu.sem_alloc : memref<!tpu.dma_semaphore, #tpu.memory_space<semaphore_mem>>
      %dma_start3A_99 = arith.constant 0 : i32
      %dma_start3A_100 = tpu.memref_slice %arg13[%add3A_14, %dma_start3A_99] : memref<10240x64xbf16, #tpu.memory_space<vmem_shared>> -> memref<128x64xbf16, #tpu.memory_space<vmem_shared>>
      %dma_start3A_101 = arith.constant 0 : i32
      %dma_start3A_102 = tpu.memref_slice %arg13[%add3A_14, %dma_start3A_101] : memref<10240x64xbf16, #tpu.memory_space<vmem_shared>> -> memref<128x64xbf16, #tpu.memory_space<vmem_shared>>
      tpu.enqueue_dma source(%arg9 : memref<128x64xbf16, #tpu.memory_space<vmem>>) target(%dma_start3A_102 : memref<128x64xbf16, #tpu.memory_space<vmem_shared>>) target_semaphore(%run_scoped3A : memref<!tpu.dma_semaphore, #tpu.memory_space<semaphore_mem>>)
      %dma_wait3A_103 = arith.constant 0 : i32
      %dma_wait3A_104 = tpu.memref_slice %arg13[%add3A_14, %dma_wait3A_103] : memref<10240x64xbf16, #tpu.memory_space<vmem_shared>> -> memref<128x64xbf16, #tpu.memory_space<vmem_shared>>
      %dma_wait3A_105 = arith.constant 0 : i32
      %dma_wait3A_106 = tpu.memref_slice %arg13[%add3A_14, %dma_wait3A_105] : memref<10240x64xbf16, #tpu.memory_space<vmem_shared>> -> memref<128x64xbf16, #tpu.memory_space<vmem_shared>>
      tpu.wait_dma2 semaphore(%run_scoped3A : memref<!tpu.dma_semaphore, #tpu.memory_space<semaphore_mem>>) src(%arg9 : memref<128x64xbf16, #tpu.memory_space<vmem>>) dst(%dma_wait3A_106 : memref<128x64xbf16, #tpu.memory_space<vmem_shared>>)
      tpu.yield
    }) : () -> ()
    %mul3A_15 = arith.constant 640 : i32
    %mul3A_16 = arith.muli %arg1, %mul3A_15 : i32
    %add3A_17 = arith.constant 128 : i32
    %add3A_18 = arith.addi %mul3A_16, %add3A_17 : i32
    "tpu.region"() ({
      %run_scoped3A = tpu.sem_alloc : memref<!tpu.dma_semaphore, #tpu.memory_space<semaphore_mem>>
      %dma_start3A_99 = arith.constant 0 : i32
      %dma_start3A_100 = tpu.memref_slice %arg13[%add3A_18, %dma_start3A_99] : memref<10240x64xbf16, #tpu.memory_space<vmem_shared>> -> memref<128x64xbf16, #tpu.memory_space<vmem_shared>>
      %dma_start3A_101 = arith.constant 0 : i32
      %dma_start3A_102 = tpu.memref_slice %arg13[%add3A_18, %dma_start3A_101] : memref<10240x64xbf16, #tpu.memory_space<vmem_shared>> -> memref<128x64xbf16, #tpu.memory_space<vmem_shared>>
      tpu.enqueue_dma source(%arg9 : memref<128x64xbf16, #tpu.memory_space<vmem>>) target(%dma_start3A_102 : memref<128x64xbf16, #tpu.memory_space<vmem_shared>>) target_semaphore(%run_scoped3A : memref<!tpu.dma_semaphore, #tpu.memory_space<semaphore_mem>>)
      %dma_wait3A_103 = arith.constant 0 : i32
      %dma_wait3A_104 = tpu.memref_slice %arg13[%add3A_18, %dma_wait3A_103] : memref<10240x64xbf16, #tpu.memory_space<vmem_shared>> -> memref<128x64xbf16, #tpu.memory_space<vmem_shared>>
      %dma_wait3A_105 = arith.constant 0 : i32
      %dma_wait3A_106 = tpu.memref_slice %arg13[%add3A_18, %dma_wait3A_105] : memref<10240x64xbf16, #tpu.memory_space<vmem_shared>> -> memref<128x64xbf16, #tpu.memory_space<vmem_shared>>
      tpu.wait_dma2 semaphore(%run_scoped3A : memref<!tpu.dma_semaphore, #tpu.memory_space<semaphore_mem>>) src(%arg9 : memref<128x64xbf16, #tpu.memory_space<vmem>>) dst(%dma_wait3A_106 : memref<128x64xbf16, #tpu.memory_space<vmem_shared>>)
      tpu.yield
    }) : () -> ()
    %mul3A_19 = arith.constant 640 : i32
    %mul3A_20 = arith.muli %arg1, %mul3A_19 : i32
    %add3A_21 = arith.constant 256 : i32
    %add3A_22 = arith.addi %mul3A_20, %add3A_21 : i32
    "tpu.region"() ({
      %run_scoped3A = tpu.sem_alloc : memref<!tpu.dma_semaphore, #tpu.memory_space<semaphore_mem>>
      %dma_start3A_99 = arith.constant 0 : i32
      %dma_start3A_100 = tpu.memref_slice %arg13[%add3A_22, %dma_start3A_99] : memref<10240x64xbf16, #tpu.memory_space<vmem_shared>> -> memref<128x64xbf16, #tpu.memory_space<vmem_shared>>
      %dma_start3A_101 = arith.constant 0 : i32
      %dma_start3A_102 = tpu.memref_slice %arg13[%add3A_22, %dma_start3A_101] : memref<10240x64xbf16, #tpu.memory_space<vmem_shared>> -> memref<128x64xbf16, #tpu.memory_space<vmem_shared>>
      tpu.enqueue_dma source(%arg9 : memref<128x64xbf16, #tpu.memory_space<vmem>>) target(%dma_start3A_102 : memref<128x64xbf16, #tpu.memory_space<vmem_shared>>) target_semaphore(%run_scoped3A : memref<!tpu.dma_semaphore, #tpu.memory_space<semaphore_mem>>)
      %dma_wait3A_103 = arith.constant 0 : i32
      %dma_wait3A_104 = tpu.memref_slice %arg13[%add3A_22, %dma_wait3A_103] : memref<10240x64xbf16, #tpu.memory_space<vmem_shared>> -> memref<128x64xbf16, #tpu.memory_space<vmem_shared>>
      %dma_wait3A_105 = arith.constant 0 : i32
      %dma_wait3A_106 = tpu.memref_slice %arg13[%add3A_22, %dma_wait3A_105] : memref<10240x64xbf16, #tpu.memory_space<vmem_shared>> -> memref<128x64xbf16, #tpu.memory_space<vmem_shared>>
      tpu.wait_dma2 semaphore(%run_scoped3A : memref<!tpu.dma_semaphore, #tpu.memory_space<semaphore_mem>>) src(%arg9 : memref<128x64xbf16, #tpu.memory_space<vmem>>) dst(%dma_wait3A_106 : memref<128x64xbf16, #tpu.memory_space<vmem_shared>>)
      tpu.yield
    }) : () -> ()
    %mul3A_23 = arith.constant 640 : i32
    %mul3A_24 = arith.muli %arg1, %mul3A_23 : i32
    %add3A_25 = arith.constant 384 : i32
    %add3A_26 = arith.addi %mul3A_24, %add3A_25 : i32
    "tpu.region"() ({
      %run_scoped3A = tpu.sem_alloc : memref<!tpu.dma_semaphore, #tpu.memory_space<semaphore_mem>>
      %dma_start3A_99 = arith.constant 0 : i32
      %dma_start3A_100 = tpu.memref_slice %arg13[%add3A_26, %dma_start3A_99] : memref<10240x64xbf16, #tpu.memory_space<vmem_shared>> -> memref<128x64xbf16, #tpu.memory_space<vmem_shared>>
      %dma_start3A_101 = arith.constant 0 : i32
      %dma_start3A_102 = tpu.memref_slice %arg13[%add3A_26, %dma_start3A_101] : memref<10240x64xbf16, #tpu.memory_space<vmem_shared>> -> memref<128x64xbf16, #tpu.memory_space<vmem_shared>>
      tpu.enqueue_dma source(%arg9 : memref<128x64xbf16, #tpu.memory_space<vmem>>) target(%dma_start3A_102 : memref<128x64xbf16, #tpu.memory_space<vmem_shared>>) target_semaphore(%run_scoped3A : memref<!tpu.dma_semaphore, #tpu.memory_space<semaphore_mem>>)
      %dma_wait3A_103 = arith.constant 0 : i32
      %dma_wait3A_104 = tpu.memref_slice %arg13[%add3A_26, %dma_wait3A_103] : memref<10240x64xbf16, #tpu.memory_space<vmem_shared>> -> memref<128x64xbf16, #tpu.memory_space<vmem_shared>>
      %dma_wait3A_105 = arith.constant 0 : i32
      %dma_wait3A_106 = tpu.memref_slice %arg13[%add3A_26, %dma_wait3A_105] : memref<10240x64xbf16, #tpu.memory_space<vmem_shared>> -> memref<128x64xbf16, #tpu.memory_space<vmem_shared>>
      tpu.wait_dma2 semaphore(%run_scoped3A : memref<!tpu.dma_semaphore, #tpu.memory_space<semaphore_mem>>) src(%arg9 : memref<128x64xbf16, #tpu.memory_space<vmem>>) dst(%dma_wait3A_106 : memref<128x64xbf16, #tpu.memory_space<vmem_shared>>)
      tpu.yield
    }) : () -> ()
    %mul3A_27 = arith.constant 640 : i32
    %mul3A_28 = arith.muli %arg1, %mul3A_27 : i32
    %add3A_29 = arith.constant 512 : i32
    %add3A_30 = arith.addi %mul3A_28, %add3A_29 : i32
    "tpu.region"() ({
      %run_scoped3A = tpu.sem_alloc : memref<!tpu.dma_semaphore, #tpu.memory_space<semaphore_mem>>
      %dma_start3A_99 = arith.constant 0 : i32
      %dma_start3A_100 = tpu.memref_slice %arg13[%add3A_30, %dma_start3A_99] : memref<10240x64xbf16, #tpu.memory_space<vmem_shared>> -> memref<128x64xbf16, #tpu.memory_space<vmem_shared>>
      %dma_start3A_101 = arith.constant 0 : i32
      %dma_start3A_102 = tpu.memref_slice %arg13[%add3A_30, %dma_start3A_101] : memref<10240x64xbf16, #tpu.memory_space<vmem_shared>> -> memref<128x64xbf16, #tpu.memory_space<vmem_shared>>
      tpu.enqueue_dma source(%arg9 : memref<128x64xbf16, #tpu.memory_space<vmem>>) target(%dma_start3A_102 : memref<128x64xbf16, #tpu.memory_space<vmem_shared>>) target_semaphore(%run_scoped3A : memref<!tpu.dma_semaphore, #tpu.memory_space<semaphore_mem>>)
      %dma_wait3A_103 = arith.constant 0 : i32
      %dma_wait3A_104 = tpu.memref_slice %arg13[%add3A_30, %dma_wait3A_103] : memref<10240x64xbf16, #tpu.memory_space<vmem_shared>> -> memref<128x64xbf16, #tpu.memory_space<vmem_shared>>
      %dma_wait3A_105 = arith.constant 0 : i32
      %dma_wait3A_106 = tpu.memref_slice %arg13[%add3A_30, %dma_wait3A_105] : memref<10240x64xbf16, #tpu.memory_space<vmem_shared>> -> memref<128x64xbf16, #tpu.memory_space<vmem_shared>>
      tpu.wait_dma2 semaphore(%run_scoped3A : memref<!tpu.dma_semaphore, #tpu.memory_space<semaphore_mem>>) src(%arg9 : memref<128x64xbf16, #tpu.memory_space<vmem>>) dst(%dma_wait3A_106 : memref<128x64xbf16, #tpu.memory_space<vmem_shared>>)
      tpu.yield
    }) : () -> ()
    "tpu.region"() ({
      %run_scoped3A = tpu.sem_alloc : memref<!tpu.dma_semaphore, #tpu.memory_space<semaphore_mem>>
      %dma_start3A_99 = arith.constant 0 : i32
      %dma_start3A_100 = arith.constant 0 : i32
      %dma_start3A_101 = tpu.memref_slice %arg3[%add3A, %dma_start3A_99, %dma_start3A_100] : memref<32x80x128xi32, #tpu.memory_space<hbm>> -> memref<1x80x128xi32, #tpu.memory_space<hbm>>
      %dma_start3A_102 = tpu.memref_squeeze %dma_start3A_101 : memref<1x80x128xi32, #tpu.memory_space<hbm>> -> memref<80x128xi32, #tpu.memory_space<hbm>>
      %dma_start3A_103 = arith.constant 0 : i32
      %dma_start3A_104 = arith.constant 0 : i32
      %dma_start3A_105 = tpu.memref_slice %arg3[%add3A, %dma_start3A_103, %dma_start3A_104] : memref<32x80x128xi32, #tpu.memory_space<hbm>> -> memref<1x80x128xi32, #tpu.memory_space<hbm>>
      %dma_start3A_106 = tpu.memref_squeeze %dma_start3A_105 : memref<1x80x128xi32, #tpu.memory_space<hbm>> -> memref<80x128xi32, #tpu.memory_space<hbm>>
      tpu.enqueue_dma source(%dma_start3A_106 : memref<80x128xi32, #tpu.memory_space<hbm>>) target(%arg7 : memref<80x128xi32, #tpu.memory_space<vmem>>) target_semaphore(%run_scoped3A : memref<!tpu.dma_semaphore, #tpu.memory_space<semaphore_mem>>)
      %dma_wait3A_107 = arith.constant 0 : i32
      %dma_wait3A_108 = arith.constant 0 : i32
      %dma_wait3A_109 = tpu.memref_slice %arg3[%add3A, %dma_wait3A_107, %dma_wait3A_108] : memref<32x80x128xi32, #tpu.memory_space<hbm>> -> memref<1x80x128xi32, #tpu.memory_space<hbm>>
      %dma_wait3A_110 = tpu.memref_squeeze %dma_wait3A_109 : memref<1x80x128xi32, #tpu.memory_space<hbm>> -> memref<80x128xi32, #tpu.memory_space<hbm>>
      %dma_wait3A_111 = arith.constant 0 : i32
      %dma_wait3A_112 = arith.constant 0 : i32
      %dma_wait3A_113 = tpu.memref_slice %arg3[%add3A, %dma_wait3A_111, %dma_wait3A_112] : memref<32x80x128xi32, #tpu.memory_space<hbm>> -> memref<1x80x128xi32, #tpu.memory_space<hbm>>
      %dma_wait3A_114 = tpu.memref_squeeze %dma_wait3A_113 : memref<1x80x128xi32, #tpu.memory_space<hbm>> -> memref<80x128xi32, #tpu.memory_space<hbm>>
      tpu.wait_dma2 semaphore(%run_scoped3A : memref<!tpu.dma_semaphore, #tpu.memory_space<semaphore_mem>>) src(%dma_wait3A_114 : memref<80x128xi32, #tpu.memory_space<hbm>>) dst(%arg7 : memref<80x128xi32, #tpu.memory_space<vmem>>)
      tpu.yield
    }) : () -> ()
    "tpu.region"() ({
      %run_scoped3A = tpu.sem_alloc : memref<!tpu.dma_semaphore, #tpu.memory_space<semaphore_mem>>
      %dma_start3A_99 = arith.constant 0 : i32
      %dma_start3A_100 = arith.constant 0 : i32
      %dma_start3A_101 = tpu.memref_slice %arg4[%add3A, %dma_start3A_99, %dma_start3A_100] : memref<32x80x128xi32, #tpu.memory_space<hbm>> -> memref<1x80x128xi32, #tpu.memory_space<hbm>>
      %dma_start3A_102 = tpu.memref_squeeze %dma_start3A_101 : memref<1x80x128xi32, #tpu.memory_space<hbm>> -> memref<80x128xi32, #tpu.memory_space<hbm>>
      %dma_start3A_103 = arith.constant 0 : i32
      %dma_start3A_104 = arith.constant 0 : i32
      %dma_start3A_105 = tpu.memref_slice %arg4[%add3A, %dma_start3A_103, %dma_start3A_104] : memref<32x80x128xi32, #tpu.memory_space<hbm>> -> memref<1x80x128xi32, #tpu.memory_space<hbm>>
      %dma_start3A_106 = tpu.memref_squeeze %dma_start3A_105 : memref<1x80x128xi32, #tpu.memory_space<hbm>> -> memref<80x128xi32, #tpu.memory_space<hbm>>
      tpu.enqueue_dma source(%dma_start3A_106 : memref<80x128xi32, #tpu.memory_space<hbm>>) target(%arg8 : memref<80x128xi32, #tpu.memory_space<vmem>>) target_semaphore(%run_scoped3A : memref<!tpu.dma_semaphore, #tpu.memory_space<semaphore_mem>>)
      %dma_wait3A_107 = arith.constant 0 : i32
      %dma_wait3A_108 = arith.constant 0 : i32
      %dma_wait3A_109 = tpu.memref_slice %arg4[%add3A, %dma_wait3A_107, %dma_wait3A_108] : memref<32x80x128xi32, #tpu.memory_space<hbm>> -> memref<1x80x128xi32, #tpu.memory_space<hbm>>
      %dma_wait3A_110 = tpu.memref_squeeze %dma_wait3A_109 : memref<1x80x128xi32, #tpu.memory_space<hbm>> -> memref<80x128xi32, #tpu.memory_space<hbm>>
      %dma_wait3A_111 = arith.constant 0 : i32
      %dma_wait3A_112 = arith.constant 0 : i32
      %dma_wait3A_113 = tpu.memref_slice %arg4[%add3A, %dma_wait3A_111, %dma_wait3A_112] : memref<32x80x128xi32, #tpu.memory_space<hbm>> -> memref<1x80x128xi32, #tpu.memory_space<hbm>>
      %dma_wait3A_114 = tpu.memref_squeeze %dma_wait3A_113 : memref<1x80x128xi32, #tpu.memory_space<hbm>> -> memref<80x128xi32, #tpu.memory_space<hbm>>
      tpu.wait_dma2 semaphore(%run_scoped3A : memref<!tpu.dma_semaphore, #tpu.memory_space<semaphore_mem>>) src(%dma_wait3A_114 : memref<80x128xi32, #tpu.memory_space<hbm>>) dst(%arg8 : memref<80x128xi32, #tpu.memory_space<vmem>>)
      tpu.yield
    }) : () -> ()
    %barrier3A = arith.constant 0 : index
    tpu.barrier barrier_id(%barrier3A)
    %dma_start3A = arith.constant 0 : i32
    %dma_start3A_31 = arith.constant 0 : i32
    %dma_start3A_32 = tpu.memref_slice %arg7[%dma_start3A, %dma_start3A_31] : memref<80x128xi32, #tpu.memory_space<vmem>> -> memref<1x128xi32, #tpu.memory_space<vmem>>
    %dma_start3A_33 = tpu.memref_squeeze %dma_start3A_32 : memref<1x128xi32, #tpu.memory_space<vmem>> -> memref<128xi32, #tpu.memory_space<vmem>>
    %dma_start3A_34 = arith.constant 0 : i32
    %dma_start3A_35 = arith.constant 0 : i32
    %dma_start3A_36 = tpu.memref_slice %arg14[%dma_start3A_34, %dma_start3A_35] : memref<10000x64xbf16, #tpu.memory_space<vmem_shared>> -> memref<10000x64xbf16, #tpu.memory_space<vmem_shared>>
    tpu.enqueue_indirect_dma source(%dma_start3A_36 : memref<10000x64xbf16, #tpu.memory_space<vmem_shared>>) target(%arg9 : memref<128x64xbf16, #tpu.memory_space<vmem>>) offsets(%dma_start3A_33 : memref<128xi32, #tpu.memory_space<vmem>>) semaphore(%arg15 : memref<!tpu.dma_semaphore, #tpu.memory_space<semaphore_mem>>)
    %dma_start3A_37 = arith.constant 1 : i32
    %dma_start3A_38 = arith.constant 0 : i32
    %dma_start3A_39 = tpu.memref_slice %arg7[%dma_start3A_37, %dma_start3A_38] : memref<80x128xi32, #tpu.memory_space<vmem>> -> memref<1x128xi32, #tpu.memory_space<vmem>>
    %dma_start3A_40 = tpu.memref_squeeze %dma_start3A_39 : memref<1x128xi32, #tpu.memory_space<vmem>> -> memref<128xi32, #tpu.memory_space<vmem>>
    %dma_start3A_41 = arith.constant 0 : i32
    %dma_start3A_42 = arith.constant 0 : i32
    %dma_start3A_43 = tpu.memref_slice %arg14[%dma_start3A_41, %dma_start3A_42] : memref<10000x64xbf16, #tpu.memory_space<vmem_shared>> -> memref<10000x64xbf16, #tpu.memory_space<vmem_shared>>
    tpu.enqueue_indirect_dma source(%dma_start3A_43 : memref<10000x64xbf16, #tpu.memory_space<vmem_shared>>) target(%arg10 : memref<128x64xbf16, #tpu.memory_space<vmem>>) offsets(%dma_start3A_40 : memref<128xi32, #tpu.memory_space<vmem>>) semaphore(%arg16 : memref<!tpu.dma_semaphore, #tpu.memory_space<semaphore_mem>>)
    %dma_start3A_44 = arith.constant 2 : i32
    %dma_start3A_45 = arith.constant 0 : i32
    %dma_start3A_46 = tpu.memref_slice %arg7[%dma_start3A_44, %dma_start3A_45] : memref<80x128xi32, #tpu.memory_space<vmem>> -> memref<1x128xi32, #tpu.memory_space<vmem>>
    %dma_start3A_47 = tpu.memref_squeeze %dma_start3A_46 : memref<1x128xi32, #tpu.memory_space<vmem>> -> memref<128xi32, #tpu.memory_space<vmem>>
    %dma_start3A_48 = arith.constant 0 : i32
    %dma_start3A_49 = arith.constant 0 : i32
    %dma_start3A_50 = tpu.memref_slice %arg14[%dma_start3A_48, %dma_start3A_49] : memref<10000x64xbf16, #tpu.memory_space<vmem_shared>> -> memref<10000x64xbf16, #tpu.memory_space<vmem_shared>>
    tpu.enqueue_indirect_dma source(%dma_start3A_50 : memref<10000x64xbf16, #tpu.memory_space<vmem_shared>>) target(%arg11 : memref<128x64xbf16, #tpu.memory_space<vmem>>) offsets(%dma_start3A_47 : memref<128xi32, #tpu.memory_space<vmem>>) semaphore(%arg17 : memref<!tpu.dma_semaphore, #tpu.memory_space<semaphore_mem>>)
    %dma_start3A_51 = arith.constant 3 : i32
    %dma_start3A_52 = arith.constant 0 : i32
    %dma_start3A_53 = tpu.memref_slice %arg7[%dma_start3A_51, %dma_start3A_52] : memref<80x128xi32, #tpu.memory_space<vmem>> -> memref<1x128xi32, #tpu.memory_space<vmem>>
    %dma_start3A_54 = tpu.memref_squeeze %dma_start3A_53 : memref<1x128xi32, #tpu.memory_space<vmem>> -> memref<128xi32, #tpu.memory_space<vmem>>
    %dma_start3A_55 = arith.constant 0 : i32
    %dma_start3A_56 = arith.constant 0 : i32
    %dma_start3A_57 = tpu.memref_slice %arg14[%dma_start3A_55, %dma_start3A_56] : memref<10000x64xbf16, #tpu.memory_space<vmem_shared>> -> memref<10000x64xbf16, #tpu.memory_space<vmem_shared>>
    tpu.enqueue_indirect_dma source(%dma_start3A_57 : memref<10000x64xbf16, #tpu.memory_space<vmem_shared>>) target(%arg12 : memref<128x64xbf16, #tpu.memory_space<vmem>>) offsets(%dma_start3A_54 : memref<128xi32, #tpu.memory_space<vmem>>) semaphore(%arg18 : memref<!tpu.dma_semaphore, #tpu.memory_space<semaphore_mem>>)
    %scan3A_58 = arith.constant 0 : i32
    %scan3A_59 = arith.constant 0 : i32
    %scan3A_60 = arith.constant 20 : i32
    %scan3A_61 = arith.addi %scan3A_59, %scan3A_60 : i32
    %scan3A_62 = arith.constant 1 : i32
    scf.for %scan3A_99 = %scan3A_59 to %scan3A_61 step %scan3A_62  : i32 {
      %mul3A_100 = arith.constant 4 : i32
      %mul3A_101 = arith.muli %scan3A_99, %mul3A_100 : i32
      %add3A_102 = arith.constant 0 : i32
      %add3A_103 = arith.addi %mul3A_101, %add3A_102 : i32
      %dma_wait3A_104 = arith.constant 0 : i32
      %dma_wait3A_105 = tpu.memref_slice %arg7[%add3A_103, %dma_wait3A_104] : memref<80x128xi32, #tpu.memory_space<vmem>> -> memref<1x128xi32, #tpu.memory_space<vmem>>
      %dma_wait3A_106 = tpu.memref_squeeze %dma_wait3A_105 : memref<1x128xi32, #tpu.memory_space<vmem>> -> memref<128xi32, #tpu.memory_space<vmem>>
      %dma_wait3A_107 = arith.constant 0 : i32
      %dma_wait3A_108 = arith.constant 0 : i32
      %dma_wait3A_109 = tpu.memref_slice %arg14[%dma_wait3A_107, %dma_wait3A_108] : memref<10000x64xbf16, #tpu.memory_space<vmem_shared>> -> memref<10000x64xbf16, #tpu.memory_space<vmem_shared>>
      tpu.wait_indirect_dma semaphore(%arg15 : memref<!tpu.dma_semaphore, #tpu.memory_space<semaphore_mem>>) src(%dma_wait3A_109 : memref<10000x64xbf16, #tpu.memory_space<vmem_shared>>) dst(%arg9 : memref<128x64xbf16, #tpu.memory_space<vmem>>)
      %dma_start3A_110 = arith.constant 0 : i32
      %dma_start3A_111 = tpu.memref_slice %arg8[%add3A_103, %dma_start3A_110] : memref<80x128xi32, #tpu.memory_space<vmem>> -> memref<1x128xi32, #tpu.memory_space<vmem>>
      %dma_start3A_112 = tpu.memref_squeeze %dma_start3A_111 : memref<1x128xi32, #tpu.memory_space<vmem>> -> memref<128xi32, #tpu.memory_space<vmem>>
      %dma_start3A_113 = arith.constant 0 : i32
      %dma_start3A_114 = arith.constant 0 : i32
      %dma_start3A_115 = tpu.memref_slice %arg13[%dma_start3A_113, %dma_start3A_114] : memref<10240x64xbf16, #tpu.memory_space<vmem_shared>> -> memref<10240x64xbf16, #tpu.memory_space<vmem_shared>>
      tpu.enqueue_indirect_dma source(%arg9 : memref<128x64xbf16, #tpu.memory_space<vmem>>) target(%dma_start3A_115 : memref<10240x64xbf16, #tpu.memory_space<vmem_shared>>) offsets(%dma_start3A_112 : memref<128xi32, #tpu.memory_space<vmem>>) semaphore(%arg19 : memref<!tpu.dma_semaphore, #tpu.memory_space<semaphore_mem>>) {add = true}
      %add3A_116 = arith.constant 4 : i32
      %add3A_117 = arith.addi %add3A_103, %add3A_116 : i32
      %lt3A = arith.constant 80 : i32
      %lt3A_118 = arith.cmpi slt, %add3A_117, %lt3A : i32
      %convert_element_type3A_119 = arith.extui %lt3A_118 : i1 to i32
      %cond3A_120 = arith.constant 0 : i32
      %cond3A_121 = arith.cmpi ne, %convert_element_type3A_119, %cond3A_120 : i32
      scf.if %cond3A_121 {
        %dma_wait3A_191 = arith.constant 0 : i32
        %dma_wait3A_192 = tpu.memref_slice %arg8[%add3A_103, %dma_wait3A_191] : memref<80x128xi32, #tpu.memory_space<vmem>> -> memref<1x128xi32, #tpu.memory_space<vmem>>
        %dma_wait3A_193 = tpu.memref_squeeze %dma_wait3A_192 : memref<1x128xi32, #tpu.memory_space<vmem>> -> memref<128xi32, #tpu.memory_space<vmem>>
        %dma_wait3A_194 = arith.constant 0 : i32
        %dma_wait3A_195 = arith.constant 0 : i32
        %dma_wait3A_196 = tpu.memref_slice %arg13[%dma_wait3A_194, %dma_wait3A_195] : memref<10240x64xbf16, #tpu.memory_space<vmem_shared>> -> memref<10240x64xbf16, #tpu.memory_space<vmem_shared>>
        tpu.wait_indirect_dma semaphore(%arg19 : memref<!tpu.dma_semaphore, #tpu.memory_space<semaphore_mem>>) src(%arg9 : memref<128x64xbf16, #tpu.memory_space<vmem>>) dst(%dma_wait3A_196 : memref<10240x64xbf16, #tpu.memory_space<vmem_shared>>)
        %add3A_197 = arith.constant 4 : i32
        %add3A_198 = arith.addi %add3A_103, %add3A_197 : i32
        %dma_start3A_199 = arith.constant 0 : i32
        %dma_start3A_200 = tpu.memref_slice %arg7[%add3A_198, %dma_start3A_199] : memref<80x128xi32, #tpu.memory_space<vmem>> -> memref<1x128xi32, #tpu.memory_space<vmem>>
        %dma_start3A_201 = tpu.memref_squeeze %dma_start3A_200 : memref<1x128xi32, #tpu.memory_space<vmem>> -> memref<128xi32, #tpu.memory_space<vmem>>
        %dma_start3A_202 = arith.constant 0 : i32
        %dma_start3A_203 = arith.constant 0 : i32
        %dma_start3A_204 = tpu.memref_slice %arg14[%dma_start3A_202, %dma_start3A_203] : memref<10000x64xbf16, #tpu.memory_space<vmem_shared>> -> memref<10000x64xbf16, #tpu.memory_space<vmem_shared>>
        tpu.enqueue_indirect_dma source(%dma_start3A_204 : memref<10000x64xbf16, #tpu.memory_space<vmem_shared>>) target(%arg9 : memref<128x64xbf16, #tpu.memory_space<vmem>>) offsets(%dma_start3A_201 : memref<128xi32, #tpu.memory_space<vmem>>) semaphore(%arg15 : memref<!tpu.dma_semaphore, #tpu.memory_space<semaphore_mem>>)
      } else {
      }
      %mul3A_122 = arith.constant 4 : i32
      %mul3A_123 = arith.muli %scan3A_99, %mul3A_122 : i32
      %add3A_124 = arith.constant 1 : i32
      %add3A_125 = arith.addi %mul3A_123, %add3A_124 : i32
      %dma_wait3A_126 = arith.constant 0 : i32
      %dma_wait3A_127 = tpu.memref_slice %arg7[%add3A_125, %dma_wait3A_126] : memref<80x128xi32, #tpu.memory_space<vmem>> -> memref<1x128xi32, #tpu.memory_space<vmem>>
      %dma_wait3A_128 = tpu.memref_squeeze %dma_wait3A_127 : memref<1x128xi32, #tpu.memory_space<vmem>> -> memref<128xi32, #tpu.memory_space<vmem>>
      %dma_wait3A_129 = arith.constant 0 : i32
      %dma_wait3A_130 = arith.constant 0 : i32
      %dma_wait3A_131 = tpu.memref_slice %arg14[%dma_wait3A_129, %dma_wait3A_130] : memref<10000x64xbf16, #tpu.memory_space<vmem_shared>> -> memref<10000x64xbf16, #tpu.memory_space<vmem_shared>>
      tpu.wait_indirect_dma semaphore(%arg16 : memref<!tpu.dma_semaphore, #tpu.memory_space<semaphore_mem>>) src(%dma_wait3A_131 : memref<10000x64xbf16, #tpu.memory_space<vmem_shared>>) dst(%arg10 : memref<128x64xbf16, #tpu.memory_space<vmem>>)
      %dma_start3A_132 = arith.constant 0 : i32
      %dma_start3A_133 = tpu.memref_slice %arg8[%add3A_125, %dma_start3A_132] : memref<80x128xi32, #tpu.memory_space<vmem>> -> memref<1x128xi32, #tpu.memory_space<vmem>>
      %dma_start3A_134 = tpu.memref_squeeze %dma_start3A_133 : memref<1x128xi32, #tpu.memory_space<vmem>> -> memref<128xi32, #tpu.memory_space<vmem>>
      %dma_start3A_135 = arith.constant 0 : i32
      %dma_start3A_136 = arith.constant 0 : i32
      %dma_start3A_137 = tpu.memref_slice %arg13[%dma_start3A_135, %dma_start3A_136] : memref<10240x64xbf16, #tpu.memory_space<vmem_shared>> -> memref<10240x64xbf16, #tpu.memory_space<vmem_shared>>
      tpu.enqueue_indirect_dma source(%arg10 : memref<128x64xbf16, #tpu.memory_space<vmem>>) target(%dma_start3A_137 : memref<10240x64xbf16, #tpu.memory_space<vmem_shared>>) offsets(%dma_start3A_134 : memref<128xi32, #tpu.memory_space<vmem>>) semaphore(%arg20 : memref<!tpu.dma_semaphore, #tpu.memory_space<semaphore_mem>>) {add = true}
      %add3A_138 = arith.constant 4 : i32
      %add3A_139 = arith.addi %add3A_125, %add3A_138 : i32
      %lt3A_140 = arith.constant 80 : i32
      %lt3A_141 = arith.cmpi slt, %add3A_139, %lt3A_140 : i32
      %convert_element_type3A_142 = arith.extui %lt3A_141 : i1 to i32
      %cond3A_143 = arith.constant 0 : i32
      %cond3A_144 = arith.cmpi ne, %convert_element_type3A_142, %cond3A_143 : i32
      scf.if %cond3A_144 {
        %dma_wait3A_191 = arith.constant 0 : i32
        %dma_wait3A_192 = tpu.memref_slice %arg8[%add3A_125, %dma_wait3A_191] : memref<80x128xi32, #tpu.memory_space<vmem>> -> memref<1x128xi32, #tpu.memory_space<vmem>>
        %dma_wait3A_193 = tpu.memref_squeeze %dma_wait3A_192 : memref<1x128xi32, #tpu.memory_space<vmem>> -> memref<128xi32, #tpu.memory_space<vmem>>
        %dma_wait3A_194 = arith.constant 0 : i32
        %dma_wait3A_195 = arith.constant 0 : i32
        %dma_wait3A_196 = tpu.memref_slice %arg13[%dma_wait3A_194, %dma_wait3A_195] : memref<10240x64xbf16, #tpu.memory_space<vmem_shared>> -> memref<10240x64xbf16, #tpu.memory_space<vmem_shared>>
        tpu.wait_indirect_dma semaphore(%arg20 : memref<!tpu.dma_semaphore, #tpu.memory_space<semaphore_mem>>) src(%arg10 : memref<128x64xbf16, #tpu.memory_space<vmem>>) dst(%dma_wait3A_196 : memref<10240x64xbf16, #tpu.memory_space<vmem_shared>>)
        %add3A_197 = arith.constant 4 : i32
        %add3A_198 = arith.addi %add3A_125, %add3A_197 : i32
        %dma_start3A_199 = arith.constant 0 : i32
        %dma_start3A_200 = tpu.memref_slice %arg7[%add3A_198, %dma_start3A_199] : memref<80x128xi32, #tpu.memory_space<vmem>> -> memref<1x128xi32, #tpu.memory_space<vmem>>
        %dma_start3A_201 = tpu.memref_squeeze %dma_start3A_200 : memref<1x128xi32, #tpu.memory_space<vmem>> -> memref<128xi32, #tpu.memory_space<vmem>>
        %dma_start3A_202 = arith.constant 0 : i32
        %dma_start3A_203 = arith.constant 0 : i32
        %dma_start3A_204 = tpu.memref_slice %arg14[%dma_start3A_202, %dma_start3A_203] : memref<10000x64xbf16, #tpu.memory_space<vmem_shared>> -> memref<10000x64xbf16, #tpu.memory_space<vmem_shared>>
        tpu.enqueue_indirect_dma source(%dma_start3A_204 : memref<10000x64xbf16, #tpu.memory_space<vmem_shared>>) target(%arg10 : memref<128x64xbf16, #tpu.memory_space<vmem>>) offsets(%dma_start3A_201 : memref<128xi32, #tpu.memory_space<vmem>>) semaphore(%arg16 : memref<!tpu.dma_semaphore, #tpu.memory_space<semaphore_mem>>)
      } else {
      }
      %mul3A_145 = arith.constant 4 : i32
      %mul3A_146 = arith.muli %scan3A_99, %mul3A_145 : i32
      %add3A_147 = arith.constant 2 : i32
      %add3A_148 = arith.addi %mul3A_146, %add3A_147 : i32
      %dma_wait3A_149 = arith.constant 0 : i32
      %dma_wait3A_150 = tpu.memref_slice %arg7[%add3A_148, %dma_wait3A_149] : memref<80x128xi32, #tpu.memory_space<vmem>> -> memref<1x128xi32, #tpu.memory_space<vmem>>
      %dma_wait3A_151 = tpu.memref_squeeze %dma_wait3A_150 : memref<1x128xi32, #tpu.memory_space<vmem>> -> memref<128xi32, #tpu.memory_space<vmem>>
      %dma_wait3A_152 = arith.constant 0 : i32
      %dma_wait3A_153 = arith.constant 0 : i32
      %dma_wait3A_154 = tpu.memref_slice %arg14[%dma_wait3A_152, %dma_wait3A_153] : memref<10000x64xbf16, #tpu.memory_space<vmem_shared>> -> memref<10000x64xbf16, #tpu.memory_space<vmem_shared>>
      tpu.wait_indirect_dma semaphore(%arg17 : memref<!tpu.dma_semaphore, #tpu.memory_space<semaphore_mem>>) src(%dma_wait3A_154 : memref<10000x64xbf16, #tpu.memory_space<vmem_shared>>) dst(%arg11 : memref<128x64xbf16, #tpu.memory_space<vmem>>)
      %dma_start3A_155 = arith.constant 0 : i32
      %dma_start3A_156 = tpu.memref_slice %arg8[%add3A_148, %dma_start3A_155] : memref<80x128xi32, #tpu.memory_space<vmem>> -> memref<1x128xi32, #tpu.memory_space<vmem>>
      %dma_start3A_157 = tpu.memref_squeeze %dma_start3A_156 : memref<1x128xi32, #tpu.memory_space<vmem>> -> memref<128xi32, #tpu.memory_space<vmem>>
      %dma_start3A_158 = arith.constant 0 : i32
      %dma_start3A_159 = arith.constant 0 : i32
      %dma_start3A_160 = tpu.memref_slice %arg13[%dma_start3A_158, %dma_start3A_159] : memref<10240x64xbf16, #tpu.memory_space<vmem_shared>> -> memref<10240x64xbf16, #tpu.memory_space<vmem_shared>>
      tpu.enqueue_indirect_dma source(%arg11 : memref<128x64xbf16, #tpu.memory_space<vmem>>) target(%dma_start3A_160 : memref<10240x64xbf16, #tpu.memory_space<vmem_shared>>) offsets(%dma_start3A_157 : memref<128xi32, #tpu.memory_space<vmem>>) semaphore(%arg21 : memref<!tpu.dma_semaphore, #tpu.memory_space<semaphore_mem>>) {add = true}
      %add3A_161 = arith.constant 4 : i32
      %add3A_162 = arith.addi %add3A_148, %add3A_161 : i32
      %lt3A_163 = arith.constant 80 : i32
      %lt3A_164 = arith.cmpi slt, %add3A_162, %lt3A_163 : i32
      %convert_element_type3A_165 = arith.extui %lt3A_164 : i1 to i32
      %cond3A_166 = arith.constant 0 : i32
      %cond3A_167 = arith.cmpi ne, %convert_element_type3A_165, %cond3A_166 : i32
      scf.if %cond3A_167 {
        %dma_wait3A_191 = arith.constant 0 : i32
        %dma_wait3A_192 = tpu.memref_slice %arg8[%add3A_148, %dma_wait3A_191] : memref<80x128xi32, #tpu.memory_space<vmem>> -> memref<1x128xi32, #tpu.memory_space<vmem>>
        %dma_wait3A_193 = tpu.memref_squeeze %dma_wait3A_192 : memref<1x128xi32, #tpu.memory_space<vmem>> -> memref<128xi32, #tpu.memory_space<vmem>>
        %dma_wait3A_194 = arith.constant 0 : i32
        %dma_wait3A_195 = arith.constant 0 : i32
        %dma_wait3A_196 = tpu.memref_slice %arg13[%dma_wait3A_194, %dma_wait3A_195] : memref<10240x64xbf16, #tpu.memory_space<vmem_shared>> -> memref<10240x64xbf16, #tpu.memory_space<vmem_shared>>
        tpu.wait_indirect_dma semaphore(%arg21 : memref<!tpu.dma_semaphore, #tpu.memory_space<semaphore_mem>>) src(%arg11 : memref<128x64xbf16, #tpu.memory_space<vmem>>) dst(%dma_wait3A_196 : memref<10240x64xbf16, #tpu.memory_space<vmem_shared>>)
        %add3A_197 = arith.constant 4 : i32
        %add3A_198 = arith.addi %add3A_148, %add3A_197 : i32
        %dma_start3A_199 = arith.constant 0 : i32
        %dma_start3A_200 = tpu.memref_slice %arg7[%add3A_198, %dma_start3A_199] : memref<80x128xi32, #tpu.memory_space<vmem>> -> memref<1x128xi32, #tpu.memory_space<vmem>>
        %dma_start3A_201 = tpu.memref_squeeze %dma_start3A_200 : memref<1x128xi32, #tpu.memory_space<vmem>> -> memref<128xi32, #tpu.memory_space<vmem>>
        %dma_start3A_202 = arith.constant 0 : i32
        %dma_start3A_203 = arith.constant 0 : i32
        %dma_start3A_204 = tpu.memref_slice %arg14[%dma_start3A_202, %dma_start3A_203] : memref<10000x64xbf16, #tpu.memory_space<vmem_shared>> -> memref<10000x64xbf16, #tpu.memory_space<vmem_shared>>
        tpu.enqueue_indirect_dma source(%dma_start3A_204 : memref<10000x64xbf16, #tpu.memory_space<vmem_shared>>) target(%arg11 : memref<128x64xbf16, #tpu.memory_space<vmem>>) offsets(%dma_start3A_201 : memref<128xi32, #tpu.memory_space<vmem>>) semaphore(%arg17 : memref<!tpu.dma_semaphore, #tpu.memory_space<semaphore_mem>>)
      } else {
      }
      %mul3A_168 = arith.constant 4 : i32
      %mul3A_169 = arith.muli %scan3A_99, %mul3A_168 : i32
      %add3A_170 = arith.constant 3 : i32
      %add3A_171 = arith.addi %mul3A_169, %add3A_170 : i32
      %dma_wait3A_172 = arith.constant 0 : i32
      %dma_wait3A_173 = tpu.memref_slice %arg7[%add3A_171, %dma_wait3A_172] : memref<80x128xi32, #tpu.memory_space<vmem>> -> memref<1x128xi32, #tpu.memory_space<vmem>>
      %dma_wait3A_174 = tpu.memref_squeeze %dma_wait3A_173 : memref<1x128xi32, #tpu.memory_space<vmem>> -> memref<128xi32, #tpu.memory_space<vmem>>
      %dma_wait3A_175 = arith.constant 0 : i32
      %dma_wait3A_176 = arith.constant 0 : i32
      %dma_wait3A_177 = tpu.memref_slice %arg14[%dma_wait3A_175, %dma_wait3A_176] : memref<10000x64xbf16, #tpu.memory_space<vmem_shared>> -> memref<10000x64xbf16, #tpu.memory_space<vmem_shared>>
      tpu.wait_indirect_dma semaphore(%arg18 : memref<!tpu.dma_semaphore, #tpu.memory_space<semaphore_mem>>) src(%dma_wait3A_177 : memref<10000x64xbf16, #tpu.memory_space<vmem_shared>>) dst(%arg12 : memref<128x64xbf16, #tpu.memory_space<vmem>>)
      %dma_start3A_178 = arith.constant 0 : i32
      %dma_start3A_179 = tpu.memref_slice %arg8[%add3A_171, %dma_start3A_178] : memref<80x128xi32, #tpu.memory_space<vmem>> -> memref<1x128xi32, #tpu.memory_space<vmem>>
      %dma_start3A_180 = tpu.memref_squeeze %dma_start3A_179 : memref<1x128xi32, #tpu.memory_space<vmem>> -> memref<128xi32, #tpu.memory_space<vmem>>
      %dma_start3A_181 = arith.constant 0 : i32
      %dma_start3A_182 = arith.constant 0 : i32
      %dma_start3A_183 = tpu.memref_slice %arg13[%dma_start3A_181, %dma_start3A_182] : memref<10240x64xbf16, #tpu.memory_space<vmem_shared>> -> memref<10240x64xbf16, #tpu.memory_space<vmem_shared>>
      tpu.enqueue_indirect_dma source(%arg12 : memref<128x64xbf16, #tpu.memory_space<vmem>>) target(%dma_start3A_183 : memref<10240x64xbf16, #tpu.memory_space<vmem_shared>>) offsets(%dma_start3A_180 : memref<128xi32, #tpu.memory_space<vmem>>) semaphore(%arg22 : memref<!tpu.dma_semaphore, #tpu.memory_space<semaphore_mem>>) {add = true}
      %add3A_184 = arith.constant 4 : i32
      %add3A_185 = arith.addi %add3A_171, %add3A_184 : i32
      %lt3A_186 = arith.constant 80 : i32
      %lt3A_187 = arith.cmpi slt, %add3A_185, %lt3A_186 : i32
      %convert_element_type3A_188 = arith.extui %lt3A_187 : i1 to i32
      %cond3A_189 = arith.constant 0 : i32
      %cond3A_190 = arith.cmpi ne, %convert_element_type3A_188, %cond3A_189 : i32
      scf.if %cond3A_190 {
        %dma_wait3A_191 = arith.constant 0 : i32
        %dma_wait3A_192 = tpu.memref_slice %arg8[%add3A_171, %dma_wait3A_191] : memref<80x128xi32, #tpu.memory_space<vmem>> -> memref<1x128xi32, #tpu.memory_space<vmem>>
        %dma_wait3A_193 = tpu.memref_squeeze %dma_wait3A_192 : memref<1x128xi32, #tpu.memory_space<vmem>> -> memref<128xi32, #tpu.memory_space<vmem>>
        %dma_wait3A_194 = arith.constant 0 : i32
        %dma_wait3A_195 = arith.constant 0 : i32
        %dma_wait3A_196 = tpu.memref_slice %arg13[%dma_wait3A_194, %dma_wait3A_195] : memref<10240x64xbf16, #tpu.memory_space<vmem_shared>> -> memref<10240x64xbf16, #tpu.memory_space<vmem_shared>>
        tpu.wait_indirect_dma semaphore(%arg22 : memref<!tpu.dma_semaphore, #tpu.memory_space<semaphore_mem>>) src(%arg12 : memref<128x64xbf16, #tpu.memory_space<vmem>>) dst(%dma_wait3A_196 : memref<10240x64xbf16, #tpu.memory_space<vmem_shared>>)
        %add3A_197 = arith.constant 4 : i32
        %add3A_198 = arith.addi %add3A_171, %add3A_197 : i32
        %dma_start3A_199 = arith.constant 0 : i32
        %dma_start3A_200 = tpu.memref_slice %arg7[%add3A_198, %dma_start3A_199] : memref<80x128xi32, #tpu.memory_space<vmem>> -> memref<1x128xi32, #tpu.memory_space<vmem>>
        %dma_start3A_201 = tpu.memref_squeeze %dma_start3A_200 : memref<1x128xi32, #tpu.memory_space<vmem>> -> memref<128xi32, #tpu.memory_space<vmem>>
        %dma_start3A_202 = arith.constant 0 : i32
        %dma_start3A_203 = arith.constant 0 : i32
        %dma_start3A_204 = tpu.memref_slice %arg14[%dma_start3A_202, %dma_start3A_203] : memref<10000x64xbf16, #tpu.memory_space<vmem_shared>> -> memref<10000x64xbf16, #tpu.memory_space<vmem_shared>>
        tpu.enqueue_indirect_dma source(%dma_start3A_204 : memref<10000x64xbf16, #tpu.memory_space<vmem_shared>>) target(%arg12 : memref<128x64xbf16, #tpu.memory_space<vmem>>) offsets(%dma_start3A_201 : memref<128xi32, #tpu.memory_space<vmem>>) semaphore(%arg18 : memref<!tpu.dma_semaphore, #tpu.memory_space<semaphore_mem>>)
      } else {
      }
    }
    %scan3A_63 = arith.constant 20 : i32
    %dma_wait3A = arith.constant 76 : i32
    %dma_wait3A_64 = arith.constant 0 : i32
    %dma_wait3A_65 = tpu.memref_slice %arg8[%dma_wait3A, %dma_wait3A_64] : memref<80x128xi32, #tpu.memory_space<vmem>> -> memref<1x128xi32, #tpu.memory_space<vmem>>
    %dma_wait3A_66 = tpu.memref_squeeze %dma_wait3A_65 : memref<1x128xi32, #tpu.memory_space<vmem>> -> memref<128xi32, #tpu.memory_space<vmem>>
    %dma_wait3A_67 = arith.constant 0 : i32
    %dma_wait3A_68 = arith.constant 0 : i32
    %dma_wait3A_69 = tpu.memref_slice %arg13[%dma_wait3A_67, %dma_wait3A_68] : memref<10240x64xbf16, #tpu.memory_space<vmem_shared>> -> memref<10240x64xbf16, #tpu.memory_space<vmem_shared>>
    tpu.wait_indirect_dma semaphore(%arg19 : memref<!tpu.dma_semaphore, #tpu.memory_space<semaphore_mem>>) src(%arg9 : memref<128x64xbf16, #tpu.memory_space<vmem>>) dst(%dma_wait3A_69 : memref<10240x64xbf16, #tpu.memory_space<vmem_shared>>)
    %dma_wait3A_70 = arith.constant 77 : i32
    %dma_wait3A_71 = arith.constant 0 : i32
    %dma_wait3A_72 = tpu.memref_slice %arg8[%dma_wait3A_70, %dma_wait3A_71] : memref<80x128xi32, #tpu.memory_space<vmem>> -> memref<1x128xi32, #tpu.memory_space<vmem>>
    %dma_wait3A_73 = tpu.memref_squeeze %dma_wait3A_72 : memref<1x128xi32, #tpu.memory_space<vmem>> -> memref<128xi32, #tpu.memory_space<vmem>>
    %dma_wait3A_74 = arith.constant 0 : i32
    %dma_wait3A_75 = arith.constant 0 : i32
    %dma_wait3A_76 = tpu.memref_slice %arg13[%dma_wait3A_74, %dma_wait3A_75] : memref<10240x64xbf16, #tpu.memory_space<vmem_shared>> -> memref<10240x64xbf16, #tpu.memory_space<vmem_shared>>
    tpu.wait_indirect_dma semaphore(%arg20 : memref<!tpu.dma_semaphore, #tpu.memory_space<semaphore_mem>>) src(%arg10 : memref<128x64xbf16, #tpu.memory_space<vmem>>) dst(%dma_wait3A_76 : memref<10240x64xbf16, #tpu.memory_space<vmem_shared>>)
    %dma_wait3A_77 = arith.constant 78 : i32
    %dma_wait3A_78 = arith.constant 0 : i32
    %dma_wait3A_79 = tpu.memref_slice %arg8[%dma_wait3A_77, %dma_wait3A_78] : memref<80x128xi32, #tpu.memory_space<vmem>> -> memref<1x128xi32, #tpu.memory_space<vmem>>
    %dma_wait3A_80 = tpu.memref_squeeze %dma_wait3A_79 : memref<1x128xi32, #tpu.memory_space<vmem>> -> memref<128xi32, #tpu.memory_space<vmem>>
    %dma_wait3A_81 = arith.constant 0 : i32
    %dma_wait3A_82 = arith.constant 0 : i32
    %dma_wait3A_83 = tpu.memref_slice %arg13[%dma_wait3A_81, %dma_wait3A_82] : memref<10240x64xbf16, #tpu.memory_space<vmem_shared>> -> memref<10240x64xbf16, #tpu.memory_space<vmem_shared>>
    tpu.wait_indirect_dma semaphore(%arg21 : memref<!tpu.dma_semaphore, #tpu.memory_space<semaphore_mem>>) src(%arg11 : memref<128x64xbf16, #tpu.memory_space<vmem>>) dst(%dma_wait3A_83 : memref<10240x64xbf16, #tpu.memory_space<vmem_shared>>)
    %dma_wait3A_84 = arith.constant 79 : i32
    %dma_wait3A_85 = arith.constant 0 : i32
    %dma_wait3A_86 = tpu.memref_slice %arg8[%dma_wait3A_84, %dma_wait3A_85] : memref<80x128xi32, #tpu.memory_space<vmem>> -> memref<1x128xi32, #tpu.memory_space<vmem>>
    %dma_wait3A_87 = tpu.memref_squeeze %dma_wait3A_86 : memref<1x128xi32, #tpu.memory_space<vmem>> -> memref<128xi32, #tpu.memory_space<vmem>>
    %dma_wait3A_88 = arith.constant 0 : i32
    %dma_wait3A_89 = arith.constant 0 : i32
    %dma_wait3A_90 = tpu.memref_slice %arg13[%dma_wait3A_88, %dma_wait3A_89] : memref<10240x64xbf16, #tpu.memory_space<vmem_shared>> -> memref<10240x64xbf16, #tpu.memory_space<vmem_shared>>
    tpu.wait_indirect_dma semaphore(%arg22 : memref<!tpu.dma_semaphore, #tpu.memory_space<semaphore_mem>>) src(%arg12 : memref<128x64xbf16, #tpu.memory_space<vmem>>) dst(%dma_wait3A_90 : memref<10240x64xbf16, #tpu.memory_space<vmem_shared>>)
    %barrier3A_91 = arith.constant 0 : index
    tpu.barrier barrier_id(%barrier3A_91)
    %eq3A = arith.constant 0 : i32
    %eq3A_92 = arith.cmpi eq, %arg0, %eq3A : i32
    %convert_element_type3A = arith.extui %eq3A_92 : i1 to i32
    %cond3A = arith.constant 0 : i32
    %cond3A_93 = arith.cmpi ne, %convert_element_type3A, %cond3A : i32
    scf.if %cond3A_93 {
      %mul3A_99 = arith.constant 625 : i32
      %mul3A_100 = arith.muli %arg1, %mul3A_99 : i32
      %mul3A_101 = arith.constant 625 : i32
      %mul3A_102 = arith.muli %arg1, %mul3A_101 : i32
      "tpu.region"() ({
        %run_scoped3A = tpu.sem_alloc : memref<!tpu.dma_semaphore, #tpu.memory_space<semaphore_mem>>
        %dma_start3A_103 = arith.constant 0 : i32
        %dma_start3A_104 = tpu.memref_slice %arg5[%mul3A_102, %dma_start3A_103] : memref<10000x64xbf16, #tpu.memory_space<hbm>> -> memref<625x64xbf16, #tpu.memory_space<hbm>>
        %dma_start3A_105 = arith.constant 0 : i32
        %dma_start3A_106 = tpu.memref_slice %arg13[%mul3A_100, %dma_start3A_105] : memref<10240x64xbf16, #tpu.memory_space<vmem_shared>> -> memref<625x64xbf16, #tpu.memory_space<vmem_shared>>
        tpu.enqueue_dma source(%dma_start3A_106 : memref<625x64xbf16, #tpu.memory_space<vmem_shared>>) target(%dma_start3A_104 : memref<625x64xbf16, #tpu.memory_space<hbm>>) target_semaphore(%run_scoped3A : memref<!tpu.dma_semaphore, #tpu.memory_space<semaphore_mem>>)
        %dma_wait3A_107 = arith.constant 0 : i32
        %dma_wait3A_108 = tpu.memref_slice %arg5[%mul3A_102, %dma_wait3A_107] : memref<10000x64xbf16, #tpu.memory_space<hbm>> -> memref<625x64xbf16, #tpu.memory_space<hbm>>
        %dma_wait3A_109 = arith.constant 0 : i32
        %dma_wait3A_110 = tpu.memref_slice %arg13[%mul3A_100, %dma_wait3A_109] : memref<10240x64xbf16, #tpu.memory_space<vmem_shared>> -> memref<625x64xbf16, #tpu.memory_space<vmem_shared>>
        tpu.wait_dma2 semaphore(%run_scoped3A : memref<!tpu.dma_semaphore, #tpu.memory_space<semaphore_mem>>) src(%dma_wait3A_110 : memref<625x64xbf16, #tpu.memory_space<vmem_shared>>) dst(%dma_wait3A_108 : memref<625x64xbf16, #tpu.memory_space<hbm>>)
        tpu.yield
      }) : () -> ()
    } else {
    }
    %eq3A_94 = arith.constant 1 : i32
    %eq3A_95 = arith.cmpi eq, %arg0, %eq3A_94 : i32
    %convert_element_type3A_96 = arith.extui %eq3A_95 : i1 to i32
    %cond3A_97 = arith.constant 0 : i32
    %cond3A_98 = arith.cmpi ne, %convert_element_type3A_96, %cond3A_97 : i32
    scf.if %cond3A_98 {
      %mul3A_99 = arith.constant 625 : i32
      %mul3A_100 = arith.muli %arg1, %mul3A_99 : i32
      %mul3A_101 = arith.constant 625 : i32
      %mul3A_102 = arith.muli %arg1, %mul3A_101 : i32
      "tpu.region"() ({
        %run_scoped3A = tpu.sem_alloc : memref<!tpu.dma_semaphore, #tpu.memory_space<semaphore_mem>>
        %dma_start3A_103 = arith.constant 0 : i32
        %dma_start3A_104 = tpu.memref_slice %arg6[%mul3A_102, %dma_start3A_103] : memref<10000x64xbf16, #tpu.memory_space<hbm>> -> memref<625x64xbf16, #tpu.memory_space<hbm>>
        %dma_start3A_105 = arith.constant 0 : i32
        %dma_start3A_106 = tpu.memref_slice %arg13[%mul3A_100, %dma_start3A_105] : memref<10240x64xbf16, #tpu.memory_space<vmem_shared>> -> memref<625x64xbf16, #tpu.memory_space<vmem_shared>>
        tpu.enqueue_dma source(%dma_start3A_106 : memref<625x64xbf16, #tpu.memory_space<vmem_shared>>) target(%dma_start3A_104 : memref<625x64xbf16, #tpu.memory_space<hbm>>) target_semaphore(%run_scoped3A : memref<!tpu.dma_semaphore, #tpu.memory_space<semaphore_mem>>)
        %dma_wait3A_107 = arith.constant 0 : i32
        %dma_wait3A_108 = tpu.memref_slice %arg6[%mul3A_102, %dma_wait3A_107] : memref<10000x64xbf16, #tpu.memory_space<hbm>> -> memref<625x64xbf16, #tpu.memory_space<hbm>>
        %dma_wait3A_109 = arith.constant 0 : i32
        %dma_wait3A_110 = tpu.memref_slice %arg13[%mul3A_100, %dma_wait3A_109] : memref<10240x64xbf16, #tpu.memory_space<vmem_shared>> -> memref<625x64xbf16, #tpu.memory_space<vmem_shared>>
        tpu.wait_dma2 semaphore(%run_scoped3A : memref<!tpu.dma_semaphore, #tpu.memory_space<semaphore_mem>>) src(%dma_wait3A_110 : memref<625x64xbf16, #tpu.memory_space<vmem_shared>>) dst(%dma_wait3A_108 : memref<625x64xbf16, #tpu.memory_space<hbm>>)
        tpu.yield
      }) : () -> ()
    } else {
    }
    return
  }
}

#map = affine_map<(d0, d1) -> (0, 0)>
#map1 = affine_map<(d0, d1) -> (0, 0, 0)>
module attributes {stable_mosaic.version = 14 : i64} {
  func.func @k(%arg0: i32, %arg1: i32, %arg2: memref<10000x64xbf16, #tpu.memory_space<hbm>>, %arg3: memref<32x80x128xi32, #tpu.memory_space<hbm>>, %arg4: memref<32x80x128xi32, #tpu.memory_space<hbm>>, %arg5: memref<10000x64xbf16, #tpu.memory_space<hbm>>, %arg6: memref<10000x64xbf16, #tpu.memory_space<hbm>>, %arg7: memref<80x128xi32, #tpu.memory_space<vmem>>, %arg8: memref<80x128xi32, #tpu.memory_space<vmem>>, %arg9: memref<128x64xbf16, #tpu.memory_space<vmem>>, %arg10: memref<128x64xbf16, #tpu.memory_space<vmem>>, %arg11: memref<128x64xbf16, #tpu.memory_space<vmem>>, %arg12: memref<128x64xbf16, #tpu.memory_space<vmem>>, %arg13: memref<10240x64xbf16, #tpu.memory_space<vmem_shared>>, %arg14: memref<10000x64xbf16, #tpu.memory_space<vmem_shared>>, %arg15: memref<!tpu.dma_semaphore, #tpu.memory_space<semaphore_mem>>, %arg16: memref<!tpu.dma_semaphore, #tpu.memory_space<semaphore_mem>>, %arg17: memref<!tpu.dma_semaphore, #tpu.memory_space<semaphore_mem>>, %arg18: memref<!tpu.dma_semaphore, #tpu.memory_space<semaphore_mem>>, %arg19: memref<!tpu.dma_semaphore, #tpu.memory_space<semaphore_mem>>, %arg20: memref<!tpu.dma_semaphore, #tpu.memory_space<semaphore_mem>>, %arg21: memref<!tpu.dma_semaphore, #tpu.memory_space<semaphore_mem>>, %arg22: memref<!tpu.dma_semaphore, #tpu.memory_space<semaphore_mem>>) attributes {dimension_semantics = [#tpu.dimension_semantics<core_parallel>, #tpu.dimension_semantics<subcore_parallel>], iteration_bounds = array<i64: 2, 16>, scalar_prefetch = 0 : i64, scratch_operands = 16 : i64, tpu.core_type = #tpu.core_type<sc_vector_subcore>, window_params = [{transform_indices = #map}, {transform_indices = #map1}, {transform_indices = #map1}, {transform_indices = #map}, {transform_indices = #map}]} {
    %mul3A = arith.constant 2 : i32
    %mul3A_0 = arith.muli %arg1, %mul3A : i32
    %add3A = arith.addi %mul3A_0, %arg0 : i32
    %broadcast_in_dim3A = arith.constant 0.000000e+00 : bf16
    %broadcast_in_dim3A_1 = vector.broadcast %broadcast_in_dim3A : bf16 to vector<32xbf16>
    %mul3A_2 = arith.constant 625 : i32
    %mul3A_3 = arith.muli %arg1, %mul3A_2 : i32
    %mul3A_4 = arith.constant 625 : i32
    %mul3A_5 = arith.muli %arg1, %mul3A_4 : i32
    "tpu.region"() ({
      %run_scoped3A = tpu.sem_alloc : memref<!tpu.dma_semaphore, #tpu.memory_space<semaphore_mem>>
      %dma_start3A_99 = arith.constant 0 : i32
      %dma_start3A_100 = tpu.memref_slice %arg14[%mul3A_5, %dma_start3A_99] : memref<10000x64xbf16, #tpu.memory_space<vmem_shared>> -> memref<625x64xbf16, #tpu.memory_space<vmem_shared>>
      %dma_start3A_101 = arith.constant 0 : i32
      %dma_start3A_102 = tpu.memref_slice %arg2[%mul3A_3, %dma_start3A_101] : memref<10000x64xbf16, #tpu.memory_space<hbm>> -> memref<625x64xbf16, #tpu.memory_space<hbm>>
      tpu.enqueue_dma source(%dma_start3A_102 : memref<625x64xbf16, #tpu.memory_space<hbm>>) target(%dma_start3A_100 : memref<625x64xbf16, #tpu.memory_space<vmem_shared>>) target_semaphore(%run_scoped3A : memref<!tpu.dma_semaphore, #tpu.memory_space<semaphore_mem>>)
      %dma_wait3A_103 = arith.constant 0 : i32
      %dma_wait3A_104 = tpu.memref_slice %arg14[%mul3A_5, %dma_wait3A_103] : memref<10000x64xbf16, #tpu.memory_space<vmem_shared>> -> memref<625x64xbf16, #tpu.memory_space<vmem_shared>>
      %dma_wait3A_105 = arith.constant 0 : i32
      %dma_wait3A_106 = tpu.memref_slice %arg2[%mul3A_3, %dma_wait3A_105] : memref<10000x64xbf16, #tpu.memory_space<hbm>> -> memref<625x64xbf16, #tpu.memory_space<hbm>>
      tpu.wait_dma2 semaphore(%run_scoped3A : memref<!tpu.dma_semaphore, #tpu.memory_space<semaphore_mem>>) src(%dma_wait3A_106 : memref<625x64xbf16, #tpu.memory_space<hbm>>) dst(%dma_wait3A_104 : memref<625x64xbf16, #tpu.memory_space<vmem_shared>>)
      tpu.yield
    }) : () -> ()
    %scan3A = arith.constant 0 : i32
    %scan3A_6 = arith.constant 0 : i32
    %scan3A_7 = arith.constant 128 : i32
    %scan3A_8 = arith.addi %scan3A_6, %scan3A_7 : i32
    %scan3A_9 = arith.constant 1 : i32
    scf.for %scan3A_99 = %scan3A_6 to %scan3A_8 step %scan3A_9  : i32 {
      %swap3A = arith.index_cast %scan3A_99 : i32 to index
      %swap3A_100 = arith.constant 0 : index
      %swap3A_101 = tpu.vector_load %arg9[%swap3A, %swap3A_100] {strides = array<i32>} : memref<128x64xbf16, #tpu.memory_space<vmem>>, vector<1x32xbf16>,
      %swap3A_102 = vector.shape_cast %swap3A_101 : vector<1x32xbf16> to vector<32xbf16>
      %swap3A_103 = vector.shape_cast %broadcast_in_dim3A_1 : vector<32xbf16> to vector<1x32xbf16>
      tpu.vector_store %arg9[%swap3A, %swap3A_100], %swap3A_103 {strides = array<i32>} : memref<128x64xbf16, #tpu.memory_space<vmem>>, vector<1x32xbf16>,
      %swap3A_104 = arith.index_cast %scan3A_99 : i32 to index
      %swap3A_105 = arith.constant 32 : index
      %swap3A_106 = tpu.vector_load %arg9[%swap3A_104, %swap3A_105] {strides = array<i32>} : memref<128x64xbf16, #tpu.memory_space<vmem>>, vector<1x32xbf16>,
      %swap3A_107 = vector.shape_cast %swap3A_106 : vector<1x32xbf16> to vector<32xbf16>
      %swap3A_108 = vector.shape_cast %broadcast_in_dim3A_1 : vector<32xbf16> to vector<1x32xbf16>
      tpu.vector_store %arg9[%swap3A_104, %swap3A_105], %swap3A_108 {strides = array<i32>} : memref<128x64xbf16, #tpu.memory_space<vmem>>, vector<1x32xbf16>,
    }
    %scan3A_10 = arith.constant 128 : i32
    %mul3A_11 = arith.constant 640 : i32
    %mul3A_12 = arith.muli %arg1, %mul3A_11 : i32
    %add3A_13 = arith.constant 0 : i32
    %add3A_14 = arith.addi %mul3A_12, %add3A_13 : i32
    "tpu.region"() ({
      %run_scoped3A = tpu.sem_alloc : memref<!tpu.dma_semaphore, #tpu.memory_space<semaphore_mem>>
      %dma_start3A_99 = arith.constant 0 : i32
      %dma_start3A_100 = tpu.memref_slice %arg13[%add3A_14, %dma_start3A_99] : memref<10240x64xbf16, #tpu.memory_space<vmem_shared>> -> memref<128x64xbf16, #tpu.memory_space<vmem_shared>>
      %dma_start3A_101 = arith.constant 0 : i32
      %dma_start3A_102 = tpu.memref_slice %arg13[%add3A_14, %dma_start3A_101] : memref<10240x64xbf16, #tpu.memory_space<vmem_shared>> -> memref<128x64xbf16, #tpu.memory_space<vmem_shared>>
      tpu.enqueue_dma source(%arg9 : memref<128x64xbf16, #tpu.memory_space<vmem>>) target(%dma_start3A_102 : memref<128x64xbf16, #tpu.memory_space<vmem_shared>>) target_semaphore(%run_scoped3A : memref<!tpu.dma_semaphore, #tpu.memory_space<semaphore_mem>>)
      %dma_wait3A_103 = arith.constant 0 : i32
      %dma_wait3A_104 = tpu.memref_slice %arg13[%add3A_14, %dma_wait3A_103] : memref<10240x64xbf16, #tpu.memory_space<vmem_shared>> -> memref<128x64xbf16, #tpu.memory_space<vmem_shared>>
      %dma_wait3A_105 = arith.constant 0 : i32
      %dma_wait3A_106 = tpu.memref_slice %arg13[%add3A_14, %dma_wait3A_105] : memref<10240x64xbf16, #tpu.memory_space<vmem_shared>> -> memref<128x64xbf16, #tpu.memory_space<vmem_shared>>
      tpu.wait_dma2 semaphore(%run_scoped3A : memref<!tpu.dma_semaphore, #tpu.memory_space<semaphore_mem>>) src(%arg9 : memref<128x64xbf16, #tpu.memory_space<vmem>>) dst(%dma_wait3A_106 : memref<128x64xbf16, #tpu.memory_space<vmem_shared>>)
      tpu.yield
    }) : () -> ()
    %mul3A_15 = arith.constant 640 : i32
    %mul3A_16 = arith.muli %arg1, %mul3A_15 : i32
    %add3A_17 = arith.constant 128 : i32
    %add3A_18 = arith.addi %mul3A_16, %add3A_17 : i32
    "tpu.region"() ({
      %run_scoped3A = tpu.sem_alloc : memref<!tpu.dma_semaphore, #tpu.memory_space<semaphore_mem>>
      %dma_start3A_99 = arith.constant 0 : i32
      %dma_start3A_100 = tpu.memref_slice %arg13[%add3A_18, %dma_start3A_99] : memref<10240x64xbf16, #tpu.memory_space<vmem_shared>> -> memref<128x64xbf16, #tpu.memory_space<vmem_shared>>
      %dma_start3A_101 = arith.constant 0 : i32
      %dma_start3A_102 = tpu.memref_slice %arg13[%add3A_18, %dma_start3A_101] : memref<10240x64xbf16, #tpu.memory_space<vmem_shared>> -> memref<128x64xbf16, #tpu.memory_space<vmem_shared>>
      tpu.enqueue_dma source(%arg9 : memref<128x64xbf16, #tpu.memory_space<vmem>>) target(%dma_start3A_102 : memref<128x64xbf16, #tpu.memory_space<vmem_shared>>) target_semaphore(%run_scoped3A : memref<!tpu.dma_semaphore, #tpu.memory_space<semaphore_mem>>)
      %dma_wait3A_103 = arith.constant 0 : i32
      %dma_wait3A_104 = tpu.memref_slice %arg13[%add3A_18, %dma_wait3A_103] : memref<10240x64xbf16, #tpu.memory_space<vmem_shared>> -> memref<128x64xbf16, #tpu.memory_space<vmem_shared>>
      %dma_wait3A_105 = arith.constant 0 : i32
      %dma_wait3A_106 = tpu.memref_slice %arg13[%add3A_18, %dma_wait3A_105] : memref<10240x64xbf16, #tpu.memory_space<vmem_shared>> -> memref<128x64xbf16, #tpu.memory_space<vmem_shared>>
      tpu.wait_dma2 semaphore(%run_scoped3A : memref<!tpu.dma_semaphore, #tpu.memory_space<semaphore_mem>>) src(%arg9 : memref<128x64xbf16, #tpu.memory_space<vmem>>) dst(%dma_wait3A_106 : memref<128x64xbf16, #tpu.memory_space<vmem_shared>>)
      tpu.yield
    }) : () -> ()
    %mul3A_19 = arith.constant 640 : i32
    %mul3A_20 = arith.muli %arg1, %mul3A_19 : i32
    %add3A_21 = arith.constant 256 : i32
    %add3A_22 = arith.addi %mul3A_20, %add3A_21 : i32
    "tpu.region"() ({
      %run_scoped3A = tpu.sem_alloc : memref<!tpu.dma_semaphore, #tpu.memory_space<semaphore_mem>>
      %dma_start3A_99 = arith.constant 0 : i32
      %dma_start3A_100 = tpu.memref_slice %arg13[%add3A_22, %dma_start3A_99] : memref<10240x64xbf16, #tpu.memory_space<vmem_shared>> -> memref<128x64xbf16, #tpu.memory_space<vmem_shared>>
      %dma_start3A_101 = arith.constant 0 : i32
      %dma_start3A_102 = tpu.memref_slice %arg13[%add3A_22, %dma_start3A_101] : memref<10240x64xbf16, #tpu.memory_space<vmem_shared>> -> memref<128x64xbf16, #tpu.memory_space<vmem_shared>>
      tpu.enqueue_dma source(%arg9 : memref<128x64xbf16, #tpu.memory_space<vmem>>) target(%dma_start3A_102 : memref<128x64xbf16, #tpu.memory_space<vmem_shared>>) target_semaphore(%run_scoped3A : memref<!tpu.dma_semaphore, #tpu.memory_space<semaphore_mem>>)
      %dma_wait3A_103 = arith.constant 0 : i32
      %dma_wait3A_104 = tpu.memref_slice %arg13[%add3A_22, %dma_wait3A_103] : memref<10240x64xbf16, #tpu.memory_space<vmem_shared>> -> memref<128x64xbf16, #tpu.memory_space<vmem_shared>>
      %dma_wait3A_105 = arith.constant 0 : i32
      %dma_wait3A_106 = tpu.memref_slice %arg13[%add3A_22, %dma_wait3A_105] : memref<10240x64xbf16, #tpu.memory_space<vmem_shared>> -> memref<128x64xbf16, #tpu.memory_space<vmem_shared>>
      tpu.wait_dma2 semaphore(%run_scoped3A : memref<!tpu.dma_semaphore, #tpu.memory_space<semaphore_mem>>) src(%arg9 : memref<128x64xbf16, #tpu.memory_space<vmem>>) dst(%dma_wait3A_106 : memref<128x64xbf16, #tpu.memory_space<vmem_shared>>)
      tpu.yield
    }) : () -> ()
    %mul3A_23 = arith.constant 640 : i32
    %mul3A_24 = arith.muli %arg1, %mul3A_23 : i32
    %add3A_25 = arith.constant 384 : i32
    %add3A_26 = arith.addi %mul3A_24, %add3A_25 : i32
    "tpu.region"() ({
      %run_scoped3A = tpu.sem_alloc : memref<!tpu.dma_semaphore, #tpu.memory_space<semaphore_mem>>
      %dma_start3A_99 = arith.constant 0 : i32
      %dma_start3A_100 = tpu.memref_slice %arg13[%add3A_26, %dma_start3A_99] : memref<10240x64xbf16, #tpu.memory_space<vmem_shared>> -> memref<128x64xbf16, #tpu.memory_space<vmem_shared>>
      %dma_start3A_101 = arith.constant 0 : i32
      %dma_start3A_102 = tpu.memref_slice %arg13[%add3A_26, %dma_start3A_101] : memref<10240x64xbf16, #tpu.memory_space<vmem_shared>> -> memref<128x64xbf16, #tpu.memory_space<vmem_shared>>
      tpu.enqueue_dma source(%arg9 : memref<128x64xbf16, #tpu.memory_space<vmem>>) target(%dma_start3A_102 : memref<128x64xbf16, #tpu.memory_space<vmem_shared>>) target_semaphore(%run_scoped3A : memref<!tpu.dma_semaphore, #tpu.memory_space<semaphore_mem>>)
      %dma_wait3A_103 = arith.constant 0 : i32
      %dma_wait3A_104 = tpu.memref_slice %arg13[%add3A_26, %dma_wait3A_103] : memref<10240x64xbf16, #tpu.memory_space<vmem_shared>> -> memref<128x64xbf16, #tpu.memory_space<vmem_shared>>
      %dma_wait3A_105 = arith.constant 0 : i32
      %dma_wait3A_106 = tpu.memref_slice %arg13[%add3A_26, %dma_wait3A_105] : memref<10240x64xbf16, #tpu.memory_space<vmem_shared>> -> memref<128x64xbf16, #tpu.memory_space<vmem_shared>>
      tpu.wait_dma2 semaphore(%run_scoped3A : memref<!tpu.dma_semaphore, #tpu.memory_space<semaphore_mem>>) src(%arg9 : memref<128x64xbf16, #tpu.memory_space<vmem>>) dst(%dma_wait3A_106 : memref<128x64xbf16, #tpu.memory_space<vmem_shared>>)
      tpu.yield
    }) : () -> ()
    %mul3A_27 = arith.constant 640 : i32
    %mul3A_28 = arith.muli %arg1, %mul3A_27 : i32
    %add3A_29 = arith.constant 512 : i32
    %add3A_30 = arith.addi %mul3A_28, %add3A_29 : i32
    "tpu.region"() ({
      %run_scoped3A = tpu.sem_alloc : memref<!tpu.dma_semaphore, #tpu.memory_space<semaphore_mem>>
      %dma_start3A_99 = arith.constant 0 : i32
      %dma_start3A_100 = tpu.memref_slice %arg13[%add3A_30, %dma_start3A_99] : memref<10240x64xbf16, #tpu.memory_space<vmem_shared>> -> memref<128x64xbf16, #tpu.memory_space<vmem_shared>>
      %dma_start3A_101 = arith.constant 0 : i32
      %dma_start3A_102 = tpu.memref_slice %arg13[%add3A_30, %dma_start3A_101] : memref<10240x64xbf16, #tpu.memory_space<vmem_shared>> -> memref<128x64xbf16, #tpu.memory_space<vmem_shared>>
      tpu.enqueue_dma source(%arg9 : memref<128x64xbf16, #tpu.memory_space<vmem>>) target(%dma_start3A_102 : memref<128x64xbf16, #tpu.memory_space<vmem_shared>>) target_semaphore(%run_scoped3A : memref<!tpu.dma_semaphore, #tpu.memory_space<semaphore_mem>>)
      %dma_wait3A_103 = arith.constant 0 : i32
      %dma_wait3A_104 = tpu.memref_slice %arg13[%add3A_30, %dma_wait3A_103] : memref<10240x64xbf16, #tpu.memory_space<vmem_shared>> -> memref<128x64xbf16, #tpu.memory_space<vmem_shared>>
      %dma_wait3A_105 = arith.constant 0 : i32
      %dma_wait3A_106 = tpu.memref_slice %arg13[%add3A_30, %dma_wait3A_105] : memref<10240x64xbf16, #tpu.memory_space<vmem_shared>> -> memref<128x64xbf16, #tpu.memory_space<vmem_shared>>
      tpu.wait_dma2 semaphore(%run_scoped3A : memref<!tpu.dma_semaphore, #tpu.memory_space<semaphore_mem>>) src(%arg9 : memref<128x64xbf16, #tpu.memory_space<vmem>>) dst(%dma_wait3A_106 : memref<128x64xbf16, #tpu.memory_space<vmem_shared>>)
      tpu.yield
    }) : () -> ()
    "tpu.region"() ({
      %run_scoped3A = tpu.sem_alloc : memref<!tpu.dma_semaphore, #tpu.memory_space<semaphore_mem>>
      %dma_start3A_99 = arith.constant 0 : i32
      %dma_start3A_100 = arith.constant 0 : i32
      %dma_start3A_101 = tpu.memref_slice %arg3[%add3A, %dma_start3A_99, %dma_start3A_100] : memref<32x80x128xi32, #tpu.memory_space<hbm>> -> memref<1x80x128xi32, #tpu.memory_space<hbm>>
      %dma_start3A_102 = tpu.memref_squeeze %dma_start3A_101 : memref<1x80x128xi32, #tpu.memory_space<hbm>> -> memref<80x128xi32, #tpu.memory_space<hbm>>
      %dma_start3A_103 = arith.constant 0 : i32
      %dma_start3A_104 = arith.constant 0 : i32
      %dma_start3A_105 = tpu.memref_slice %arg3[%add3A, %dma_start3A_103, %dma_start3A_104] : memref<32x80x128xi32, #tpu.memory_space<hbm>> -> memref<1x80x128xi32, #tpu.memory_space<hbm>>
      %dma_start3A_106 = tpu.memref_squeeze %dma_start3A_105 : memref<1x80x128xi32, #tpu.memory_space<hbm>> -> memref<80x128xi32, #tpu.memory_space<hbm>>
      tpu.enqueue_dma source(%dma_start3A_106 : memref<80x128xi32, #tpu.memory_space<hbm>>) target(%arg7 : memref<80x128xi32, #tpu.memory_space<vmem>>) target_semaphore(%run_scoped3A : memref<!tpu.dma_semaphore, #tpu.memory_space<semaphore_mem>>)
      %dma_wait3A_107 = arith.constant 0 : i32
      %dma_wait3A_108 = arith.constant 0 : i32
      %dma_wait3A_109 = tpu.memref_slice %arg3[%add3A, %dma_wait3A_107, %dma_wait3A_108] : memref<32x80x128xi32, #tpu.memory_space<hbm>> -> memref<1x80x128xi32, #tpu.memory_space<hbm>>
      %dma_wait3A_110 = tpu.memref_squeeze %dma_wait3A_109 : memref<1x80x128xi32, #tpu.memory_space<hbm>> -> memref<80x128xi32, #tpu.memory_space<hbm>>
      %dma_wait3A_111 = arith.constant 0 : i32
      %dma_wait3A_112 = arith.constant 0 : i32
      %dma_wait3A_113 = tpu.memref_slice %arg3[%add3A, %dma_wait3A_111, %dma_wait3A_112] : memref<32x80x128xi32, #tpu.memory_space<hbm>> -> memref<1x80x128xi32, #tpu.memory_space<hbm>>
      %dma_wait3A_114 = tpu.memref_squeeze %dma_wait3A_113 : memref<1x80x128xi32, #tpu.memory_space<hbm>> -> memref<80x128xi32, #tpu.memory_space<hbm>>
      tpu.wait_dma2 semaphore(%run_scoped3A : memref<!tpu.dma_semaphore, #tpu.memory_space<semaphore_mem>>) src(%dma_wait3A_114 : memref<80x128xi32, #tpu.memory_space<hbm>>) dst(%arg7 : memref<80x128xi32, #tpu.memory_space<vmem>>)
      tpu.yield
    }) : () -> ()
    "tpu.region"() ({
      %run_scoped3A = tpu.sem_alloc : memref<!tpu.dma_semaphore, #tpu.memory_space<semaphore_mem>>
      %dma_start3A_99 = arith.constant 0 : i32
      %dma_start3A_100 = arith.constant 0 : i32
      %dma_start3A_101 = tpu.memref_slice %arg4[%add3A, %dma_start3A_99, %dma_start3A_100] : memref<32x80x128xi32, #tpu.memory_space<hbm>> -> memref<1x80x128xi32, #tpu.memory_space<hbm>>
      %dma_start3A_102 = tpu.memref_squeeze %dma_start3A_101 : memref<1x80x128xi32, #tpu.memory_space<hbm>> -> memref<80x128xi32, #tpu.memory_space<hbm>>
      %dma_start3A_103 = arith.constant 0 : i32
      %dma_start3A_104 = arith.constant 0 : i32
      %dma_start3A_105 = tpu.memref_slice %arg4[%add3A, %dma_start3A_103, %dma_start3A_104] : memref<32x80x128xi32, #tpu.memory_space<hbm>> -> memref<1x80x128xi32, #tpu.memory_space<hbm>>
      %dma_start3A_106 = tpu.memref_squeeze %dma_start3A_105 : memref<1x80x128xi32, #tpu.memory_space<hbm>> -> memref<80x128xi32, #tpu.memory_space<hbm>>
      tpu.enqueue_dma source(%dma_start3A_106 : memref<80x128xi32, #tpu.memory_space<hbm>>) target(%arg8 : memref<80x128xi32, #tpu.memory_space<vmem>>) target_semaphore(%run_scoped3A : memref<!tpu.dma_semaphore, #tpu.memory_space<semaphore_mem>>)
      %dma_wait3A_107 = arith.constant 0 : i32
      %dma_wait3A_108 = arith.constant 0 : i32
      %dma_wait3A_109 = tpu.memref_slice %arg4[%add3A, %dma_wait3A_107, %dma_wait3A_108] : memref<32x80x128xi32, #tpu.memory_space<hbm>> -> memref<1x80x128xi32, #tpu.memory_space<hbm>>
      %dma_wait3A_110 = tpu.memref_squeeze %dma_wait3A_109 : memref<1x80x128xi32, #tpu.memory_space<hbm>> -> memref<80x128xi32, #tpu.memory_space<hbm>>
      %dma_wait3A_111 = arith.constant 0 : i32
      %dma_wait3A_112 = arith.constant 0 : i32
      %dma_wait3A_113 = tpu.memref_slice %arg4[%add3A, %dma_wait3A_111, %dma_wait3A_112] : memref<32x80x128xi32, #tpu.memory_space<hbm>> -> memref<1x80x128xi32, #tpu.memory_space<hbm>>
      %dma_wait3A_114 = tpu.memref_squeeze %dma_wait3A_113 : memref<1x80x128xi32, #tpu.memory_space<hbm>> -> memref<80x128xi32, #tpu.memory_space<hbm>>
      tpu.wait_dma2 semaphore(%run_scoped3A : memref<!tpu.dma_semaphore, #tpu.memory_space<semaphore_mem>>) src(%dma_wait3A_114 : memref<80x128xi32, #tpu.memory_space<hbm>>) dst(%arg8 : memref<80x128xi32, #tpu.memory_space<vmem>>)
      tpu.yield
    }) : () -> ()
    %barrier3A = arith.constant 0 : index
    tpu.barrier barrier_id(%barrier3A)
    %dma_start3A = arith.constant 0 : i32
    %dma_start3A_31 = arith.constant 0 : i32
    %dma_start3A_32 = tpu.memref_slice %arg7[%dma_start3A, %dma_start3A_31] : memref<80x128xi32, #tpu.memory_space<vmem>> -> memref<1x128xi32, #tpu.memory_space<vmem>>
    %dma_start3A_33 = tpu.memref_squeeze %dma_start3A_32 : memref<1x128xi32, #tpu.memory_space<vmem>> -> memref<128xi32, #tpu.memory_space<vmem>>
    %dma_start3A_34 = arith.constant 0 : i32
    %dma_start3A_35 = arith.constant 0 : i32
    %dma_start3A_36 = tpu.memref_slice %arg14[%dma_start3A_34, %dma_start3A_35] : memref<10000x64xbf16, #tpu.memory_space<vmem_shared>> -> memref<10000x64xbf16, #tpu.memory_space<vmem_shared>>
    tpu.enqueue_indirect_dma source(%dma_start3A_36 : memref<10000x64xbf16, #tpu.memory_space<vmem_shared>>) target(%arg9 : memref<128x64xbf16, #tpu.memory_space<vmem>>) offsets(%dma_start3A_33 : memref<128xi32, #tpu.memory_space<vmem>>) semaphore(%arg15 : memref<!tpu.dma_semaphore, #tpu.memory_space<semaphore_mem>>)
    %dma_start3A_37 = arith.constant 1 : i32
    %dma_start3A_38 = arith.constant 0 : i32
    %dma_start3A_39 = tpu.memref_slice %arg7[%dma_start3A_37, %dma_start3A_38] : memref<80x128xi32, #tpu.memory_space<vmem>> -> memref<1x128xi32, #tpu.memory_space<vmem>>
    %dma_start3A_40 = tpu.memref_squeeze %dma_start3A_39 : memref<1x128xi32, #tpu.memory_space<vmem>> -> memref<128xi32, #tpu.memory_space<vmem>>
    %dma_start3A_41 = arith.constant 0 : i32
    %dma_start3A_42 = arith.constant 0 : i32
    %dma_start3A_43 = tpu.memref_slice %arg14[%dma_start3A_41, %dma_start3A_42] : memref<10000x64xbf16, #tpu.memory_space<vmem_shared>> -> memref<10000x64xbf16, #tpu.memory_space<vmem_shared>>
    tpu.enqueue_indirect_dma source(%dma_start3A_43 : memref<10000x64xbf16, #tpu.memory_space<vmem_shared>>) target(%arg10 : memref<128x64xbf16, #tpu.memory_space<vmem>>) offsets(%dma_start3A_40 : memref<128xi32, #tpu.memory_space<vmem>>) semaphore(%arg16 : memref<!tpu.dma_semaphore, #tpu.memory_space<semaphore_mem>>)
    %dma_start3A_44 = arith.constant 2 : i32
    %dma_start3A_45 = arith.constant 0 : i32
    %dma_start3A_46 = tpu.memref_slice %arg7[%dma_start3A_44, %dma_start3A_45] : memref<80x128xi32, #tpu.memory_space<vmem>> -> memref<1x128xi32, #tpu.memory_space<vmem>>
    %dma_start3A_47 = tpu.memref_squeeze %dma_start3A_46 : memref<1x128xi32, #tpu.memory_space<vmem>> -> memref<128xi32, #tpu.memory_space<vmem>>
    %dma_start3A_48 = arith.constant 0 : i32
    %dma_start3A_49 = arith.constant 0 : i32
    %dma_start3A_50 = tpu.memref_slice %arg14[%dma_start3A_48, %dma_start3A_49] : memref<10000x64xbf16, #tpu.memory_space<vmem_shared>> -> memref<10000x64xbf16, #tpu.memory_space<vmem_shared>>
    tpu.enqueue_indirect_dma source(%dma_start3A_50 : memref<10000x64xbf16, #tpu.memory_space<vmem_shared>>) target(%arg11 : memref<128x64xbf16, #tpu.memory_space<vmem>>) offsets(%dma_start3A_47 : memref<128xi32, #tpu.memory_space<vmem>>) semaphore(%arg17 : memref<!tpu.dma_semaphore, #tpu.memory_space<semaphore_mem>>)
    %dma_start3A_51 = arith.constant 3 : i32
    %dma_start3A_52 = arith.constant 0 : i32
    %dma_start3A_53 = tpu.memref_slice %arg7[%dma_start3A_51, %dma_start3A_52] : memref<80x128xi32, #tpu.memory_space<vmem>> -> memref<1x128xi32, #tpu.memory_space<vmem>>
    %dma_start3A_54 = tpu.memref_squeeze %dma_start3A_53 : memref<1x128xi32, #tpu.memory_space<vmem>> -> memref<128xi32, #tpu.memory_space<vmem>>
    %dma_start3A_55 = arith.constant 0 : i32
    %dma_start3A_56 = arith.constant 0 : i32
    %dma_start3A_57 = tpu.memref_slice %arg14[%dma_start3A_55, %dma_start3A_56] : memref<10000x64xbf16, #tpu.memory_space<vmem_shared>> -> memref<10000x64xbf16, #tpu.memory_space<vmem_shared>>
    tpu.enqueue_indirect_dma source(%dma_start3A_57 : memref<10000x64xbf16, #tpu.memory_space<vmem_shared>>) target(%arg12 : memref<128x64xbf16, #tpu.memory_space<vmem>>) offsets(%dma_start3A_54 : memref<128xi32, #tpu.memory_space<vmem>>) semaphore(%arg18 : memref<!tpu.dma_semaphore, #tpu.memory_space<semaphore_mem>>)
    %scan3A_58 = arith.constant 0 : i32
    %scan3A_59 = arith.constant 0 : i32
    %scan3A_60 = arith.constant 20 : i32
    %scan3A_61 = arith.addi %scan3A_59, %scan3A_60 : i32
    %scan3A_62 = arith.constant 1 : i32
    scf.for %scan3A_99 = %scan3A_59 to %scan3A_61 step %scan3A_62  : i32 {
      %mul3A_100 = arith.constant 4 : i32
      %mul3A_101 = arith.muli %scan3A_99, %mul3A_100 : i32
      %add3A_102 = arith.constant 0 : i32
      %add3A_103 = arith.addi %mul3A_101, %add3A_102 : i32
      %dma_wait3A_104 = arith.constant 0 : i32
      %dma_wait3A_105 = tpu.memref_slice %arg7[%add3A_103, %dma_wait3A_104] : memref<80x128xi32, #tpu.memory_space<vmem>> -> memref<1x128xi32, #tpu.memory_space<vmem>>
      %dma_wait3A_106 = tpu.memref_squeeze %dma_wait3A_105 : memref<1x128xi32, #tpu.memory_space<vmem>> -> memref<128xi32, #tpu.memory_space<vmem>>
      %dma_wait3A_107 = arith.constant 0 : i32
      %dma_wait3A_108 = arith.constant 0 : i32
      %dma_wait3A_109 = tpu.memref_slice %arg14[%dma_wait3A_107, %dma_wait3A_108] : memref<10000x64xbf16, #tpu.memory_space<vmem_shared>> -> memref<10000x64xbf16, #tpu.memory_space<vmem_shared>>
      tpu.wait_indirect_dma semaphore(%arg15 : memref<!tpu.dma_semaphore, #tpu.memory_space<semaphore_mem>>) src(%dma_wait3A_109 : memref<10000x64xbf16, #tpu.memory_space<vmem_shared>>) dst(%arg9 : memref<128x64xbf16, #tpu.memory_space<vmem>>)
      %dma_start3A_110 = arith.constant 0 : i32
      %dma_start3A_111 = tpu.memref_slice %arg8[%add3A_103, %dma_start3A_110] : memref<80x128xi32, #tpu.memory_space<vmem>> -> memref<1x128xi32, #tpu.memory_space<vmem>>
      %dma_start3A_112 = tpu.memref_squeeze %dma_start3A_111 : memref<1x128xi32, #tpu.memory_space<vmem>> -> memref<128xi32, #tpu.memory_space<vmem>>
      %dma_start3A_113 = arith.constant 0 : i32
      %dma_start3A_114 = arith.constant 0 : i32
      %dma_start3A_115 = tpu.memref_slice %arg13[%dma_start3A_113, %dma_start3A_114] : memref<10240x64xbf16, #tpu.memory_space<vmem_shared>> -> memref<10240x64xbf16, #tpu.memory_space<vmem_shared>>
      tpu.enqueue_indirect_dma source(%arg9 : memref<128x64xbf16, #tpu.memory_space<vmem>>) target(%dma_start3A_115 : memref<10240x64xbf16, #tpu.memory_space<vmem_shared>>) offsets(%dma_start3A_112 : memref<128xi32, #tpu.memory_space<vmem>>) semaphore(%arg19 : memref<!tpu.dma_semaphore, #tpu.memory_space<semaphore_mem>>) {add = true}
      %add3A_116 = arith.constant 4 : i32
      %add3A_117 = arith.addi %add3A_103, %add3A_116 : i32
      %lt3A = arith.constant 80 : i32
      %lt3A_118 = arith.cmpi slt, %add3A_117, %lt3A : i32
      %convert_element_type3A_119 = arith.extui %lt3A_118 : i1 to i32
      %cond3A_120 = arith.constant 0 : i32
      %cond3A_121 = arith.cmpi ne, %convert_element_type3A_119, %cond3A_120 : i32
      scf.if %cond3A_121 {
        %dma_wait3A_191 = arith.constant 0 : i32
        %dma_wait3A_192 = tpu.memref_slice %arg8[%add3A_103, %dma_wait3A_191] : memref<80x128xi32, #tpu.memory_space<vmem>> -> memref<1x128xi32, #tpu.memory_space<vmem>>
        %dma_wait3A_193 = tpu.memref_squeeze %dma_wait3A_192 : memref<1x128xi32, #tpu.memory_space<vmem>> -> memref<128xi32, #tpu.memory_space<vmem>>
        %dma_wait3A_194 = arith.constant 0 : i32
        %dma_wait3A_195 = arith.constant 0 : i32
        %dma_wait3A_196 = tpu.memref_slice %arg13[%dma_wait3A_194, %dma_wait3A_195] : memref<10240x64xbf16, #tpu.memory_space<vmem_shared>> -> memref<10240x64xbf16, #tpu.memory_space<vmem_shared>>
        tpu.wait_indirect_dma semaphore(%arg19 : memref<!tpu.dma_semaphore, #tpu.memory_space<semaphore_mem>>) src(%arg9 : memref<128x64xbf16, #tpu.memory_space<vmem>>) dst(%dma_wait3A_196 : memref<10240x64xbf16, #tpu.memory_space<vmem_shared>>)
        %add3A_197 = arith.constant 4 : i32
        %add3A_198 = arith.addi %add3A_103, %add3A_197 : i32
        %dma_start3A_199 = arith.constant 0 : i32
        %dma_start3A_200 = tpu.memref_slice %arg7[%add3A_198, %dma_start3A_199] : memref<80x128xi32, #tpu.memory_space<vmem>> -> memref<1x128xi32, #tpu.memory_space<vmem>>
        %dma_start3A_201 = tpu.memref_squeeze %dma_start3A_200 : memref<1x128xi32, #tpu.memory_space<vmem>> -> memref<128xi32, #tpu.memory_space<vmem>>
        %dma_start3A_202 = arith.constant 0 : i32
        %dma_start3A_203 = arith.constant 0 : i32
        %dma_start3A_204 = tpu.memref_slice %arg14[%dma_start3A_202, %dma_start3A_203] : memref<10000x64xbf16, #tpu.memory_space<vmem_shared>> -> memref<10000x64xbf16, #tpu.memory_space<vmem_shared>>
        tpu.enqueue_indirect_dma source(%dma_start3A_204 : memref<10000x64xbf16, #tpu.memory_space<vmem_shared>>) target(%arg9 : memref<128x64xbf16, #tpu.memory_space<vmem>>) offsets(%dma_start3A_201 : memref<128xi32, #tpu.memory_space<vmem>>) semaphore(%arg15 : memref<!tpu.dma_semaphore, #tpu.memory_space<semaphore_mem>>)
      } else {
      }
      %mul3A_122 = arith.constant 4 : i32
      %mul3A_123 = arith.muli %scan3A_99, %mul3A_122 : i32
      %add3A_124 = arith.constant 1 : i32
      %add3A_125 = arith.addi %mul3A_123, %add3A_124 : i32
      %dma_wait3A_126 = arith.constant 0 : i32
      %dma_wait3A_127 = tpu.memref_slice %arg7[%add3A_125, %dma_wait3A_126] : memref<80x128xi32, #tpu.memory_space<vmem>> -> memref<1x128xi32, #tpu.memory_space<vmem>>
      %dma_wait3A_128 = tpu.memref_squeeze %dma_wait3A_127 : memref<1x128xi32, #tpu.memory_space<vmem>> -> memref<128xi32, #tpu.memory_space<vmem>>
      %dma_wait3A_129 = arith.constant 0 : i32
      %dma_wait3A_130 = arith.constant 0 : i32
      %dma_wait3A_131 = tpu.memref_slice %arg14[%dma_wait3A_129, %dma_wait3A_130] : memref<10000x64xbf16, #tpu.memory_space<vmem_shared>> -> memref<10000x64xbf16, #tpu.memory_space<vmem_shared>>
      tpu.wait_indirect_dma semaphore(%arg16 : memref<!tpu.dma_semaphore, #tpu.memory_space<semaphore_mem>>) src(%dma_wait3A_131 : memref<10000x64xbf16, #tpu.memory_space<vmem_shared>>) dst(%arg10 : memref<128x64xbf16, #tpu.memory_space<vmem>>)
      %dma_start3A_132 = arith.constant 0 : i32
      %dma_start3A_133 = tpu.memref_slice %arg8[%add3A_125, %dma_start3A_132] : memref<80x128xi32, #tpu.memory_space<vmem>> -> memref<1x128xi32, #tpu.memory_space<vmem>>
      %dma_start3A_134 = tpu.memref_squeeze %dma_start3A_133 : memref<1x128xi32, #tpu.memory_space<vmem>> -> memref<128xi32, #tpu.memory_space<vmem>>
      %dma_start3A_135 = arith.constant 0 : i32
      %dma_start3A_136 = arith.constant 0 : i32
      %dma_start3A_137 = tpu.memref_slice %arg13[%dma_start3A_135, %dma_start3A_136] : memref<10240x64xbf16, #tpu.memory_space<vmem_shared>> -> memref<10240x64xbf16, #tpu.memory_space<vmem_shared>>
      tpu.enqueue_indirect_dma source(%arg10 : memref<128x64xbf16, #tpu.memory_space<vmem>>) target(%dma_start3A_137 : memref<10240x64xbf16, #tpu.memory_space<vmem_shared>>) offsets(%dma_start3A_134 : memref<128xi32, #tpu.memory_space<vmem>>) semaphore(%arg20 : memref<!tpu.dma_semaphore, #tpu.memory_space<semaphore_mem>>) {add = true}
      %add3A_138 = arith.constant 4 : i32
      %add3A_139 = arith.addi %add3A_125, %add3A_138 : i32
      %lt3A_140 = arith.constant 80 : i32
      %lt3A_141 = arith.cmpi slt, %add3A_139, %lt3A_140 : i32
      %convert_element_type3A_142 = arith.extui %lt3A_141 : i1 to i32
      %cond3A_143 = arith.constant 0 : i32
      %cond3A_144 = arith.cmpi ne, %convert_element_type3A_142, %cond3A_143 : i32
      scf.if %cond3A_144 {
        %dma_wait3A_191 = arith.constant 0 : i32
        %dma_wait3A_192 = tpu.memref_slice %arg8[%add3A_125, %dma_wait3A_191] : memref<80x128xi32, #tpu.memory_space<vmem>> -> memref<1x128xi32, #tpu.memory_space<vmem>>
        %dma_wait3A_193 = tpu.memref_squeeze %dma_wait3A_192 : memref<1x128xi32, #tpu.memory_space<vmem>> -> memref<128xi32, #tpu.memory_space<vmem>>
        %dma_wait3A_194 = arith.constant 0 : i32
        %dma_wait3A_195 = arith.constant 0 : i32
        %dma_wait3A_196 = tpu.memref_slice %arg13[%dma_wait3A_194, %dma_wait3A_195] : memref<10240x64xbf16, #tpu.memory_space<vmem_shared>> -> memref<10240x64xbf16, #tpu.memory_space<vmem_shared>>
        tpu.wait_indirect_dma semaphore(%arg20 : memref<!tpu.dma_semaphore, #tpu.memory_space<semaphore_mem>>) src(%arg10 : memref<128x64xbf16, #tpu.memory_space<vmem>>) dst(%dma_wait3A_196 : memref<10240x64xbf16, #tpu.memory_space<vmem_shared>>)
        %add3A_197 = arith.constant 4 : i32
        %add3A_198 = arith.addi %add3A_125, %add3A_197 : i32
        %dma_start3A_199 = arith.constant 0 : i32
        %dma_start3A_200 = tpu.memref_slice %arg7[%add3A_198, %dma_start3A_199] : memref<80x128xi32, #tpu.memory_space<vmem>> -> memref<1x128xi32, #tpu.memory_space<vmem>>
        %dma_start3A_201 = tpu.memref_squeeze %dma_start3A_200 : memref<1x128xi32, #tpu.memory_space<vmem>> -> memref<128xi32, #tpu.memory_space<vmem>>
        %dma_start3A_202 = arith.constant 0 : i32
        %dma_start3A_203 = arith.constant 0 : i32
        %dma_start3A_204 = tpu.memref_slice %arg14[%dma_start3A_202, %dma_start3A_203] : memref<10000x64xbf16, #tpu.memory_space<vmem_shared>> -> memref<10000x64xbf16, #tpu.memory_space<vmem_shared>>
        tpu.enqueue_indirect_dma source(%dma_start3A_204 : memref<10000x64xbf16, #tpu.memory_space<vmem_shared>>) target(%arg10 : memref<128x64xbf16, #tpu.memory_space<vmem>>) offsets(%dma_start3A_201 : memref<128xi32, #tpu.memory_space<vmem>>) semaphore(%arg16 : memref<!tpu.dma_semaphore, #tpu.memory_space<semaphore_mem>>)
      } else {
      }
      %mul3A_145 = arith.constant 4 : i32
      %mul3A_146 = arith.muli %scan3A_99, %mul3A_145 : i32
      %add3A_147 = arith.constant 2 : i32
      %add3A_148 = arith.addi %mul3A_146, %add3A_147 : i32
      %dma_wait3A_149 = arith.constant 0 : i32
      %dma_wait3A_150 = tpu.memref_slice %arg7[%add3A_148, %dma_wait3A_149] : memref<80x128xi32, #tpu.memory_space<vmem>> -> memref<1x128xi32, #tpu.memory_space<vmem>>
      %dma_wait3A_151 = tpu.memref_squeeze %dma_wait3A_150 : memref<1x128xi32, #tpu.memory_space<vmem>> -> memref<128xi32, #tpu.memory_space<vmem>>
      %dma_wait3A_152 = arith.constant 0 : i32
      %dma_wait3A_153 = arith.constant 0 : i32
      %dma_wait3A_154 = tpu.memref_slice %arg14[%dma_wait3A_152, %dma_wait3A_153] : memref<10000x64xbf16, #tpu.memory_space<vmem_shared>> -> memref<10000x64xbf16, #tpu.memory_space<vmem_shared>>
      tpu.wait_indirect_dma semaphore(%arg17 : memref<!tpu.dma_semaphore, #tpu.memory_space<semaphore_mem>>) src(%dma_wait3A_154 : memref<10000x64xbf16, #tpu.memory_space<vmem_shared>>) dst(%arg11 : memref<128x64xbf16, #tpu.memory_space<vmem>>)
      %dma_start3A_155 = arith.constant 0 : i32
      %dma_start3A_156 = tpu.memref_slice %arg8[%add3A_148, %dma_start3A_155] : memref<80x128xi32, #tpu.memory_space<vmem>> -> memref<1x128xi32, #tpu.memory_space<vmem>>
      %dma_start3A_157 = tpu.memref_squeeze %dma_start3A_156 : memref<1x128xi32, #tpu.memory_space<vmem>> -> memref<128xi32, #tpu.memory_space<vmem>>
      %dma_start3A_158 = arith.constant 0 : i32
      %dma_start3A_159 = arith.constant 0 : i32
      %dma_start3A_160 = tpu.memref_slice %arg13[%dma_start3A_158, %dma_start3A_159] : memref<10240x64xbf16, #tpu.memory_space<vmem_shared>> -> memref<10240x64xbf16, #tpu.memory_space<vmem_shared>>
      tpu.enqueue_indirect_dma source(%arg11 : memref<128x64xbf16, #tpu.memory_space<vmem>>) target(%dma_start3A_160 : memref<10240x64xbf16, #tpu.memory_space<vmem_shared>>) offsets(%dma_start3A_157 : memref<128xi32, #tpu.memory_space<vmem>>) semaphore(%arg21 : memref<!tpu.dma_semaphore, #tpu.memory_space<semaphore_mem>>) {add = true}
      %add3A_161 = arith.constant 4 : i32
      %add3A_162 = arith.addi %add3A_148, %add3A_161 : i32
      %lt3A_163 = arith.constant 80 : i32
      %lt3A_164 = arith.cmpi slt, %add3A_162, %lt3A_163 : i32
      %convert_element_type3A_165 = arith.extui %lt3A_164 : i1 to i32
      %cond3A_166 = arith.constant 0 : i32
      %cond3A_167 = arith.cmpi ne, %convert_element_type3A_165, %cond3A_166 : i32
      scf.if %cond3A_167 {
        %dma_wait3A_191 = arith.constant 0 : i32
        %dma_wait3A_192 = tpu.memref_slice %arg8[%add3A_148, %dma_wait3A_191] : memref<80x128xi32, #tpu.memory_space<vmem>> -> memref<1x128xi32, #tpu.memory_space<vmem>>
        %dma_wait3A_193 = tpu.memref_squeeze %dma_wait3A_192 : memref<1x128xi32, #tpu.memory_space<vmem>> -> memref<128xi32, #tpu.memory_space<vmem>>
        %dma_wait3A_194 = arith.constant 0 : i32
        %dma_wait3A_195 = arith.constant 0 : i32
        %dma_wait3A_196 = tpu.memref_slice %arg13[%dma_wait3A_194, %dma_wait3A_195] : memref<10240x64xbf16, #tpu.memory_space<vmem_shared>> -> memref<10240x64xbf16, #tpu.memory_space<vmem_shared>>
        tpu.wait_indirect_dma semaphore(%arg21 : memref<!tpu.dma_semaphore, #tpu.memory_space<semaphore_mem>>) src(%arg11 : memref<128x64xbf16, #tpu.memory_space<vmem>>) dst(%dma_wait3A_196 : memref<10240x64xbf16, #tpu.memory_space<vmem_shared>>)
        %add3A_197 = arith.constant 4 : i32
        %add3A_198 = arith.addi %add3A_148, %add3A_197 : i32
        %dma_start3A_199 = arith.constant 0 : i32
        %dma_start3A_200 = tpu.memref_slice %arg7[%add3A_198, %dma_start3A_199] : memref<80x128xi32, #tpu.memory_space<vmem>> -> memref<1x128xi32, #tpu.memory_space<vmem>>
        %dma_start3A_201 = tpu.memref_squeeze %dma_start3A_200 : memref<1x128xi32, #tpu.memory_space<vmem>> -> memref<128xi32, #tpu.memory_space<vmem>>
        %dma_start3A_202 = arith.constant 0 : i32
        %dma_start3A_203 = arith.constant 0 : i32
        %dma_start3A_204 = tpu.memref_slice %arg14[%dma_start3A_202, %dma_start3A_203] : memref<10000x64xbf16, #tpu.memory_space<vmem_shared>> -> memref<10000x64xbf16, #tpu.memory_space<vmem_shared>>
        tpu.enqueue_indirect_dma source(%dma_start3A_204 : memref<10000x64xbf16, #tpu.memory_space<vmem_shared>>) target(%arg11 : memref<128x64xbf16, #tpu.memory_space<vmem>>) offsets(%dma_start3A_201 : memref<128xi32, #tpu.memory_space<vmem>>) semaphore(%arg17 : memref<!tpu.dma_semaphore, #tpu.memory_space<semaphore_mem>>)
      } else {
      }
      %mul3A_168 = arith.constant 4 : i32
      %mul3A_169 = arith.muli %scan3A_99, %mul3A_168 : i32
      %add3A_170 = arith.constant 3 : i32
      %add3A_171 = arith.addi %mul3A_169, %add3A_170 : i32
      %dma_wait3A_172 = arith.constant 0 : i32
      %dma_wait3A_173 = tpu.memref_slice %arg7[%add3A_171, %dma_wait3A_172] : memref<80x128xi32, #tpu.memory_space<vmem>> -> memref<1x128xi32, #tpu.memory_space<vmem>>
      %dma_wait3A_174 = tpu.memref_squeeze %dma_wait3A_173 : memref<1x128xi32, #tpu.memory_space<vmem>> -> memref<128xi32, #tpu.memory_space<vmem>>
      %dma_wait3A_175 = arith.constant 0 : i32
      %dma_wait3A_176 = arith.constant 0 : i32
      %dma_wait3A_177 = tpu.memref_slice %arg14[%dma_wait3A_175, %dma_wait3A_176] : memref<10000x64xbf16, #tpu.memory_space<vmem_shared>> -> memref<10000x64xbf16, #tpu.memory_space<vmem_shared>>
      tpu.wait_indirect_dma semaphore(%arg18 : memref<!tpu.dma_semaphore, #tpu.memory_space<semaphore_mem>>) src(%dma_wait3A_177 : memref<10000x64xbf16, #tpu.memory_space<vmem_shared>>) dst(%arg12 : memref<128x64xbf16, #tpu.memory_space<vmem>>)
      %dma_start3A_178 = arith.constant 0 : i32
      %dma_start3A_179 = tpu.memref_slice %arg8[%add3A_171, %dma_start3A_178] : memref<80x128xi32, #tpu.memory_space<vmem>> -> memref<1x128xi32, #tpu.memory_space<vmem>>
      %dma_start3A_180 = tpu.memref_squeeze %dma_start3A_179 : memref<1x128xi32, #tpu.memory_space<vmem>> -> memref<128xi32, #tpu.memory_space<vmem>>
      %dma_start3A_181 = arith.constant 0 : i32
      %dma_start3A_182 = arith.constant 0 : i32
      %dma_start3A_183 = tpu.memref_slice %arg13[%dma_start3A_181, %dma_start3A_182] : memref<10240x64xbf16, #tpu.memory_space<vmem_shared>> -> memref<10240x64xbf16, #tpu.memory_space<vmem_shared>>
      tpu.enqueue_indirect_dma source(%arg12 : memref<128x64xbf16, #tpu.memory_space<vmem>>) target(%dma_start3A_183 : memref<10240x64xbf16, #tpu.memory_space<vmem_shared>>) offsets(%dma_start3A_180 : memref<128xi32, #tpu.memory_space<vmem>>) semaphore(%arg22 : memref<!tpu.dma_semaphore, #tpu.memory_space<semaphore_mem>>) {add = true}
      %add3A_184 = arith.constant 4 : i32
      %add3A_185 = arith.addi %add3A_171, %add3A_184 : i32
      %lt3A_186 = arith.constant 80 : i32
      %lt3A_187 = arith.cmpi slt, %add3A_185, %lt3A_186 : i32
      %convert_element_type3A_188 = arith.extui %lt3A_187 : i1 to i32
      %cond3A_189 = arith.constant 0 : i32
      %cond3A_190 = arith.cmpi ne, %convert_element_type3A_188, %cond3A_189 : i32
      scf.if %cond3A_190 {
        %dma_wait3A_191 = arith.constant 0 : i32
        %dma_wait3A_192 = tpu.memref_slice %arg8[%add3A_171, %dma_wait3A_191] : memref<80x128xi32, #tpu.memory_space<vmem>> -> memref<1x128xi32, #tpu.memory_space<vmem>>
        %dma_wait3A_193 = tpu.memref_squeeze %dma_wait3A_192 : memref<1x128xi32, #tpu.memory_space<vmem>> -> memref<128xi32, #tpu.memory_space<vmem>>
        %dma_wait3A_194 = arith.constant 0 : i32
        %dma_wait3A_195 = arith.constant 0 : i32
        %dma_wait3A_196 = tpu.memref_slice %arg13[%dma_wait3A_194, %dma_wait3A_195] : memref<10240x64xbf16, #tpu.memory_space<vmem_shared>> -> memref<10240x64xbf16, #tpu.memory_space<vmem_shared>>
        tpu.wait_indirect_dma semaphore(%arg22 : memref<!tpu.dma_semaphore, #tpu.memory_space<semaphore_mem>>) src(%arg12 : memref<128x64xbf16, #tpu.memory_space<vmem>>) dst(%dma_wait3A_196 : memref<10240x64xbf16, #tpu.memory_space<vmem_shared>>)
        %add3A_197 = arith.constant 4 : i32
        %add3A_198 = arith.addi %add3A_171, %add3A_197 : i32
        %dma_start3A_199 = arith.constant 0 : i32
        %dma_start3A_200 = tpu.memref_slice %arg7[%add3A_198, %dma_start3A_199] : memref<80x128xi32, #tpu.memory_space<vmem>> -> memref<1x128xi32, #tpu.memory_space<vmem>>
        %dma_start3A_201 = tpu.memref_squeeze %dma_start3A_200 : memref<1x128xi32, #tpu.memory_space<vmem>> -> memref<128xi32, #tpu.memory_space<vmem>>
        %dma_start3A_202 = arith.constant 0 : i32
        %dma_start3A_203 = arith.constant 0 : i32
        %dma_start3A_204 = tpu.memref_slice %arg14[%dma_start3A_202, %dma_start3A_203] : memref<10000x64xbf16, #tpu.memory_space<vmem_shared>> -> memref<10000x64xbf16, #tpu.memory_space<vmem_shared>>
        tpu.enqueue_indirect_dma source(%dma_start3A_204 : memref<10000x64xbf16, #tpu.memory_space<vmem_shared>>) target(%arg12 : memref<128x64xbf16, #tpu.memory_space<vmem>>) offsets(%dma_start3A_201 : memref<128xi32, #tpu.memory_space<vmem>>) semaphore(%arg18 : memref<!tpu.dma_semaphore, #tpu.memory_space<semaphore_mem>>)
      } else {
      }
    }
    %scan3A_63 = arith.constant 20 : i32
    %dma_wait3A = arith.constant 76 : i32
    %dma_wait3A_64 = arith.constant 0 : i32
    %dma_wait3A_65 = tpu.memref_slice %arg8[%dma_wait3A, %dma_wait3A_64] : memref<80x128xi32, #tpu.memory_space<vmem>> -> memref<1x128xi32, #tpu.memory_space<vmem>>
    %dma_wait3A_66 = tpu.memref_squeeze %dma_wait3A_65 : memref<1x128xi32, #tpu.memory_space<vmem>> -> memref<128xi32, #tpu.memory_space<vmem>>
    %dma_wait3A_67 = arith.constant 0 : i32
    %dma_wait3A_68 = arith.constant 0 : i32
    %dma_wait3A_69 = tpu.memref_slice %arg13[%dma_wait3A_67, %dma_wait3A_68] : memref<10240x64xbf16, #tpu.memory_space<vmem_shared>> -> memref<10240x64xbf16, #tpu.memory_space<vmem_shared>>
    tpu.wait_indirect_dma semaphore(%arg19 : memref<!tpu.dma_semaphore, #tpu.memory_space<semaphore_mem>>) src(%arg9 : memref<128x64xbf16, #tpu.memory_space<vmem>>) dst(%dma_wait3A_69 : memref<10240x64xbf16, #tpu.memory_space<vmem_shared>>)
    %dma_wait3A_70 = arith.constant 77 : i32
    %dma_wait3A_71 = arith.constant 0 : i32
    %dma_wait3A_72 = tpu.memref_slice %arg8[%dma_wait3A_70, %dma_wait3A_71] : memref<80x128xi32, #tpu.memory_space<vmem>> -> memref<1x128xi32, #tpu.memory_space<vmem>>
    %dma_wait3A_73 = tpu.memref_squeeze %dma_wait3A_72 : memref<1x128xi32, #tpu.memory_space<vmem>> -> memref<128xi32, #tpu.memory_space<vmem>>
    %dma_wait3A_74 = arith.constant 0 : i32
    %dma_wait3A_75 = arith.constant 0 : i32
    %dma_wait3A_76 = tpu.memref_slice %arg13[%dma_wait3A_74, %dma_wait3A_75] : memref<10240x64xbf16, #tpu.memory_space<vmem_shared>> -> memref<10240x64xbf16, #tpu.memory_space<vmem_shared>>
    tpu.wait_indirect_dma semaphore(%arg20 : memref<!tpu.dma_semaphore, #tpu.memory_space<semaphore_mem>>) src(%arg10 : memref<128x64xbf16, #tpu.memory_space<vmem>>) dst(%dma_wait3A_76 : memref<10240x64xbf16, #tpu.memory_space<vmem_shared>>)
    %dma_wait3A_77 = arith.constant 78 : i32
    %dma_wait3A_78 = arith.constant 0 : i32
    %dma_wait3A_79 = tpu.memref_slice %arg8[%dma_wait3A_77, %dma_wait3A_78] : memref<80x128xi32, #tpu.memory_space<vmem>> -> memref<1x128xi32, #tpu.memory_space<vmem>>
    %dma_wait3A_80 = tpu.memref_squeeze %dma_wait3A_79 : memref<1x128xi32, #tpu.memory_space<vmem>> -> memref<128xi32, #tpu.memory_space<vmem>>
    %dma_wait3A_81 = arith.constant 0 : i32
    %dma_wait3A_82 = arith.constant 0 : i32
    %dma_wait3A_83 = tpu.memref_slice %arg13[%dma_wait3A_81, %dma_wait3A_82] : memref<10240x64xbf16, #tpu.memory_space<vmem_shared>> -> memref<10240x64xbf16, #tpu.memory_space<vmem_shared>>
    tpu.wait_indirect_dma semaphore(%arg21 : memref<!tpu.dma_semaphore, #tpu.memory_space<semaphore_mem>>) src(%arg11 : memref<128x64xbf16, #tpu.memory_space<vmem>>) dst(%dma_wait3A_83 : memref<10240x64xbf16, #tpu.memory_space<vmem_shared>>)
    %dma_wait3A_84 = arith.constant 79 : i32
    %dma_wait3A_85 = arith.constant 0 : i32
    %dma_wait3A_86 = tpu.memref_slice %arg8[%dma_wait3A_84, %dma_wait3A_85] : memref<80x128xi32, #tpu.memory_space<vmem>> -> memref<1x128xi32, #tpu.memory_space<vmem>>
    %dma_wait3A_87 = tpu.memref_squeeze %dma_wait3A_86 : memref<1x128xi32, #tpu.memory_space<vmem>> -> memref<128xi32, #tpu.memory_space<vmem>>
    %dma_wait3A_88 = arith.constant 0 : i32
    %dma_wait3A_89 = arith.constant 0 : i32
    %dma_wait3A_90 = tpu.memref_slice %arg13[%dma_wait3A_88, %dma_wait3A_89] : memref<10240x64xbf16, #tpu.memory_space<vmem_shared>> -> memref<10240x64xbf16, #tpu.memory_space<vmem_shared>>
    tpu.wait_indirect_dma semaphore(%arg22 : memref<!tpu.dma_semaphore, #tpu.memory_space<semaphore_mem>>) src(%arg12 : memref<128x64xbf16, #tpu.memory_space<vmem>>) dst(%dma_wait3A_90 : memref<10240x64xbf16, #tpu.memory_space<vmem_shared>>)
    %barrier3A_91 = arith.constant 0 : index
    tpu.barrier barrier_id(%barrier3A_91)
    %eq3A = arith.constant 0 : i32
    %eq3A_92 = arith.cmpi eq, %arg0, %eq3A : i32
    %convert_element_type3A = arith.extui %eq3A_92 : i1 to i32
    %cond3A = arith.constant 0 : i32
    %cond3A_93 = arith.cmpi ne, %convert_element_type3A, %cond3A : i32
    scf.if %cond3A_93 {
      %mul3A_99 = arith.constant 625 : i32
      %mul3A_100 = arith.muli %arg1, %mul3A_99 : i32
      %mul3A_101 = arith.constant 625 : i32
      %mul3A_102 = arith.muli %arg1, %mul3A_101 : i32
      "tpu.region"() ({
        %run_scoped3A = tpu.sem_alloc : memref<!tpu.dma_semaphore, #tpu.memory_space<semaphore_mem>>
        %dma_start3A_103 = arith.constant 0 : i32
        %dma_start3A_104 = tpu.memref_slice %arg5[%mul3A_102, %dma_start3A_103] : memref<10000x64xbf16, #tpu.memory_space<hbm>> -> memref<625x64xbf16, #tpu.memory_space<hbm>>
        %dma_start3A_105 = arith.constant 0 : i32
        %dma_start3A_106 = tpu.memref_slice %arg13[%mul3A_100, %dma_start3A_105] : memref<10240x64xbf16, #tpu.memory_space<vmem_shared>> -> memref<625x64xbf16, #tpu.memory_space<vmem_shared>>
        tpu.enqueue_dma source(%dma_start3A_106 : memref<625x64xbf16, #tpu.memory_space<vmem_shared>>) target(%dma_start3A_104 : memref<625x64xbf16, #tpu.memory_space<hbm>>) target_semaphore(%run_scoped3A : memref<!tpu.dma_semaphore, #tpu.memory_space<semaphore_mem>>)
        %dma_wait3A_107 = arith.constant 0 : i32
        %dma_wait3A_108 = tpu.memref_slice %arg5[%mul3A_102, %dma_wait3A_107] : memref<10000x64xbf16, #tpu.memory_space<hbm>> -> memref<625x64xbf16, #tpu.memory_space<hbm>>
        %dma_wait3A_109 = arith.constant 0 : i32
        %dma_wait3A_110 = tpu.memref_slice %arg13[%mul3A_100, %dma_wait3A_109] : memref<10240x64xbf16, #tpu.memory_space<vmem_shared>> -> memref<625x64xbf16, #tpu.memory_space<vmem_shared>>
        tpu.wait_dma2 semaphore(%run_scoped3A : memref<!tpu.dma_semaphore, #tpu.memory_space<semaphore_mem>>) src(%dma_wait3A_110 : memref<625x64xbf16, #tpu.memory_space<vmem_shared>>) dst(%dma_wait3A_108 : memref<625x64xbf16, #tpu.memory_space<hbm>>)
        tpu.yield
      }) : () -> ()
    } else {
    }
    %eq3A_94 = arith.constant 1 : i32
    %eq3A_95 = arith.cmpi eq, %arg0, %eq3A_94 : i32
    %convert_element_type3A_96 = arith.extui %eq3A_95 : i1 to i32
    %cond3A_97 = arith.constant 0 : i32
    %cond3A_98 = arith.cmpi ne, %convert_element_type3A_96, %cond3A_97 : i32
    scf.if %cond3A_98 {
      %mul3A_99 = arith.constant 625 : i32
      %mul3A_100 = arith.muli %arg1, %mul3A_99 : i32
      %mul3A_101 = arith.constant 625 : i32
      %mul3A_102 = arith.muli %arg1, %mul3A_101 : i32
      "tpu.region"() ({
        %run_scoped3A = tpu.sem_alloc : memref<!tpu.dma_semaphore, #tpu.memory_space<semaphore_mem>>
        %dma_start3A_103 = arith.constant 0 : i32
        %dma_start3A_104 = tpu.memref_slice %arg6[%mul3A_102, %dma_start3A_103] : memref<10000x64xbf16, #tpu.memory_space<hbm>> -> memref<625x64xbf16, #tpu.memory_space<hbm>>
        %dma_start3A_105 = arith.constant 0 : i32
        %dma_start3A_106 = tpu.memref_slice %arg13[%mul3A_100, %dma_start3A_105] : memref<10240x64xbf16, #tpu.memory_space<vmem_shared>> -> memref<625x64xbf16, #tpu.memory_space<vmem_shared>>
        tpu.enqueue_dma source(%dma_start3A_106 : memref<625x64xbf16, #tpu.memory_space<vmem_shared>>) target(%dma_start3A_104 : memref<625x64xbf16, #tpu.memory_space<hbm>>) target_semaphore(%run_scoped3A : memref<!tpu.dma_semaphore, #tpu.memory_space<semaphore_mem>>)
        %dma_wait3A_107 = arith.constant 0 : i32
        %dma_wait3A_108 = tpu.memref_slice %arg6[%mul3A_102, %dma_wait3A_107] : memref<10000x64xbf16, #tpu.memory_space<hbm>> -> memref<625x64xbf16, #tpu.memory_space<hbm>>
        %dma_wait3A_109 = arith.constant 0 : i32
        %dma_wait3A_110 = tpu.memref_slice %arg13[%mul3A_100, %dma_wait3A_109] : memref<10240x64xbf16, #tpu.memory_space<vmem_shared>> -> memref<625x64xbf16, #tpu.memory_space<vmem_shared>>
        tpu.wait_dma2 semaphore(%run_scoped3A : memref<!tpu.dma_semaphore, #tpu.memory_space<semaphore_mem>>) src(%dma_wait3A_110 : memref<625x64xbf16, #tpu.memory_space<vmem_shared>>) dst(%dma_wait3A_108 : memref<625x64xbf16, #tpu.memory_space<hbm>>)
        tpu.yield
      }) : () -> ()
    } else {
    }
    return
  }
}

module attributes {stable_mosaic.version = 14 : i64} {
  func.func @_tc1_body(%arg0: i32, %arg1: memref<1000x128xf32, #tpu.memory_space<vmem>>, %arg2: memref<128x64xf32, #tpu.memory_space<vmem>>, %arg3: memref<1000x2xf32, #tpu.memory_space<vmem>>, %arg4: memref<1000x64xbf16, #tpu.memory_space<vmem>>, %arg5: memref<1000x1xf32, #tpu.memory_space<vmem>>) attributes {dimension_semantics = [#tpu.dimension_semantics<arbitrary>], iteration_bounds = array<i64: 10>, scalar_prefetch = 0 : i64, scratch_operands = 0 : i64, tpu.core_type = #tpu.core_type<tc>, window_params = [{transform_indices = @transform_0, window_bounds = array<i64: 1000, 128>}, {pipeline_mode = #tpu.pipeline_mode<synchronous>, transform_indices = @transform_1, window_bounds = array<i64: 128, 64>}, {transform_indices = @transform_2, window_bounds = array<i64: 1000, 2>}, {transform_indices = @transform_3, window_bounds = array<i64: 1000, 64>}, {transform_indices = @transform_4, window_bounds = array<i64: 1000, 1>}]} {
    %get3A = arith.constant 0 : index
    %get3A_0 = arith.constant 0 : index
    %get3A_1 = vector.load %arg3[%get3A, %get3A_0] : memref<1000x2xf32, #tpu.memory_space<vmem>>, vector<1000x1xf32>
    %get3A_2 = arith.constant 0 : index
    %get3A_3 = arith.constant 1 : index
    %get3A_4 = vector.load %arg3[%get3A_2, %get3A_3] : memref<1000x2xf32, #tpu.memory_space<vmem>>, vector<1000x1xf32>
    %add3A = arith.addf %get3A_1, %get3A_4 : vector<1000x1xf32>
    %add3A_5 = arith.constant 1.000000e+00 : f32
    %add3A_6 = vector.broadcast %add3A_5 : f32 to vector<1000x1xf32>
    %add3A_7 = arith.addf %add3A, %add3A_6 : vector<1000x1xf32>
    %rsqrt3A = math.rsqrt %add3A_7 : vector<1000x1xf32>
    %get3A_8 = arith.constant 0 : index
    %get3A_9 = arith.constant 0 : index
    %get3A_10 = vector.load %arg1[%get3A_8, %get3A_9] : memref<1000x128xf32, #tpu.memory_space<vmem>>, vector<1000x128xf32>
    %get3A_11 = arith.constant 0 : index
    %get3A_12 = arith.constant 0 : index
    %get3A_13 = vector.load %arg2[%get3A_11, %get3A_12] : memref<128x64xf32, #tpu.memory_space<vmem>>, vector<128x64xf32>
    %dot_general3A = arith.constant dense<0.000000e+00> : vector<1000x64xf32>
    %dot_general3A_14 = tpu.matmul %get3A_10, %get3A_13, %dot_general3A {dimension_numbers = #tpu.dot_dimension_numbers<[1], [0], [0], [1], [0, 0, 1, 1], [], []>, transpose_lhs_hint = false} : vector<1000x128xf32>, vector<128x64xf32>, vector<1000x64xf32> -> vector<1000x64xf32>
    %mul3A = vector.broadcast %rsqrt3A : vector<1000x1xf32> to vector<1000x64xf32>
    %mul3A_15 = arith.mulf %dot_general3A_14, %mul3A : vector<1000x64xf32>
    %convert_element_type3A = arith.truncf %mul3A_15 : vector<1000x64xf32> to vector<1000x64xbf16>
    %swap3A = arith.constant 0 : index
    %swap3A_16 = arith.constant 0 : index
    %swap3A_17 = vector.load %arg4[%swap3A, %swap3A_16] : memref<1000x64xbf16, #tpu.memory_space<vmem>>, vector<1000x64xbf16>
    tpu.vector_store %arg4[%swap3A, %swap3A_16], %convert_element_type3A {strides = array<i32>} : memref<1000x64xbf16, #tpu.memory_space<vmem>>, vector<1000x64xbf16>,
    %swap3A_18 = arith.constant 0 : index
    %swap3A_19 = arith.constant 0 : index
    %swap3A_20 = vector.load %arg5[%swap3A_18, %swap3A_19] : memref<1000x1xf32, #tpu.memory_space<vmem>>, vector<1000x1xf32>
    tpu.vector_store %arg5[%swap3A_18, %swap3A_19], %rsqrt3A {strides = array<i32>} : memref<1000x1xf32, #tpu.memory_space<vmem>>, vector<1000x1xf32>,
    return
  }
  func.func @transform_0(%arg0: i32) -> (i32, i32) {
    %c0_i32 = arith.constant 0 : i32
    %c0_i32_0 = arith.constant 0 : i32
    return %arg0, %c0_i32 : i32, i32
  }
  func.func @transform_1(%arg0: i32) -> (i32, i32) {
    %c0_i32 = arith.constant 0 : i32
    %c0_i32_0 = arith.constant 0 : i32
    %c0_i32_1 = arith.constant 0 : i32
    return %c0_i32, %c0_i32_0 : i32, i32
  }
  func.func @transform_2(%arg0: i32) -> (i32, i32) {
    %c0_i32 = arith.constant 0 : i32
    %c0_i32_0 = arith.constant 0 : i32
    return %arg0, %c0_i32 : i32, i32
  }
  func.func @transform_3(%arg0: i32) -> (i32, i32) {
    %c0_i32 = arith.constant 0 : i32
    %c0_i32_0 = arith.constant 0 : i32
    return %arg0, %c0_i32 : i32, i32
  }
  func.func @transform_4(%arg0: i32) -> (i32, i32) {
    %c0_i32 = arith.constant 0 : i32
    %c0_i32_0 = arith.constant 0 : i32
    return %arg0, %c0_i32 : i32, i32
  }
}

module attributes {stable_mosaic.version = 14 : i64} {
  func.func @_tc2_body(%arg0: i32, %arg1: memref<1000x64xbf16, #tpu.memory_space<vmem>>, %arg2: memref<1000x64xbf16, #tpu.memory_space<vmem>>, %arg3: memref<1000x64xbf16, #tpu.memory_space<vmem>>, %arg4: memref<1000x1xf32, #tpu.memory_space<vmem>>, %arg5: memref<1x64xf32, #tpu.memory_space<vmem>>, %arg6: memref<64x64xf32, #tpu.memory_space<vmem>>, %arg7: memref<1000x64xbf16, #tpu.memory_space<vmem>>) attributes {dimension_semantics = [#tpu.dimension_semantics<arbitrary>], iteration_bounds = array<i64: 10>, scalar_prefetch = 0 : i64, scratch_operands = 0 : i64, tpu.core_type = #tpu.core_type<tc>, window_params = [{transform_indices = @transform_0, window_bounds = array<i64: 1000, 64>}, {transform_indices = @transform_1, window_bounds = array<i64: 1000, 64>}, {transform_indices = @transform_2, window_bounds = array<i64: 1000, 64>}, {transform_indices = @transform_3, window_bounds = array<i64: 1000, 1>}, {pipeline_mode = #tpu.pipeline_mode<synchronous>, transform_indices = @transform_4, window_bounds = array<i64: 1, 64>}, {pipeline_mode = #tpu.pipeline_mode<synchronous>, transform_indices = @transform_5, window_bounds = array<i64: 64, 64>}, {transform_indices = @transform_6, window_bounds = array<i64: 1000, 64>}]} {
    %get3A = arith.constant 0 : index
    %get3A_0 = arith.constant 0 : index
    %get3A_1 = vector.load %arg1[%get3A, %get3A_0] : memref<1000x64xbf16, #tpu.memory_space<vmem>>, vector<1000x64xbf16>
    %convert_element_type3A = arith.extf %get3A_1 : vector<1000x64xbf16> to vector<1000x64xf32>
    %get3A_2 = arith.constant 0 : index
    %get3A_3 = arith.constant 0 : index
    %get3A_4 = vector.load %arg2[%get3A_2, %get3A_3] : memref<1000x64xbf16, #tpu.memory_space<vmem>>, vector<1000x64xbf16>
    %convert_element_type3A_5 = arith.extf %get3A_4 : vector<1000x64xbf16> to vector<1000x64xf32>
    %add3A = arith.addf %convert_element_type3A, %convert_element_type3A_5 : vector<1000x64xf32>
    %get3A_6 = arith.constant 0 : index
    %get3A_7 = arith.constant 0 : index
    %get3A_8 = vector.load %arg3[%get3A_6, %get3A_7] : memref<1000x64xbf16, #tpu.memory_space<vmem>>, vector<1000x64xbf16>
    %convert_element_type3A_9 = arith.extf %get3A_8 : vector<1000x64xbf16> to vector<1000x64xf32>
    %get3A_10 = arith.constant 0 : index
    %get3A_11 = arith.constant 0 : index
    %get3A_12 = vector.load %arg4[%get3A_10, %get3A_11] : memref<1000x1xf32, #tpu.memory_space<vmem>>, vector<1000x1xf32>
    %mul3A = vector.broadcast %get3A_12 : vector<1000x1xf32> to vector<1000x64xf32>
    %mul3A_13 = arith.mulf %mul3A, %add3A : vector<1000x64xf32>
    %mul3A_14 = vector.broadcast %get3A_12 : vector<1000x1xf32> to vector<1000x64xf32>
    %mul3A_15 = arith.mulf %convert_element_type3A_9, %mul3A_14 : vector<1000x64xf32>
    %add3A_16 = arith.addf %mul3A_13, %mul3A_15 : vector<1000x64xf32>
    %get3A_17 = arith.constant 0 : index
    %get3A_18 = arith.constant 0 : index
    %get3A_19 = vector.load %arg5[%get3A_17, %get3A_18] : memref<1x64xf32, #tpu.memory_space<vmem>>, vector<1x64xf32>
    %add3A_20 = vector.broadcast %get3A_19 : vector<1x64xf32> to vector<1000x64xf32>
    %add3A_21 = arith.addf %add3A_16, %add3A_20 : vector<1000x64xf32>
    %max3A = arith.constant 0.000000e+00 : f32
    %max3A_22 = vector.broadcast %max3A : f32 to vector<1000x64xf32>
    %max3A_23 = arith.maximumf %add3A_21, %max3A_22 : vector<1000x64xf32>
    %get3A_24 = arith.constant 0 : index
    %get3A_25 = arith.constant 0 : index
    %get3A_26 = vector.load %arg6[%get3A_24, %get3A_25] : memref<64x64xf32, #tpu.memory_space<vmem>>, vector<64x64xf32>
    %dot_general3A = arith.constant dense<0.000000e+00> : vector<1000x64xf32>
    %dot_general3A_27 = tpu.matmul %max3A_23, %get3A_26, %dot_general3A {dimension_numbers = #tpu.dot_dimension_numbers<[1], [0], [0], [1], [0, 0, 1, 1], [], []>, transpose_lhs_hint = false} : vector<1000x64xf32>, vector<64x64xf32>, vector<1000x64xf32> -> vector<1000x64xf32>
    %mul3A_28 = vector.broadcast %get3A_12 : vector<1000x1xf32> to vector<1000x64xf32>
    %mul3A_29 = arith.mulf %dot_general3A_27, %mul3A_28 : vector<1000x64xf32>
    %convert_element_type3A_30 = arith.truncf %mul3A_29 : vector<1000x64xf32> to vector<1000x64xbf16>
    %swap3A = arith.constant 0 : index
    %swap3A_31 = arith.constant 0 : index
    %swap3A_32 = vector.load %arg7[%swap3A, %swap3A_31] : memref<1000x64xbf16, #tpu.memory_space<vmem>>, vector<1000x64xbf16>
    tpu.vector_store %arg7[%swap3A, %swap3A_31], %convert_element_type3A_30 {strides = array<i32>} : memref<1000x64xbf16, #tpu.memory_space<vmem>>, vector<1000x64xbf16>,
    return
  }
  func.func @transform_0(%arg0: i32) -> (i32, i32) {
    %c0_i32 = arith.constant 0 : i32
    %c0_i32_0 = arith.constant 0 : i32
    return %arg0, %c0_i32 : i32, i32
  }
  func.func @transform_1(%arg0: i32) -> (i32, i32) {
    %c0_i32 = arith.constant 0 : i32
    %c0_i32_0 = arith.constant 0 : i32
    return %arg0, %c0_i32 : i32, i32
  }
  func.func @transform_2(%arg0: i32) -> (i32, i32) {
    %c0_i32 = arith.constant 0 : i32
    %c0_i32_0 = arith.constant 0 : i32
    return %arg0, %c0_i32 : i32, i32
  }
  func.func @transform_3(%arg0: i32) -> (i32, i32) {
    %c0_i32 = arith.constant 0 : i32
    %c0_i32_0 = arith.constant 0 : i32
    return %arg0, %c0_i32 : i32, i32
  }
  func.func @transform_4(%arg0: i32) -> (i32, i32) {
    %c0_i32 = arith.constant 0 : i32
    %c0_i32_0 = arith.constant 0 : i32
    %c0_i32_1 = arith.constant 0 : i32
    return %c0_i32, %c0_i32_0 : i32, i32
  }
  func.func @transform_5(%arg0: i32) -> (i32, i32) {
    %c0_i32 = arith.constant 0 : i32
    %c0_i32_0 = arith.constant 0 : i32
    %c0_i32_1 = arith.constant 0 : i32
    return %c0_i32, %c0_i32_0 : i32, i32
  }
  func.func @transform_6(%arg0: i32) -> (i32, i32) {
    %c0_i32 = arith.constant 0 : i32
    %c0_i32_0 = arith.constant 0 : i32
    return %arg0, %c0_i32 : i32, i32
  }
}

module attributes {stable_mosaic.version = 14 : i64} {
  func.func @_tc3_body(%arg0: i32, %arg1: memref<1000x64xbf16, #tpu.memory_space<vmem>>, %arg2: memref<1000x64xbf16, #tpu.memory_space<vmem>>, %arg3: memref<1000x64xbf16, #tpu.memory_space<vmem>>, %arg4: memref<1000x1xf32, #tpu.memory_space<vmem>>, %arg5: memref<1x64xf32, #tpu.memory_space<vmem>>, %arg6: memref<64x64xf32, #tpu.memory_space<vmem>>, %arg7: memref<64x64xf32, #tpu.memory_space<vmem>>, %arg8: memref<64x64xf32, #tpu.memory_space<vmem>>, %arg9: memref<3x64xf32, #tpu.memory_space<vmem>>, %arg10: memref<3x64xf32, #tpu.memory_space<vmem>>, %arg11: memref<64x64xf32, #tpu.memory_space<vmem>>, %arg12: memref<1x64xf32, #tpu.memory_space<vmem>>, %arg13: memref<1000x64xf32, #tpu.memory_space<vmem>>, %arg14: memref<1x1000x64xf32, #tpu.memory_space<vmem>>) attributes {dimension_semantics = [#tpu.dimension_semantics<arbitrary>], iteration_bounds = array<i64: 10>, scalar_prefetch = 0 : i64, scratch_operands = 0 : i64, tpu.core_type = #tpu.core_type<tc>, window_params = [{transform_indices = @transform_0, window_bounds = array<i64: 1000, 64>}, {transform_indices = @transform_1, window_bounds = array<i64: 1000, 64>}, {transform_indices = @transform_2, window_bounds = array<i64: 1000, 64>}, {transform_indices = @transform_3, window_bounds = array<i64: 1000, 1>}, {pipeline_mode = #tpu.pipeline_mode<synchronous>, transform_indices = @transform_4, window_bounds = array<i64: 1, 64>}, {pipeline_mode = #tpu.pipeline_mode<synchronous>, transform_indices = @transform_5, window_bounds = array<i64: 64, 64>}, {pipeline_mode = #tpu.pipeline_mode<synchronous>, transform_indices = @transform_6, window_bounds = array<i64: 64, 64>}, {pipeline_mode = #tpu.pipeline_mode<synchronous>, transform_indices = @transform_7, window_bounds = array<i64: 64, 64>}, {pipeline_mode = #tpu.pipeline_mode<synchronous>, transform_indices = @transform_8, window_bounds = array<i64: 3, 64>}, {pipeline_mode = #tpu.pipeline_mode<synchronous>, transform_indices = @transform_9, window_bounds = array<i64: 3, 64>}, {pipeline_mode = #tpu.pipeline_mode<synchronous>, transform_indices = @transform_10, window_bounds = array<i64: 64, 64>}, {pipeline_mode = #tpu.pipeline_mode<synchronous>, transform_indices = @transform_11, window_bounds = array<i64: 1, 64>}, {transform_indices = @transform_12, window_bounds = array<i64: 1000, 64>}, {transform_indices = @transform_13, window_bounds = array<i64: 1, 1000, 64>}]} {
    %get3A = arith.constant 0 : index
    %get3A_0 = arith.constant 0 : index
    %get3A_1 = vector.load %arg1[%get3A, %get3A_0] : memref<1000x64xbf16, #tpu.memory_space<vmem>>, vector<1000x64xbf16>
    %convert_element_type3A = arith.extf %get3A_1 : vector<1000x64xbf16> to vector<1000x64xf32>
    %get3A_2 = arith.constant 0 : index
    %get3A_3 = arith.constant 0 : index
    %get3A_4 = vector.load %arg2[%get3A_2, %get3A_3] : memref<1000x64xbf16, #tpu.memory_space<vmem>>, vector<1000x64xbf16>
    %convert_element_type3A_5 = arith.extf %get3A_4 : vector<1000x64xbf16> to vector<1000x64xf32>
    %add3A = arith.addf %convert_element_type3A, %convert_element_type3A_5 : vector<1000x64xf32>
    %get3A_6 = arith.constant 0 : index
    %get3A_7 = arith.constant 0 : index
    %get3A_8 = vector.load %arg3[%get3A_6, %get3A_7] : memref<1000x64xbf16, #tpu.memory_space<vmem>>, vector<1000x64xbf16>
    %convert_element_type3A_9 = arith.extf %get3A_8 : vector<1000x64xbf16> to vector<1000x64xf32>
    %get3A_10 = arith.constant 0 : index
    %get3A_11 = arith.constant 0 : index
    %get3A_12 = vector.load %arg4[%get3A_10, %get3A_11] : memref<1000x1xf32, #tpu.memory_space<vmem>>, vector<1000x1xf32>
    %mul3A = vector.broadcast %get3A_12 : vector<1000x1xf32> to vector<1000x64xf32>
    %mul3A_13 = arith.mulf %mul3A, %add3A : vector<1000x64xf32>
    %mul3A_14 = vector.broadcast %get3A_12 : vector<1000x1xf32> to vector<1000x64xf32>
    %mul3A_15 = arith.mulf %convert_element_type3A_9, %mul3A_14 : vector<1000x64xf32>
    %add3A_16 = arith.addf %mul3A_13, %mul3A_15 : vector<1000x64xf32>
    %get3A_17 = arith.constant 0 : index
    %get3A_18 = arith.constant 0 : index
    %get3A_19 = vector.load %arg5[%get3A_17, %get3A_18] : memref<1x64xf32, #tpu.memory_space<vmem>>, vector<1x64xf32>
    %add3A_20 = vector.broadcast %get3A_19 : vector<1x64xf32> to vector<1000x64xf32>
    %add3A_21 = arith.addf %add3A_16, %add3A_20 : vector<1000x64xf32>
    %max3A = arith.constant 0.000000e+00 : f32
    %max3A_22 = vector.broadcast %max3A : f32 to vector<1000x64xf32>
    %max3A_23 = arith.maximumf %add3A_21, %max3A_22 : vector<1000x64xf32>
    %get3A_24 = arith.constant 0 : index
    %get3A_25 = arith.constant 0 : index
    %get3A_26 = vector.load %arg6[%get3A_24, %get3A_25] : memref<64x64xf32, #tpu.memory_space<vmem>>, vector<64x64xf32>
    %dot_general3A = arith.constant dense<0.000000e+00> : vector<1000x64xf32>
    %dot_general3A_27 = tpu.matmul %max3A_23, %get3A_26, %dot_general3A {dimension_numbers = #tpu.dot_dimension_numbers<[1], [0], [0], [1], [0, 0, 1, 1], [], []>, transpose_lhs_hint = false} : vector<1000x64xf32>, vector<64x64xf32>, vector<1000x64xf32> -> vector<1000x64xf32>
    %get3A_28 = arith.constant 0 : index
    %get3A_29 = arith.constant 0 : index
    %get3A_30 = vector.load %arg7[%get3A_28, %get3A_29] : memref<64x64xf32, #tpu.memory_space<vmem>>, vector<64x64xf32>
    %dot_general3A_31 = arith.constant dense<0.000000e+00> : vector<1000x64xf32>
    %dot_general3A_32 = tpu.matmul %max3A_23, %get3A_30, %dot_general3A_31 {dimension_numbers = #tpu.dot_dimension_numbers<[1], [0], [0], [1], [0, 0, 1, 1], [], []>, transpose_lhs_hint = false} : vector<1000x64xf32>, vector<64x64xf32>, vector<1000x64xf32> -> vector<1000x64xf32>
    %get3A_33 = arith.constant 0 : index
    %get3A_34 = arith.constant 0 : index
    %get3A_35 = vector.load %arg8[%get3A_33, %get3A_34] : memref<64x64xf32, #tpu.memory_space<vmem>>, vector<64x64xf32>
    %dot_general3A_36 = arith.constant dense<0.000000e+00> : vector<1000x64xf32>
    %dot_general3A_37 = tpu.matmul %max3A_23, %get3A_35, %dot_general3A_36 {dimension_numbers = #tpu.dot_dimension_numbers<[1], [0], [0], [1], [0, 0, 1, 1], [], []>, transpose_lhs_hint = false} : vector<1000x64xf32>, vector<64x64xf32>, vector<1000x64xf32> -> vector<1000x64xf32>
    %get3A_38 = arith.constant 0 : index
    %get3A_39 = arith.constant 0 : index
    %get3A_40 = vector.load %arg9[%get3A_38, %get3A_39] : memref<3x64xf32, #tpu.memory_space<vmem>>, vector<3x64xf32>
    %get3A_41 = arith.constant 0 : index
    %get3A_42 = arith.constant 0 : index
    %get3A_43 = vector.load %arg10[%get3A_41, %get3A_42] : memref<3x64xf32, #tpu.memory_space<vmem>>, vector<3x64xf32>
    %slice3A = vector.extract_strided_slice %get3A_40 {offsets = [0, 0], sizes = [1, 64], strides = [1, 1]} : vector<3x64xf32> to vector<1x64xf32>
    %add3A_44 = vector.broadcast %slice3A : vector<1x64xf32> to vector<1000x64xf32>
    %add3A_45 = arith.addf %dot_general3A_27, %add3A_44 : vector<1000x64xf32>
    %slice3A_46 = vector.extract_strided_slice %get3A_43 {offsets = [0, 0], sizes = [1, 64], strides = [1, 1]} : vector<3x64xf32> to vector<1x64xf32>
    %add3A_47 = vector.broadcast %slice3A_46 : vector<1x64xf32> to vector<1000x64xf32>
    %add3A_48 = arith.addf %add3A_45, %add3A_47 : vector<1000x64xf32>
    %logistic3A = arith.negf %add3A_48 : vector<1000x64xf32>
    %logistic3A_49 = math.exp %logistic3A : vector<1000x64xf32>
    %logistic3A_50 = arith.constant 1.000000e+00 : f32
    %logistic3A_51 = vector.broadcast %logistic3A_50 : f32 to vector<1000x64xf32>
    %logistic3A_52 = arith.addf %logistic3A_51, %logistic3A_49 : vector<1000x64xf32>
    %logistic3A_53 = arith.divf %logistic3A_51, %logistic3A_52 : vector<1000x64xf32>
    %slice3A_54 = vector.extract_strided_slice %get3A_40 {offsets = [1, 0], sizes = [1, 64], strides = [1, 1]} : vector<3x64xf32> to vector<1x64xf32>
    %add3A_55 = vector.broadcast %slice3A_54 : vector<1x64xf32> to vector<1000x64xf32>
    %add3A_56 = arith.addf %dot_general3A_32, %add3A_55 : vector<1000x64xf32>
    %slice3A_57 = vector.extract_strided_slice %get3A_43 {offsets = [1, 0], sizes = [1, 64], strides = [1, 1]} : vector<3x64xf32> to vector<1x64xf32>
    %add3A_58 = vector.broadcast %slice3A_57 : vector<1x64xf32> to vector<1000x64xf32>
    %add3A_59 = arith.addf %add3A_56, %add3A_58 : vector<1000x64xf32>
    %logistic3A_60 = arith.negf %add3A_59 : vector<1000x64xf32>
    %logistic3A_61 = math.exp %logistic3A_60 : vector<1000x64xf32>
    %logistic3A_62 = arith.constant 1.000000e+00 : f32
    %logistic3A_63 = vector.broadcast %logistic3A_62 : f32 to vector<1000x64xf32>
    %logistic3A_64 = arith.addf %logistic3A_63, %logistic3A_61 : vector<1000x64xf32>
    %logistic3A_65 = arith.divf %logistic3A_63, %logistic3A_64 : vector<1000x64xf32>
    %slice3A_66 = vector.extract_strided_slice %get3A_40 {offsets = [2, 0], sizes = [1, 64], strides = [1, 1]} : vector<3x64xf32> to vector<1x64xf32>
    %add3A_67 = vector.broadcast %slice3A_66 : vector<1x64xf32> to vector<1000x64xf32>
    %add3A_68 = arith.addf %dot_general3A_37, %add3A_67 : vector<1000x64xf32>
    %slice3A_69 = vector.extract_strided_slice %get3A_43 {offsets = [2, 0], sizes = [1, 64], strides = [1, 1]} : vector<3x64xf32> to vector<1x64xf32>
    %mul3A_70 = vector.broadcast %slice3A_69 : vector<1x64xf32> to vector<1000x64xf32>
    %mul3A_71 = arith.mulf %logistic3A_53, %mul3A_70 : vector<1000x64xf32>
    %add3A_72 = arith.addf %add3A_68, %mul3A_71 : vector<1000x64xf32>
    %tanh3A = math.tanh %add3A_72 : vector<1000x64xf32>
    %sub3A = arith.constant 1.000000e+00 : f32
    %sub3A_73 = vector.broadcast %sub3A : f32 to vector<1000x64xf32>
    %sub3A_74 = arith.subf %sub3A_73, %logistic3A_65 : vector<1000x64xf32>
    %mul3A_75 = arith.mulf %sub3A_74, %tanh3A : vector<1000x64xf32>
    %swap3A = arith.constant 0 : index
    %swap3A_76 = arith.constant 0 : index
    %swap3A_77 = arith.constant 0 : index
    %swap3A_78 = vector.load %arg14[%swap3A, %swap3A_76, %swap3A_77] : memref<1x1000x64xf32, #tpu.memory_space<vmem>>, vector<1x1000x64xf32>
    %swap3A_79 = vector.shape_cast %swap3A_78 : vector<1x1000x64xf32> to vector<1000x64xf32>
    %swap3A_80 = vector.shape_cast %mul3A_75 : vector<1000x64xf32> to vector<1x1000x64xf32>
    tpu.vector_store %arg14[%swap3A, %swap3A_76, %swap3A_77], %swap3A_80 {strides = array<i32>} : memref<1x1000x64xf32, #tpu.memory_space<vmem>>, vector<1x1000x64xf32>,
    %get3A_81 = arith.constant 0 : index
    %get3A_82 = arith.constant 0 : index
    %get3A_83 = vector.load %arg11[%get3A_81, %get3A_82] : memref<64x64xf32, #tpu.memory_space<vmem>>, vector<64x64xf32>
    %dot_general3A_84 = arith.constant dense<0.000000e+00> : vector<1000x64xf32>
    %dot_general3A_85 = tpu.matmul %mul3A_75, %get3A_83, %dot_general3A_84 {dimension_numbers = #tpu.dot_dimension_numbers<[1], [0], [0], [1], [0, 0, 1, 1], [], []>, transpose_lhs_hint = false} : vector<1000x64xf32>, vector<64x64xf32>, vector<1000x64xf32> -> vector<1000x64xf32>
    %get3A_86 = arith.constant 0 : index
    %get3A_87 = arith.constant 0 : index
    %get3A_88 = vector.load %arg12[%get3A_86, %get3A_87] : memref<1x64xf32, #tpu.memory_space<vmem>>, vector<1x64xf32>
    %add3A_89 = vector.broadcast %get3A_88 : vector<1x64xf32> to vector<1000x64xf32>
    %add3A_90 = arith.addf %dot_general3A_85, %add3A_89 : vector<1000x64xf32>
    %swap3A_91 = arith.constant 0 : index
    %swap3A_92 = arith.constant 0 : index
    %swap3A_93 = vector.load %arg13[%swap3A_91, %swap3A_92] : memref<1000x64xf32, #tpu.memory_space<vmem>>, vector<1000x64xf32>
    tpu.vector_store %arg13[%swap3A_91, %swap3A_92], %add3A_90 {strides = array<i32>} : memref<1000x64xf32, #tpu.memory_space<vmem>>, vector<1000x64xf32>,
    return
  }
  func.func @transform_0(%arg0: i32) -> (i32, i32) {
    %c0_i32 = arith.constant 0 : i32
    %c0_i32_0 = arith.constant 0 : i32
    return %arg0, %c0_i32 : i32, i32
  }
  func.func @transform_1(%arg0: i32) -> (i32, i32) {
    %c0_i32 = arith.constant 0 : i32
    %c0_i32_0 = arith.constant 0 : i32
    return %arg0, %c0_i32 : i32, i32
  }
  func.func @transform_2(%arg0: i32) -> (i32, i32) {
    %c0_i32 = arith.constant 0 : i32
    %c0_i32_0 = arith.constant 0 : i32
    return %arg0, %c0_i32 : i32, i32
  }
  func.func @transform_3(%arg0: i32) -> (i32, i32) {
    %c0_i32 = arith.constant 0 : i32
    %c0_i32_0 = arith.constant 0 : i32
    return %arg0, %c0_i32 : i32, i32
  }
  func.func @transform_4(%arg0: i32) -> (i32, i32) {
    %c0_i32 = arith.constant 0 : i32
    %c0_i32_0 = arith.constant 0 : i32
    %c0_i32_1 = arith.constant 0 : i32
    return %c0_i32, %c0_i32_0 : i32, i32
  }
  func.func @transform_5(%arg0: i32) -> (i32, i32) {
    %c0_i32 = arith.constant 0 : i32
    %c0_i32_0 = arith.constant 0 : i32
    %c0_i32_1 = arith.constant 0 : i32
    return %c0_i32, %c0_i32_0 : i32, i32
  }
  func.func @transform_6(%arg0: i32) -> (i32, i32) {
    %c0_i32 = arith.constant 0 : i32
    %c0_i32_0 = arith.constant 0 : i32
    %c0_i32_1 = arith.constant 0 : i32
    return %c0_i32, %c0_i32_0 : i32, i32
  }
  func.func @transform_7(%arg0: i32) -> (i32, i32) {
    %c0_i32 = arith.constant 0 : i32
    %c0_i32_0 = arith.constant 0 : i32
    %c0_i32_1 = arith.constant 0 : i32
    return %c0_i32, %c0_i32_0 : i32, i32
  }
  func.func @transform_8(%arg0: i32) -> (i32, i32) {
    %c0_i32 = arith.constant 0 : i32
    %c0_i32_0 = arith.constant 0 : i32
    %c0_i32_1 = arith.constant 0 : i32
    return %c0_i32, %c0_i32_0 : i32, i32
  }
  func.func @transform_9(%arg0: i32) -> (i32, i32) {
    %c0_i32 = arith.constant 0 : i32
    %c0_i32_0 = arith.constant 0 : i32
    %c0_i32_1 = arith.constant 0 : i32
    return %c0_i32, %c0_i32_0 : i32, i32
  }
  func.func @transform_10(%arg0: i32) -> (i32, i32) {
    %c0_i32 = arith.constant 0 : i32
    %c0_i32_0 = arith.constant 0 : i32
    %c0_i32_1 = arith.constant 0 : i32
    return %c0_i32, %c0_i32_0 : i32, i32
  }
  func.func @transform_11(%arg0: i32) -> (i32, i32) {
    %c0_i32 = arith.constant 0 : i32
    %c0_i32_0 = arith.constant 0 : i32
    %c0_i32_1 = arith.constant 0 : i32
    return %c0_i32, %c0_i32_0 : i32, i32
  }
  func.func @transform_12(%arg0: i32) -> (i32, i32) {
    %c0_i32 = arith.constant 0 : i32
    %c0_i32_0 = arith.constant 0 : i32
    return %arg0, %c0_i32 : i32, i32
  }
  func.func @transform_13(%arg0: i32) -> (i32, i32, i32) {
    %c0_i32 = arith.constant 0 : i32
    %c0_i32_0 = arith.constant 0 : i32
    %c0_i32_1 = arith.constant 0 : i32
    return %c0_i32, %arg0, %c0_i32_0 : i32, i32, i32
  }
}

</mosaic_0001>

<sc_bundles>
// kernel: kernel.11.cloned.1.call-start
scs
__scs_entry_jumppad:
0x0: {  	(pc) =	sbr.rel $0x88, $3  }
0x1: {  	(tag) =	ssettag $0x0;
	lr =	simm.s32 $0x1  }
0x2: {  	[smem:$0x3F96] =	sst lr;
	_ =	strace $0xD0000000  }
0x3: {  	_ = 	snop  }
0x4: {  	_ = 	snop  }
0x5: {  	_ = 	snop  }
0x6: {  	_ = 	snop  }
0x7: {  	_ = 	snop  }
__scs_overlays_trampoline_lowered:
0x8: {  	[smem:$0x3FA5] =	sst s0  }
0x9: {  	[smem:$0x3FA6] =	sst s1  }
0xa: {  	[smem:$0x3FA7] =	sst s2  }
0xb: {  	[smem:$0x3FA8] =	sst s3  }
0xc: {  	[smem:$0x3FA9] =	sst s4  }
0xd: {  	[smem:$0x3FAA] =	sst s5  }
0xe: {  	[smem:$0x3FAB] =	sst s6  }
0xf: {  	[smem:$0x3FAC] =	sst s7  }
0x10: {  	[smem:$0x3FAD] =	sst s8  }
0x11: {  	[smem:$0x3FAE] =	sst s9;
	s0 =	simm.s32 @!p0 $0x0  }
0x12: {  	s1 =	sld [smem:$0x3F94];
	s0 =	simm.s32 @p0 $0x1  }
0x13: {  	[smem:$0x3FAF] =	sst s0;
	s0 =	simm.s32 @!p1 $0x0  }
0x14: {  	s2 =	sld [smem:$0x3F93];
	s0 =	simm.s32 @p1 $0x1  }
0x15: {  	[smem:$0x3FB0] =	sst s0;
	s0 =	simm.s32 @!p2 $0x0  }
0x16: {  	s3 =	sld [smem:$0x3FDB];
	s0 =	simm.s32 @p2 $0x1  }
0x17: {  	s4 =	simm.s32 $0x1BF5;
	[smem:$0x3FB2] =	sst s0  }
0x18: {  	s0 =	sld [smem:$0x3F95];
	_ =	swait.ge [sflag:s4], $0x0  }
0x19: {  	s7 =	sld [smem:$0x3F96]  }
0x1a: {  	s8 =	sadd.s32 $0xFFFFE003, lr  }
0x1b: {  	s9 =	sadd.s32 $0xFFFFFEF7, lr;
	s5 =	simm.s32 $0xFFFFFFFF;
	p2 =	slt.u32 s8, $0xFFFFF086  }
0x1c: {  	p1 =	slt.u32 s9, $0xF7A;
	s5 =	simm.s32 @!p2 $0x0  }
0x1d: {  	s5 =	simm.s32 @p1 $0x1;
	p0 =	seq.s32 s7, s2  }
0x1e: {  	s7 =	smul.u32 @!p0 $0xF7A, s2;
	p2 =	seq.s32 @!p0 s5, $0x0  }
0x1f: {  	s9 =	smul.u32 $0xF7A, s1;
	s8 =	simm.s32 @!p0 $0x1BF5;
	p2 =	por !p2, p0  }
0x20: {  	[sflag:s8] =	ssyncset.s32 @!p0 $0xFFFFF086;
	s6 =	sadd.s32 @!p0 s3, s7;
	s7 =	simm.s32 @!p0 $0x108  }
0x21: {  	s3 =	sadd.s32 s3, s9;
	s6 =	sadd.s32 @!p0 $0x88, s6;
	s7 =	simm.s32 @p2 $0x1082  }
0x22: {  	[simem:s7], [sflag:s8] =	dma.local @!p0 [hbm:s6], $0xF7A  }
0x23: {  	s9 =	sor.u32 $0xD0000000, s2;
	s6 =	simm.s32 $0x108;
	_ =	swait.ge @!p0 [sflag:s8], $0x0  }
0x24: {  	s3 =	sadd.s32 $0x88, s3;
	s6 =	simm.s32 @!p1 $0x1082;
	[sflag:s4] =	ssyncset.s32 $0xFFFFF086  }
0x25: {  	[simem:s6], [sflag:s4] =	dma.local [hbm:s3], $0xF7A  }
0x26: {  	[smem:$0x3F96] =	sst s1;
	(tag) =	ssettag s2;
	_ =	strace s9  }
0x27: {  	s1 =	sld [smem:$0x3FA6]  }
0x28: {  	s2 =	sld [smem:$0x3FA7]  }
0x29: {  	s4 =	sld [smem:$0x3FA9]  }
0x2a: {  	p0 =	seq.s32 s5, $0x0;
	s5 =	sld [smem:$0x3FAA]  }
0x2b: {  	s6 =	sld [smem:$0x3FAB]  }
0x2c: {  	s7 =	sld [smem:$0x3FAC]  }
0x2d: {  	s3 =	simm.s32 $0x108;
	s8 =	sld [smem:$0x3FAD]  }
0x2e: {  	s3 =	simm.s32 @!p0 $0x1082;
	s9 =	sld [smem:$0x3FAE]  }
0x2f: {  	lr =	sadd.s32 s0, s3;
	s0 =	sld [smem:$0x3FA5]  }
0x30: {  	s3 =	sld [smem:$0x3FA8]  }
0x31: {  	[smem:$0x3FB1] =	sst s10  }
0x32: {  	s10 =	sld [smem:$0x3FAF];
	_ =	sdelay $0x3  }
0x33: {  	p0 =	seq.s32 s10, $0x1;
	s10 =	sld [smem:$0x3FB1];
	_ =	sdelay $0x3  }
0x34: {  	[smem:$0x3FB1] =	sst s10  }
0x35: {  	s10 =	sld [smem:$0x3FB0];
	_ =	sdelay $0x3  }
0x36: {  	p1 =	seq.s32 s10, $0x1;
	s10 =	sld [smem:$0x3FB1];
	_ =	sdelay $0x3  }
0x37: {  	[smem:$0x3FB1] =	sst s10  }
0x38: {  	s10 =	sld [smem:$0x3FB2]  }
0x39: {  	_ = 	snop;
	(pc) =	sbr.ind lr, $3  }
0x3a: {  	_ = 	snop  }
0x3b: {  	_ = 	snop  }
0x3c: {  	p2 =	seq.s32 s10, $0x1;
	s10 =	sld [smem:$0x3FB1]  }
0x3d: {  	_ =	shalt  }
0x3e: {  	_ =	shalt  }
0x3f: {  	_ =	shalt  }
0x40: {  	_ =	shalt  }
0x41: {  	_ =	shalt  }
0x42: {  	_ =	shalt  }
0x43: {  	_ =	shalt  }
0x44: {  	_ =	shalt  }
0x45: {  	_ =	shalt  }
0x46: {  	_ =	shalt  }
0x47: {  	_ =	shalt  }
0x48: {  	_ =	shalt  }
0x49: {  	_ =	shalt  }
0x4a: {  	_ =	shalt  }
0x4b: {  	_ =	shalt  }
0x4c: {  	_ =	shalt  }
0x4d: {  	_ =	shalt  }
0x4e: {  	_ =	shalt  }
0x4f: {  	_ =	shalt  }
0x50: {  	_ =	shalt  }
0x51: {  	_ =	shalt  }
0x52: {  	_ =	shalt  }
0x53: {  	_ =	shalt  }
0x54: {  	_ =	shalt  }
0x55: {  	_ =	shalt  }
0x56: {  	_ =	shalt  }
0x57: {  	_ =	shalt  }
0x58: {  	_ =	shalt  }
0x59: {  	_ =	shalt  }
0x5a: {  	_ =	shalt  }
0x5b: {  	_ =	shalt  }
0x5c: {  	_ =	shalt  }
0x5d: {  	_ =	shalt  }
0x5e: {  	_ =	shalt  }
0x5f: {  	_ =	shalt  }
0x60: {  	_ =	shalt  }
0x61: {  	_ =	shalt  }
0x62: {  	_ =	shalt  }
0x63: {  	_ =	shalt  }
0x64: {  	_ =	shalt  }
0x65: {  	_ =	shalt  }
0x66: {  	_ =	shalt  }
0x67: {  	_ =	shalt  }
0x68: {  	_ =	shalt  }
0x69: {  	_ =	shalt  }
0x6a: {  	_ =	shalt  }
0x6b: {  	_ =	shalt  }
0x6c: {  	_ =	shalt  }
0x6d: {  	_ =	shalt  }
0x6e: {  	_ =	shalt  }
0x6f: {  	_ =	shalt  }
0x70: {  	_ =	shalt  }
0x71: {  	_ =	shalt  }
0x72: {  	_ =	shalt  }
0x73: {  	_ =	shalt  }
0x74: {  	_ =	shalt  }
0x75: {  	_ =	shalt  }
0x76: {  	_ =	shalt  }
0x77: {  	_ =	shalt  }
0x78: {  	_ =	shalt  }
0x79: {  	_ =	shalt  }
0x7a: {  	_ =	shalt  }
0x7b: {  	_ =	shalt  }
0x7c: {  	_ =	shalt  }
0x7d: {  	_ =	shalt  }
0x7e: {  	_ =	shalt  }
0x7f: {  	_ =	shalt  }
0x80: {  	_ =	shalt  }
0x81: {  	_ =	shalt  }
0x82: {  	_ =	shalt  }
0x83: {  	_ =	shalt  }
0x84: {  	_ =	shalt  }
0x85: {  	_ =	shalt  }
0x86: {  	_ =	shalt  }
0x87: {  	_ =	shalt  }
.Lfunc_end0:
.L_simem_size_0:
called_computation.1_lowered:
.L_overlay_start_0:
0x88: {  	s2 =	sld [smem:$0x3FD9]  }
0x89: {  	s3 =	sld [smem:$0x3FFE];
	_ =	sdelay $0x1  }
0x8a: {  	s1 =	srdreg.scid  }
0x8b: {  	s0 =	sand.u32 $0x1, s1  }
0x8c: {  	s14 =	sshll.u32 s0, $0xA;
	s2 =	sadd.s32 s3, s2  }
0x8d: {  	s2 =	sadd.s32 s2, s14  }
0x8e: {  	[smem:$0x3FBD] =	sst s2  }
0x8f: {  	_ = 	snop  }
0x90: {  	s2 =	sld [smem:$0x3FD0];
	_ =	sdelay $0x2  }
0x91: {  	s15 =	simm.s32 $0xA;
	s4 =	simm.s32 $0x10  }
0x92: {  	[smem:s4], [sflag:s15] =	dma.local [hbm:s2], $0x1  }
0x93: {  	_ =	swait.eq [sflag:s15], $0x1  }
0x94: {  	[sflag:s15] =	ssyncset.done $0x0  }
0x95: {  	s16 =	sld [smem:$0x10];
	[sflag:s15] =	ssyncadd.s32 $0xFFFFFFFF  }
0x96: {  	s17 =	sld [smem:$0x11];
	(tm) =	ssettm $0x1  }
0x97: {  	s18 =	sld [smem:$0x3FFB];
	_ =	sdelay $0x3  }
0x98: {  	_ =	strace s18  }
0x99: {  	s4 =	sld [smem:$0x3FFC];
	_ =	sdelay $0x3  }
0x9a: {  	_ =	strace s4  }
0x9b: {  	s4 =	sld [smem:$0x3FFD];
	_ =	sdelay $0x3  }
0x9c: {  	_ =	strace s4  }
0x9d: {  	_ =	strace $0x8FFFFFFF  }
0x9e: {  	s19 =	sld [smem:$0x3FDB];
	_ =	sdelay $0x1  }
0x9f: {  	s5 =	simm.s32 $_scs_section_size  }
0xa0: {  	s6 =	simm.s32 $_size__tile_overlayer_lowered;
	s7 =	simm.s32 $_tile_overlayer_lowered  }
0xa1: {  	s22 =	simm.s32 $0x1BFF;
	s21 =	sshll.u32 s7, $0x1;
	s4 =	sadd.s32 s5, s19  }
0xa2: {  	s8 =	simm.s32 $0x0;
	s20 =	sshll.u32 s6, $0x1;
	s6 =	sadd.s32 s21, s4  }
0xa3: {  	[timem:s8], [sflag:s22] =	dma.local [hbm:s6], s20  }
0xa4: {  	_ =	swait.ge [sflag:s22], s20  }
0xa5: {  	s5 =	ssub.s32 $0x0, s20;
	[sflag:s22] =	ssyncset.done $0x0  }
0xa6: {  	[sflag:s22] =	ssyncadd.s32 s5;
	_ =	sdelay $0x1  }
0xa7: {  	s23 =	simm.s32 $0x1B8B  }
0xa8: {  	_ =	swait.ge [sflag:s23], $0x1  }
0xa9: {  	[sflag:s23] =	ssyncset.done $0x0  }
0xaa: {  	s25 =	simm.s32 $0x1B8E;
	s24 =	sld [smem:$0x3FFE];
	[sflag:s23] =	ssyncadd.s32 $0xFFFFFFFF  }
0xab: {  	s26 =	simm.s32 $execute0_lowered;
	[smem:$0x3FD2] =	sst s25  }
0xac: {  	s6 =	sshll.u32 s26, $0x1;
	_ =	strace $0x80000049;
	[dreg:$0x1] =	wrdreg $0xFFFFFFFF  }
0xad: {  	s28 =	simm.s32 $_size_execute0_lowered;
	s4 =	sadd.s32 s4, s6;
	[dreg:$0x0] =	wrdreg $0x0  }
0xae: {  	s6 =	sshll.u32 s28, $0x1;
	[dreg:$0x2] =	wrdreg s4  }
0xaf: {  	[dreg:$0x3] =	wrdreg s6  }
0xb0: {  	[dreg:$0x4] =	wrdreg $0xC0  }
0xb1: {  	_ =	task [dreg:s8], $0x5FFFF  }
0xb2: {  	[dreg:$0x1] =	wrdreg $0xFFFFFFFF  }
0xb3: {  	[dreg:$0x0] =	wrdreg $0x60  }
0xb4: {  	[dreg:$0x2] =	wrdreg s24  }
0xb5: {  	[dreg:$0x3] =	wrdreg s16  }
0xb6: {  	[dreg:$0x4] =	wrdreg s17  }
0xb7: {  	[dreg:$0x5] =	wrdreg $0xE0000  }
0xb8: {  	[dreg:$0x6] =	wrdreg $0x90000  }
0xb9: {  	[dreg:$0x7] =	wrdreg $0x9  }
0xba: {  	_ =	task.clear_ibuf [dreg:s8], $0x8FFFF;
	_ =	strace $0x90000049  }
0xbb: {  	s29 =	simm.s32 $0x9;
	_ =	strace $0x8000004B  }
0xbc: {  	_ =	swait.ge [sflag:s29], $0x1  }
0xbd: {  	[sflag:s29] =	ssyncadd.s32 $0xFFFFFFFF  }
0xbe: {  	_ =	strace $0x9000004B  }
0xbf: {  	_ =	sfence  }
0xc0: {  	s30 =	sld [smem:$0x0];
	_ =	sdelay $0x2  }
0xc1: {  	s31 =	sshll.u32 s1, $0xD;
	s1 =	sshrl.u32 s1, $0x2  }
0xc2: {  	s3 =	sand.u32 $0x4000, s31;
	s1 =	sadd.s32 s1, s30  }
0xc3: {  	s0 =	sor.u32 s3, s0;
	s1 =	sshll.u32 s1, $0x11  }
0xc4: {  	s0 =	sor.u32 s1, s0  }
0xc5: {  	s0 =	sadd.s32 $0x8F2B, s0  }
0xc6: {  	[sflag:s0] =	ssyncadd.remote.s32 $0x1  }
0xc7: {  	_ =	sfence.sel $0xFFFF  }
0xc8: {  	[dreg:$0x0] =	wrdreg $0xFFFFFFFF;
	(pc) =	sbr.abs _section_cstart, $3  }
0xc9: {  	[dreg:$0x1] =	wrdreg $0xFFFFFFFF  }
0xca: {  	_ =	task.clear_ibuf [dreg:s8], $0x2FFFF;
	_ =	strace $0x9FFFFFFF  }
0xcb: {  	(tm) =	ssettm $0x7FFFFFFF  }
tec
execute0_lowered:
.L_overlay_start_1:
0x0: {  	(tag) =	ssettag $0x1  }
0x1: {  	s0 =	rddreg [dreg:$0x0]  }
0x2: {  	s1 =	rddreg [dreg:$0x1]  }
0x3: {  	s5 =	rddreg [dreg:$0x2]  }
0x4: {  	s2 =	rddreg [dreg:$0x3]  }
0x5: {  	s11 =	stileid.u32;
	s3 =	rddreg [dreg:$0x4];
	s4 =	simm.s32 $0x0  }
0x6: {  	s7 =	srdreg.scid;
	s18 =	simm.s32 $0x5000;
	s28 =	simm.s32 $0x1  }
0x7: {  	s29 =	simm.s32 $0x5;
	s30 =	simm.s32 $0x2;
	s31 =	simm.s32 $0x6  }
0x8: {  	s19 =	simm.s32 $0x4;
	s6 =	smul.u32 $0x9C40, s11;
	[smem:$0x7FF] =	sst s4  }
0x9: {  	s14 =	sand.u32 $0x1, s7;
	s9 =	sshll.u32 s11, $0x1;
	s10 =	smul.u32 $0x14000, s11  }
0xa: {  	s24 =	sshll.u32 s11, $0x6;
	_ =	strace $0x8000004A;
	s7 =	ssub.s32 $0x2, s14  }
0xb: {  	s21 =	sor.u32 s14, s9;
	p0 =	seq.s32 s14, $0x1;
	s8 =	sshrl.u32 s6, $0x4  }
0xc: {  	s20 =	sshrl.u32 s7, $0x1;
	s16 =	sshrl.u32 s6, $0x1;
	s23 =	sshrl.u32 s10, $0x2  }
0xd: {  	s13 =	smul.u32 $0x500, s21;
	s21 =	simm.s32 $0x6000;
	s0 =	sadd.s32 s8, s0  }
0xe: {  	s15 =	ssub.s32 s7, s20;
	s17 =	sadd.s32 s16, s2;
	s6 =	sadd.s32 s23, s3  }
0xf: {  	s7 =	sor.u32 $0x1C09, s24;
	s26 =	sadd.s32 s16, s3;
	s20 =	simm.s32 $0x80  }
0x10: {  	s23 =	simm.s32 $0x7000;
	s22 =	sadd.s32 $0x2A400, s0;
	s25 =	sadd.s32 $0x1000, s6  }
0x11: {  	s9 =	sadd.s32 $0x2000, s6;
	s10 =	sadd.s32 $0x3000, s6;
	s11 =	sadd.s32 $0x4000, s6  }
0x12: {  	s12 =	sadd.s32 s1, s13;
	s13 =	sadd.s32 s5, s13;
	s1 =	simm.s32 $0x34200  }
0x13: {  	s14 =	smax.u32 s15, $0x1;
	s16 =	sshrl.u32 s17, $0x3;
	[dreg:$0x6] =	wrdreg s22  }
0x14: {  	s17 =	simm.s32 $0x9;
	[dreg:$0x7] =	wrdreg s25;
	s1 =	simm.s32 @!p0 $0x3E000  }
0x15: {  	s25 =	sshrl.u32 s26, $0x3;
	s26 =	simm.s32 $0x8000;
	s22 =	simm.s32 $0x8  }
0x16: {  	v0 =	vimm.bf16 $0.0e+00;
	s15 =	sadd.s32 s1, s0;
	s1 =	simm.s32 $0x3;
	s0 =	simm.s32 $0x7  }
.LBB2_1:
0x17: {  	s5 =	rddreg [dreg:$0x6]  }
0x18: {  	[spmem:s16], [sflag:s7] =	dma.local [hbm:s5], $0x9C4  }
0x19: {  	_ =	swait.ge [sflag:s17], $0x9C4  }
0x1a: {  	[sflag:s17] =	ssyncset.done $0x0  }
0x1b: {  	s24 =	simm.s32 $0x0;
	s5 =	simm.s32 $0x80;
	[sflag:s17] =	ssyncadd.s32 $0xFFFFF63C  }
.LBB2_2:
0x1c: {  	p0 =	sne.s32 s5, $0x3F80;
	[tilespmem:s24+$0x5000] =	vst v0;
	s8 =	smov.u32 s5;
	s5 =	sadd.s32 $0x80, s5  }
.Ltmp0:
0x1d: {  	[tilespmem:s24+$0x5010] =	vst v0;
	(pc) =	sbr.rel @p0 .LBB2_2-.Ltmp0, $2  }
0x1e: {  	_ =	sdelay $0x2  }
0x1f: {  	s24 =	sshra.s32 s8, $0x2  }
0x20: {  	[tilespmem:s24+$0x5000] =	vst v0  }
0x21: {  	[tilespmem:s24+$0x5010] =	vst v0  }
0x22: {  	[spmem:s6] =	stream.linear.scatter [tilespmem:s18], [sflag:$0x9], $0x1000, $0x38;
	[tilespmem:$0x12E20] =	vst v63  }
0x23: {  	_ =	swait.ge [sflag:s17], $0x1000  }
0x24: {  	[sflag:s17] =	ssyncset.done $0x0  }
0x25: {  	s5 =	rddreg [dreg:$0x7];
	[sflag:s17] =	ssyncadd.s32 $0xFFFFF000  }
0x26: {  	[spmem:s5] =	stream.linear.scatter [tilespmem:s18], [sflag:$0x9], $0x1000, $0x38;
	[tilespmem:$0x12E20] =	vst v63  }
0x27: {  	_ =	swait.ge [sflag:s17], $0x1000  }
0x28: {  	[sflag:s17] =	ssyncset.done $0x0  }
0x29: {  	[sflag:s17] =	ssyncadd.s32 $0xFFFFF000  }
0x2a: {  	[spmem:s9] =	stream.linear.scatter [tilespmem:s18], [sflag:$0x9], $0x1000, $0x38;
	[tilespmem:$0x12E20] =	vst v63  }
0x2b: {  	_ =	swait.ge [sflag:s17], $0x1000  }
0x2c: {  	[sflag:s17] =	ssyncset.done $0x0  }
0x2d: {  	[sflag:s17] =	ssyncadd.s32 $0xFFFFF000  }
0x2e: {  	[spmem:s10] =	stream.linear.scatter [tilespmem:s18], [sflag:$0x9], $0x1000, $0x38;
	[tilespmem:$0x12E20] =	vst v63  }
0x2f: {  	_ =	swait.ge [sflag:s17], $0x1000  }
0x30: {  	[sflag:s17] =	ssyncset.done $0x0  }
0x31: {  	[sflag:s17] =	ssyncadd.s32 $0xFFFFF000  }
0x32: {  	[spmem:s11] =	stream.linear.scatter [tilespmem:s18], [sflag:$0x9], $0x1000, $0x38;
	[tilespmem:$0x12E20] =	vst v63  }
0x33: {  	_ =	swait.ge [sflag:s17], $0x1000  }
0x34: {  	[sflag:s17] =	ssyncset.done $0x0  }
0x35: {  	s24 =	simm.s32 $0x0;
	[sflag:s17] =	ssyncadd.s32 $0xFFFFF000  }
0x36: {  	[tilespmem:s24], [sflag:$0x9] =	stream.linear.gather [hbm4b:s12+s24], $0x2800, $0x38;
	[tilespmem:$0x12E20] =	vst v63  }
0x37: {  	_ =	swait.ge [sflag:s17], $0x2800  }
0x38: {  	[sflag:s17] =	ssyncset.done $0x0  }
0x39: {  	s8 =	simm.s32 $0x2800;
	[sflag:s17] =	ssyncadd.s32 $0xFFFFD800  }
0x3a: {  	[tilespmem:s8], [sflag:$0x9] =	stream.linear.gather [hbm4b:s13+s24], $0x2800, $0x38;
	[tilespmem:$0x12E20] =	vst v63  }
0x3b: {  	_ =	swait.ge [sflag:s17], $0x2800  }
0x3c: {  	[sflag:s17] =	ssyncset.done $0x0  }
0x3d: {  	[sflag:s17] =	ssyncadd.s32 $0xFFFFD800  }
0x3e: {  	[bflag:$0x0] =	sbarrier.arrive $0xFFFF  }
0x3f: {  	[tilespmem:s18], [sflag:$0x1] =	stream.indirect.gather [spmem:s2], $0x20, s24, s20, $0xb8;
	[tilespmem:$0x12E20] =	vst v63  }
0x40: {  	_ = 	snop  }
0x41: {  	[tilespmem:s21], [sflag:$0x2] =	stream.indirect.gather [spmem:s2], $0x20, s20, s20, $0xb8;
	[tilespmem:$0x12E20] =	vst v63  }
0x42: {  	s24 =	simm.s32 $0x100  }
0x43: {  	[tilespmem:s23], [sflag:$0x3] =	stream.indirect.gather [spmem:s2], $0x20, s24, s20, $0xb8;
	[tilespmem:$0x12E20] =	vst v63  }
0x44: {  	s8 =	simm.s32 $0x180  }
0x45: {  	[tilespmem:s26], [sflag:$0x4] =	stream.indirect.gather [spmem:s2], $0x20, s8, s20, $0xb8;
	[tilespmem:$0x12E20] =	vst v63  }
0x46: {  	_ =	swait.ge [sflag:s28], $0x1000  }
0x47: {  	[sflag:s28] =	ssyncset.done $0x0  }
0x48: {  	s24 =	simm.s32 $0x2800;
	[sflag:s28] =	ssyncadd.s32 $0xFFFFF000  }
0x49: {  	[spmem:s3] =	stream.indirect.scatter.add.bf16 [tilespmem:s18], [sflag:$0x5], $0x20, s24, s20, $0xb8;
	[tilespmem:$0x12E20] =	vst v63  }
0x4a: {  	_ =	swait.ge [sflag:s29], $0x1000  }
0x4b: {  	[sflag:s29] =	ssyncset.done $0x0  }
0x4c: {  	s8 =	simm.s32 $0x200;
	[sflag:s29] =	ssyncadd.s32 $0xFFFFF000  }
0x4d: {  	[tilespmem:s18], [sflag:$0x1] =	stream.indirect.gather [spmem:s2], $0x20, s8, s20, $0xb8;
	[tilespmem:$0x12E20] =	vst v63  }
0x4e: {  	_ =	swait.ge [sflag:s30], $0x1000  }
0x4f: {  	[sflag:s30] =	ssyncset.done $0x0  }
0x50: {  	s24 =	simm.s32 $0x2880;
	[sflag:s30] =	ssyncadd.s32 $0xFFFFF000  }
0x51: {  	[spmem:s3] =	stream.indirect.scatter.add.bf16 [tilespmem:s21], [sflag:$0x6], $0x20, s24, s20, $0xb8;
	[tilespmem:$0x12E20] =	vst v63  }
0x52: {  	_ =	swait.ge [sflag:s31], $0x1000  }
0x53: {  	[sflag:s31] =	ssyncset.done $0x0  }
0x54: {  	s8 =	simm.s32 $0x280;
	[sflag:s31] =	ssyncadd.s32 $0xFFFFF000  }
0x55: {  	[tilespmem:s21], [sflag:$0x2] =	stream.indirect.gather [spmem:s2], $0x20, s8, s20, $0xb8;
	[tilespmem:$0x12E20] =	vst v63  }
0x56: {  	_ =	swait.ge [sflag:s1], $0x1000  }
0x57: {  	[sflag:s1] =	ssyncset.done $0x0  }
0x58: {  	s24 =	simm.s32 $0x2900;
	[sflag:s1] =	ssyncadd.s32 $0xFFFFF000  }
0x59: {  	[spmem:s3] =	stream.indirect.scatter.add.bf16 [tilespmem:s23], [sflag:$0x7], $0x20, s24, s20, $0xb8;
	[tilespmem:$0x12E20] =	vst v63  }
0x5a: {  	_ =	swait.ge [sflag:s0], $0x1000  }
0x5b: {  	[sflag:s0] =	ssyncset.done $0x0  }
0x5c: {  	s8 =	simm.s32 $0x300;
	[sflag:s0] =	ssyncadd.s32 $0xFFFFF000  }
0x5d: {  	[tilespmem:s23], [sflag:$0x3] =	stream.indirect.gather [spmem:s2], $0x20, s8, s20, $0xb8;
	[tilespmem:$0x12E20] =	vst v63  }
0x5e: {  	_ =	swait.ge [sflag:s19], $0x1000  }
0x5f: {  	[sflag:s19] =	ssyncset.done $0x0  }
0x60: {  	s24 =	simm.s32 $0x2980;
	[sflag:s19] =	ssyncadd.s32 $0xFFFFF000  }
0x61: {  	[spmem:s3] =	stream.indirect.scatter.add.bf16 [tilespmem:s26], [sflag:$0x8], $0x20, s24, s20, $0xb8;
	[tilespmem:$0x12E20] =	vst v63  }
0x62: {  	_ =	swait.ge [sflag:s22], $0x1000  }
0x63: {  	[sflag:s22] =	ssyncset.done $0x0  }
0x64: {  	s5 =	simm.s32 $0x380;
	s24 =	simm.s32 $0x800;
	[sflag:s22] =	ssyncadd.s32 $0xFFFFF000  }
.LBB2_4:
0x65: {  	[tilespmem:s26], [sflag:$0x4] =	stream.indirect.gather [spmem:s2], $0x20, s5, s20, $0xb8;
	[tilespmem:$0x12E20] =	vst v63  }
0x66: {  	s5 =	smov.u32 s24  }
0x67: {  	p0 =	sne.s32 s24, $0x9000;
	s24 =	sadd.s32 $0x800, s24;
	_ =	swait.ge [sflag:s28], $0x1000  }
0x68: {  	s5 =	sshra.s32 s5, $0x2;
	[sflag:s28] =	ssyncset.done $0x0  }
0x69: {  	s8 =	sadd.s32 $0x2800, s5;
	[sflag:s28] =	ssyncadd.s32 $0xFFFFF000  }
0x6a: {  	[spmem:s3] =	stream.indirect.scatter.add.bf16 [tilespmem:s18], [sflag:$0x5], $0x20, s8, s20, $0xb8;
	[tilespmem:$0x12E20] =	vst v63  }
0x6b: {  	_ =	swait.ge [sflag:s29], $0x1000  }
0x6c: {  	[sflag:s29] =	ssyncset.done $0x0  }
0x6d: {  	s8 =	sadd.s32 $0x200, s5;
	[sflag:s29] =	ssyncadd.s32 $0xFFFFF000  }
0x6e: {  	[tilespmem:s18], [sflag:$0x1] =	stream.indirect.gather [spmem:s2], $0x20, s8, s20, $0xb8;
	[tilespmem:$0x12E20] =	vst v63  }
0x6f: {  	_ =	swait.ge [sflag:s30], $0x1000  }
0x70: {  	[sflag:s30] =	ssyncset.done $0x0  }
0x71: {  	s8 =	sadd.s32 $0x2880, s5;
	[sflag:s30] =	ssyncadd.s32 $0xFFFFF000  }
0x72: {  	[spmem:s3] =	stream.indirect.scatter.add.bf16 [tilespmem:s21], [sflag:$0x6], $0x20, s8, s20, $0xb8;
	[tilespmem:$0x12E20] =	vst v63  }
0x73: {  	_ =	swait.ge [sflag:s31], $0x1000  }
0x74: {  	[sflag:s31] =	ssyncset.done $0x0  }
0x75: {  	s8 =	sadd.s32 $0x280, s5;
	[sflag:s31] =	ssyncadd.s32 $0xFFFFF000  }
0x76: {  	[tilespmem:s21], [sflag:$0x2] =	stream.indirect.gather [spmem:s2], $0x20, s8, s20, $0xb8;
	[tilespmem:$0x12E20] =	vst v63  }
0x77: {  	_ =	swait.ge [sflag:s1], $0x1000  }
0x78: {  	[sflag:s1] =	ssyncset.done $0x0  }
0x79: {  	s8 =	sadd.s32 $0x2900, s5;
	[sflag:s1] =	ssyncadd.s32 $0xFFFFF000  }
0x7a: {  	[spmem:s3] =	stream.indirect.scatter.add.bf16 [tilespmem:s23], [sflag:$0x7], $0x20, s8, s20, $0xb8;
	[tilespmem:$0x12E20] =	vst v63  }
0x7b: {  	_ =	swait.ge [sflag:s0], $0x1000  }
0x7c: {  	[sflag:s0] =	ssyncset.done $0x0  }
0x7d: {  	s8 =	sadd.s32 $0x300, s5;
	[sflag:s0] =	ssyncadd.s32 $0xFFFFF000  }
0x7e: {  	[tilespmem:s23], [sflag:$0x3] =	stream.indirect.gather [spmem:s2], $0x20, s8, s20, $0xb8;
	[tilespmem:$0x12E20] =	vst v63  }
0x7f: {  	_ =	swait.ge [sflag:s19], $0x1000  }
0x80: {  	[sflag:s19] =	ssyncset.done $0x0  }
.Ltmp1:
0x81: {  	s8 =	sadd.s32 $0x2980, s5;
	[sflag:s19] =	ssyncadd.s32 $0xFFFFF000;
	(pc) =	sbr.rel @p0 .LBB2_4-.Ltmp1, $4  }
0x82: {  	[spmem:s3] =	stream.indirect.scatter.add.bf16 [tilespmem:s26], [sflag:$0x8], $0x20, s8, s20, $0xb8;
	[tilespmem:$0x12E20] =	vst v63  }
0x83: {  	_ =	swait.ge [sflag:s22], $0x1000  }
0x84: {  	[sflag:s22] =	ssyncset.done $0x0  }
0x85: {  	s5 =	sadd.s32 $0x380, s5;
	[sflag:s22] =	ssyncadd.s32 $0xFFFFF000  }
0x86: {  	[tilespmem:s26], [sflag:$0x4] =	stream.indirect.gather [spmem:s2], $0x20, s5, s20, $0xb8;
	[tilespmem:$0x12E20] =	vst v63  }
0x87: {  	_ =	swait.ge [sflag:s28], $0x1000  }
0x88: {  	[sflag:s28] =	ssyncset.done $0x0  }
0x89: {  	s8 =	simm.s32 $0x4E00;
	[sflag:s28] =	ssyncadd.s32 $0xFFFFF000  }
0x8a: {  	[spmem:s3] =	stream.indirect.scatter.add.bf16 [tilespmem:s18], [sflag:$0x5], $0x20, s8, s20, $0xb8;
	[tilespmem:$0x12E20] =	vst v63  }
0x8b: {  	_ =	swait.ge [sflag:s30], $0x1000  }
0x8c: {  	[sflag:s30] =	ssyncset.done $0x0  }
0x8d: {  	s24 =	simm.s32 $0x4E80;
	[sflag:s30] =	ssyncadd.s32 $0xFFFFF000  }
0x8e: {  	[spmem:s3] =	stream.indirect.scatter.add.bf16 [tilespmem:s21], [sflag:$0x6], $0x20, s24, s20, $0xb8;
	[tilespmem:$0x12E20] =	vst v63  }
0x8f: {  	_ =	swait.ge [sflag:s1], $0x1000  }
0x90: {  	[sflag:s1] =	ssyncset.done $0x0  }
0x91: {  	s8 =	simm.s32 $0x4F00;
	[sflag:s1] =	ssyncadd.s32 $0xFFFFF000  }
0x92: {  	[spmem:s3] =	stream.indirect.scatter.add.bf16 [tilespmem:s23], [sflag:$0x7], $0x20, s8, s20, $0xb8;
	[tilespmem:$0x12E20] =	vst v63  }
0x93: {  	_ =	swait.ge [sflag:s19], $0x1000  }
0x94: {  	[sflag:s19] =	ssyncset.done $0x0  }
0x95: {  	s24 =	simm.s32 $0x4F80;
	[sflag:s19] =	ssyncadd.s32 $0xFFFFF000  }
0x96: {  	[spmem:s3] =	stream.indirect.scatter.add.bf16 [tilespmem:s26], [sflag:$0x8], $0x20, s24, s20, $0xb8;
	[tilespmem:$0x12E20] =	vst v63  }
0x97: {  	_ =	swait.ge [sflag:s29], $0x1000  }
0x98: {  	[sflag:s29] =	ssyncset.done $0x0  }
0x99: {  	[sflag:s29] =	ssyncadd.s32 $0xFFFFF000  }
0x9a: {  	_ =	swait.ge [sflag:s31], $0x1000  }
0x9b: {  	[sflag:s31] =	ssyncset.done $0x0  }
0x9c: {  	[sflag:s31] =	ssyncadd.s32 $0xFFFFF000  }
0x9d: {  	_ =	swait.ge [sflag:s0], $0x1000  }
0x9e: {  	[sflag:s0] =	ssyncset.done $0x0  }
0x9f: {  	[sflag:s0] =	ssyncadd.s32 $0xFFFFF000  }
0xa0: {  	_ =	swait.ge [sflag:s22], $0x1000  }
0xa1: {  	s4 =	sadd.s32 $0x1, s4;
	[sflag:s22] =	ssyncset.done $0x0  }
0xa2: {  	p0 =	sne.s32 s4, s14;
	[sflag:s22] =	ssyncadd.s32 $0xFFFFF000  }
.Ltmp2:
0xa3: {  	[bflag:$0x0] =	sbarrier.arrive $0xFFFF;
	(pc) =	sbr.rel @p0 .LBB2_1-.Ltmp2, $4  }
0xa4: {  	[hbm:s15], [sflag:s7] =	dma.local [spmem:s25], $0x9C4  }
0xa5: {  	_ =	swait.ge [sflag:s17], $0x9C4  }
0xa6: {  	[sflag:s17] =	ssyncset.done $0x0  }
0xa7: {  	[sflag:s17] =	ssyncadd.s32 $0xFFFFF63C  }
0xa8: {  	_ =	sfence.sel $0x180000  }
0xa9: {  	[bflag:$0x0] =	sbarrier.arrive $0xFFFF  }
0xaa: {  	_ =	strace $0x9000004A  }
0xab: {  	s0 =	stileid.u32;
	[bflag:$0x2] =	sbarrier.arrive $0xFFFF  }
0xac: {  	p0 =	sne.s32 s0, $0x0;
	s0 =	rddreg [dreg:$0x5]  }
0xad: {  	s0 =	sadd.s32 @!p0 $0x100000, s0  }
0xae: {  	[sflag:s0] =	ssyncadd.tile.s32 @!p0 $0x1;
	_ =	shalt  }
.Lfunc_end2:
_tile_overlayer_lowered:
.L_overlay_start_2:
0xaf: {  	(tag) =	ssettag $0x2  }
0xb0: {  	s0 =	rddreg [dreg:$0x0];
	s2 =	stileid.u32  }
0xb1: {  	s1 =	rddreg [dreg:$0x1];
	p0 =	sne.s32 s2, $0x0  }
0xb2: {  	s3 =	rddreg [dreg:$0x2];
	[bflag:$0x3] =	sbarrier.arrive $0xFFFF;
	s2 =	simm.s32 @!p0 $0x1C09  }
0xb3: {  	[timem:s3], [sflag:s2] =	dma.local @!p0 [hbm:s0], s1  }
0xb4: {  	s0 =	simm.s32 @!p0 $0x9  }
0xb5: {  	_ =	swait.ge @!p0 [sflag:s0], s1  }
0xb6: {  	s1 =	ssub.s32 @!p0 $0x0, s1;
	[sflag:s0] =	ssyncset.done @!p0 $0x0  }
0xb7: {  	[sflag:s0] =	ssyncadd.s32 @!p0 s1  }
0xb8: {  	[bflag:$0x3] =	sbarrier.arrive $0xFFFF  }
0xb9: {  	_ =	shalt  }

// kernel: kernel.14.cloned.1.call-start
scs
__scs_entry_jumppad:
0x0: {  	(pc) =	sbr.rel $0x88, $3  }
0x1: {  	(tag) =	ssettag $0x0;
	lr =	simm.s32 $0x1  }
0x2: {  	[smem:$0x3F96] =	sst lr;
	_ =	strace $0xD0000000  }
0x3: {  	_ = 	snop  }
0x4: {  	_ = 	snop  }
0x5: {  	_ = 	snop  }
0x6: {  	_ = 	snop  }
0x7: {  	_ = 	snop  }
__scs_overlays_trampoline_lowered:
0x8: {  	[smem:$0x3FA5] =	sst s0  }
0x9: {  	[smem:$0x3FA6] =	sst s1  }
0xa: {  	[smem:$0x3FA7] =	sst s2  }
0xb: {  	[smem:$0x3FA8] =	sst s3  }
0xc: {  	[smem:$0x3FA9] =	sst s4  }
0xd: {  	[smem:$0x3FAA] =	sst s5  }
0xe: {  	[smem:$0x3FAB] =	sst s6  }
0xf: {  	[smem:$0x3FAC] =	sst s7  }
0x10: {  	[smem:$0x3FAD] =	sst s8  }
0x11: {  	[smem:$0x3FAE] =	sst s9;
	s0 =	simm.s32 @!p0 $0x0  }
0x12: {  	s1 =	sld [smem:$0x3F94];
	s0 =	simm.s32 @p0 $0x1  }
0x13: {  	[smem:$0x3FAF] =	sst s0;
	s0 =	simm.s32 @!p1 $0x0  }
0x14: {  	s2 =	sld [smem:$0x3F93];
	s0 =	simm.s32 @p1 $0x1  }
0x15: {  	[smem:$0x3FB0] =	sst s0;
	s0 =	simm.s32 @!p2 $0x0  }
0x16: {  	s3 =	sld [smem:$0x3FDB];
	s0 =	simm.s32 @p2 $0x1  }
0x17: {  	s4 =	simm.s32 $0x1BF5;
	[smem:$0x3FB2] =	sst s0  }
0x18: {  	s0 =	sld [smem:$0x3F95];
	_ =	swait.ge [sflag:s4], $0x0  }
0x19: {  	s7 =	sld [smem:$0x3F96]  }
0x1a: {  	s8 =	sadd.s32 $0xFFFFE003, lr  }
0x1b: {  	s9 =	sadd.s32 $0xFFFFFEF7, lr;
	s5 =	simm.s32 $0xFFFFFFFF;
	p2 =	slt.u32 s8, $0xFFFFF086  }
0x1c: {  	p1 =	slt.u32 s9, $0xF7A;
	s5 =	simm.s32 @!p2 $0x0  }
0x1d: {  	s5 =	simm.s32 @p1 $0x1;
	p0 =	seq.s32 s7, s2  }
0x1e: {  	s7 =	smul.u32 @!p0 $0xF7A, s2;
	p2 =	seq.s32 @!p0 s5, $0x0  }
0x1f: {  	s9 =	smul.u32 $0xF7A, s1;
	s8 =	simm.s32 @!p0 $0x1BF5;
	p2 =	por !p2, p0  }
0x20: {  	[sflag:s8] =	ssyncset.s32 @!p0 $0xFFFFF086;
	s6 =	sadd.s32 @!p0 s3, s7;
	s7 =	simm.s32 @!p0 $0x108  }
0x21: {  	s3 =	sadd.s32 s3, s9;
	s6 =	sadd.s32 @!p0 $0x88, s6;
	s7 =	simm.s32 @p2 $0x1082  }
0x22: {  	[simem:s7], [sflag:s8] =	dma.local @!p0 [hbm:s6], $0xF7A  }
0x23: {  	s9 =	sor.u32 $0xD0000000, s2;
	s6 =	simm.s32 $0x108;
	_ =	swait.ge @!p0 [sflag:s8], $0x0  }
0x24: {  	s3 =	sadd.s32 $0x88, s3;
	s6 =	simm.s32 @!p1 $0x1082;
	[sflag:s4] =	ssyncset.s32 $0xFFFFF086  }
0x25: {  	[simem:s6], [sflag:s4] =	dma.local [hbm:s3], $0xF7A  }
0x26: {  	[smem:$0x3F96] =	sst s1;
	(tag) =	ssettag s2;
	_ =	strace s9  }
0x27: {  	s1 =	sld [smem:$0x3FA6]  }
0x28: {  	s2 =	sld [smem:$0x3FA7]  }
0x29: {  	s4 =	sld [smem:$0x3FA9]  }
0x2a: {  	p0 =	seq.s32 s5, $0x0;
	s5 =	sld [smem:$0x3FAA]  }
0x2b: {  	s6 =	sld [smem:$0x3FAB]  }
0x2c: {  	s7 =	sld [smem:$0x3FAC]  }
0x2d: {  	s3 =	simm.s32 $0x108;
	s8 =	sld [smem:$0x3FAD]  }
0x2e: {  	s3 =	simm.s32 @!p0 $0x1082;
	s9 =	sld [smem:$0x3FAE]  }
0x2f: {  	lr =	sadd.s32 s0, s3;
	s0 =	sld [smem:$0x3FA5]  }
0x30: {  	s3 =	sld [smem:$0x3FA8]  }
0x31: {  	[smem:$0x3FB1] =	sst s10  }
0x32: {  	s10 =	sld [smem:$0x3FAF];
	_ =	sdelay $0x3  }
0x33: {  	p0 =	seq.s32 s10, $0x1;
	s10 =	sld [smem:$0x3FB1];
	_ =	sdelay $0x3  }
0x34: {  	[smem:$0x3FB1] =	sst s10  }
0x35: {  	s10 =	sld [smem:$0x3FB0];
	_ =	sdelay $0x3  }
0x36: {  	p1 =	seq.s32 s10, $0x1;
	s10 =	sld [smem:$0x3FB1];
	_ =	sdelay $0x3  }
0x37: {  	[smem:$0x3FB1] =	sst s10  }
0x38: {  	s10 =	sld [smem:$0x3FB2]  }
0x39: {  	_ = 	snop;
	(pc) =	sbr.ind lr, $3  }
0x3a: {  	_ = 	snop  }
0x3b: {  	_ = 	snop  }
0x3c: {  	p2 =	seq.s32 s10, $0x1;
	s10 =	sld [smem:$0x3FB1]  }
0x3d: {  	_ =	shalt  }
0x3e: {  	_ =	shalt  }
0x3f: {  	_ =	shalt  }
0x40: {  	_ =	shalt  }
0x41: {  	_ =	shalt  }
0x42: {  	_ =	shalt  }
0x43: {  	_ =	shalt  }
0x44: {  	_ =	shalt  }
0x45: {  	_ =	shalt  }
0x46: {  	_ =	shalt  }
0x47: {  	_ =	shalt  }
0x48: {  	_ =	shalt  }
0x49: {  	_ =	shalt  }
0x4a: {  	_ =	shalt  }
0x4b: {  	_ =	shalt  }
0x4c: {  	_ =	shalt  }
0x4d: {  	_ =	shalt  }
0x4e: {  	_ =	shalt  }
0x4f: {  	_ =	shalt  }
0x50: {  	_ =	shalt  }
0x51: {  	_ =	shalt  }
0x52: {  	_ =	shalt  }
0x53: {  	_ =	shalt  }
0x54: {  	_ =	shalt  }
0x55: {  	_ =	shalt  }
0x56: {  	_ =	shalt  }
0x57: {  	_ =	shalt  }
0x58: {  	_ =	shalt  }
0x59: {  	_ =	shalt  }
0x5a: {  	_ =	shalt  }
0x5b: {  	_ =	shalt  }
0x5c: {  	_ =	shalt  }
0x5d: {  	_ =	shalt  }
0x5e: {  	_ =	shalt  }
0x5f: {  	_ =	shalt  }
0x60: {  	_ =	shalt  }
0x61: {  	_ =	shalt  }
0x62: {  	_ =	shalt  }
0x63: {  	_ =	shalt  }
0x64: {  	_ =	shalt  }
0x65: {  	_ =	shalt  }
0x66: {  	_ =	shalt  }
0x67: {  	_ =	shalt  }
0x68: {  	_ =	shalt  }
0x69: {  	_ =	shalt  }
0x6a: {  	_ =	shalt  }
0x6b: {  	_ =	shalt  }
0x6c: {  	_ =	shalt  }
0x6d: {  	_ =	shalt  }
0x6e: {  	_ =	shalt  }
0x6f: {  	_ =	shalt  }
0x70: {  	_ =	shalt  }
0x71: {  	_ =	shalt  }
0x72: {  	_ =	shalt  }
0x73: {  	_ =	shalt  }
0x74: {  	_ =	shalt  }
0x75: {  	_ =	shalt  }
0x76: {  	_ =	shalt  }
0x77: {  	_ =	shalt  }
0x78: {  	_ =	shalt  }
0x79: {  	_ =	shalt  }
0x7a: {  	_ =	shalt  }
0x7b: {  	_ =	shalt  }
0x7c: {  	_ =	shalt  }
0x7d: {  	_ =	shalt  }
0x7e: {  	_ =	shalt  }
0x7f: {  	_ =	shalt  }
0x80: {  	_ =	shalt  }
0x81: {  	_ =	shalt  }
0x82: {  	_ =	shalt  }
0x83: {  	_ =	shalt  }
0x84: {  	_ =	shalt  }
0x85: {  	_ =	shalt  }
0x86: {  	_ =	shalt  }
0x87: {  	_ =	shalt  }
.Lfunc_end0:
.L_simem_size_0:
called_computation.2_lowered:
.L_overlay_start_0:
0x88: {  	s2 =	sld [smem:$0x3FD9]  }
0x89: {  	s3 =	sld [smem:$0x3FFE];
	_ =	sdelay $0x1  }
0x8a: {  	s1 =	srdreg.scid  }
0x8b: {  	s0 =	sand.u32 $0x1, s1  }
0x8c: {  	s14 =	sshll.u32 s0, $0xA;
	s2 =	sadd.s32 s3, s2  }
0x8d: {  	s2 =	sadd.s32 s2, s14  }
0x8e: {  	[smem:$0x3FBD] =	sst s2  }
0x8f: {  	_ = 	snop  }
0x90: {  	s2 =	sld [smem:$0x3FD0];
	_ =	sdelay $0x2  }
0x91: {  	s15 =	simm.s32 $0xA;
	s4 =	simm.s32 $0x10  }
0x92: {  	[smem:s4], [sflag:s15] =	dma.local [hbm:s2], $0x1  }
0x93: {  	_ =	swait.eq [sflag:s15], $0x1  }
0x94: {  	[sflag:s15] =	ssyncset.done $0x0  }
0x95: {  	s16 =	sld [smem:$0x10];
	[sflag:s15] =	ssyncadd.s32 $0xFFFFFFFF  }
0x96: {  	s17 =	sld [smem:$0x11];
	(tm) =	ssettm $0x1  }
0x97: {  	s18 =	sld [smem:$0x3FFB];
	_ =	sdelay $0x3  }
0x98: {  	_ =	strace s18  }
0x99: {  	s4 =	sld [smem:$0x3FFC];
	_ =	sdelay $0x3  }
0x9a: {  	_ =	strace s4  }
0x9b: {  	s4 =	sld [smem:$0x3FFD];
	_ =	sdelay $0x3  }
0x9c: {  	_ =	strace s4  }
0x9d: {  	_ =	strace $0x8FFFFFFF  }
0x9e: {  	s19 =	sld [smem:$0x3FDB];
	_ =	sdelay $0x1  }
0x9f: {  	s5 =	simm.s32 $_scs_section_size  }
0xa0: {  	s6 =	simm.s32 $_size__tile_overlayer_lowered;
	s7 =	simm.s32 $_tile_overlayer_lowered  }
0xa1: {  	s22 =	simm.s32 $0x1BFF;
	s21 =	sshll.u32 s7, $0x1;
	s4 =	sadd.s32 s5, s19  }
0xa2: {  	s8 =	simm.s32 $0x0;
	s20 =	sshll.u32 s6, $0x1;
	s6 =	sadd.s32 s21, s4  }
0xa3: {  	[timem:s8], [sflag:s22] =	dma.local [hbm:s6], s20  }
0xa4: {  	_ =	swait.ge [sflag:s22], s20  }
0xa5: {  	s5 =	ssub.s32 $0x0, s20;
	[sflag:s22] =	ssyncset.done $0x0  }
0xa6: {  	[sflag:s22] =	ssyncadd.s32 s5;
	_ =	sdelay $0x1  }
0xa7: {  	s23 =	simm.s32 $0x1B8B  }
0xa8: {  	_ =	swait.ge [sflag:s23], $0x1  }
0xa9: {  	[sflag:s23] =	ssyncset.done $0x0  }
0xaa: {  	s25 =	simm.s32 $0x1B8E;
	s24 =	sld [smem:$0x3FFE];
	[sflag:s23] =	ssyncadd.s32 $0xFFFFFFFF  }
0xab: {  	s26 =	simm.s32 $execute0_lowered;
	[smem:$0x3FD2] =	sst s25  }
0xac: {  	s6 =	sshll.u32 s26, $0x1;
	_ =	strace $0x8000004C;
	[dreg:$0x1] =	wrdreg $0xFFFFFFFF  }
0xad: {  	s28 =	simm.s32 $_size_execute0_lowered;
	s4 =	sadd.s32 s4, s6;
	[dreg:$0x0] =	wrdreg $0x0  }
0xae: {  	s6 =	sshll.u32 s28, $0x1;
	[dreg:$0x2] =	wrdreg s4  }
0xaf: {  	[dreg:$0x3] =	wrdreg s6  }
0xb0: {  	[dreg:$0x4] =	wrdreg $0xC0  }
0xb1: {  	_ =	task [dreg:s8], $0x5FFFF  }
0xb2: {  	[dreg:$0x1] =	wrdreg $0xFFFFFFFF  }
0xb3: {  	[dreg:$0x0] =	wrdreg $0x60  }
0xb4: {  	[dreg:$0x2] =	wrdreg s24  }
0xb5: {  	[dreg:$0x3] =	wrdreg s16  }
0xb6: {  	[dreg:$0x4] =	wrdreg s17  }
0xb7: {  	[dreg:$0x5] =	wrdreg $0xE0000  }
0xb8: {  	[dreg:$0x6] =	wrdreg $0x90000  }
0xb9: {  	[dreg:$0x7] =	wrdreg $0x9  }
0xba: {  	_ =	task.clear_ibuf [dreg:s8], $0x8FFFF;
	_ =	strace $0x9000004C  }
0xbb: {  	s29 =	simm.s32 $0x9;
	_ =	strace $0x8000004E  }
0xbc: {  	_ =	swait.ge [sflag:s29], $0x1  }
0xbd: {  	[sflag:s29] =	ssyncadd.s32 $0xFFFFFFFF  }
0xbe: {  	_ =	strace $0x9000004E  }
0xbf: {  	_ =	sfence  }
0xc0: {  	s30 =	sld [smem:$0x0];
	_ =	sdelay $0x2  }
0xc1: {  	s31 =	sshll.u32 s1, $0xD;
	s1 =	sshrl.u32 s1, $0x2  }
0xc2: {  	s3 =	sand.u32 $0x4000, s31;
	s1 =	sadd.s32 s1, s30  }
0xc3: {  	s0 =	sor.u32 s3, s0;
	s1 =	sshll.u32 s1, $0x11  }
0xc4: {  	s0 =	sor.u32 s1, s0  }
0xc5: {  	s0 =	sadd.s32 $0x8F2B, s0  }
0xc6: {  	[sflag:s0] =	ssyncadd.remote.s32 $0x1  }
0xc7: {  	_ =	sfence.sel $0xFFFF  }
0xc8: {  	[dreg:$0x0] =	wrdreg $0xFFFFFFFF;
	(pc) =	sbr.abs _section_cstart, $3  }
0xc9: {  	[dreg:$0x1] =	wrdreg $0xFFFFFFFF  }
0xca: {  	_ =	task.clear_ibuf [dreg:s8], $0x2FFFF;
	_ =	strace $0x9FFFFFFF  }
0xcb: {  	(tm) =	ssettm $0x7FFFFFFF  }
tec
execute0_lowered:
.L_overlay_start_1:
0x0: {  	(tag) =	ssettag $0x1  }
0x1: {  	s0 =	rddreg [dreg:$0x0]  }
0x2: {  	s1 =	rddreg [dreg:$0x1]  }
0x3: {  	s5 =	rddreg [dreg:$0x2]  }
0x4: {  	s2 =	rddreg [dreg:$0x3]  }
0x5: {  	s11 =	stileid.u32;
	s3 =	rddreg [dreg:$0x4];
	s4 =	simm.s32 $0x0  }
0x6: {  	s7 =	srdreg.scid;
	s18 =	simm.s32 $0x5000;
	s28 =	simm.s32 $0x1  }
0x7: {  	s29 =	simm.s32 $0x5;
	s30 =	simm.s32 $0x2;
	s31 =	simm.s32 $0x6  }
0x8: {  	s19 =	simm.s32 $0x4;
	s6 =	smul.u32 $0x9C40, s11;
	[smem:$0x7FF] =	sst s4  }
0x9: {  	s14 =	sand.u32 $0x1, s7;
	s9 =	sshll.u32 s11, $0x1;
	s10 =	smul.u32 $0x14000, s11  }
0xa: {  	s24 =	sshll.u32 s11, $0x6;
	_ =	strace $0x8000004D;
	s7 =	ssub.s32 $0x2, s14  }
0xb: {  	s21 =	sor.u32 s14, s9;
	p0 =	seq.s32 s14, $0x1;
	s8 =	sshrl.u32 s6, $0x4  }
0xc: {  	s20 =	sshrl.u32 s7, $0x1;
	s16 =	sshrl.u32 s6, $0x1;
	s23 =	sshrl.u32 s10, $0x2  }
0xd: {  	s13 =	smul.u32 $0x500, s21;
	s21 =	simm.s32 $0x6000;
	s0 =	sadd.s32 s8, s0  }
0xe: {  	s15 =	ssub.s32 s7, s20;
	s17 =	sadd.s32 s16, s2;
	s6 =	sadd.s32 s23, s3  }
0xf: {  	s7 =	sor.u32 $0x1C09, s24;
	s26 =	sadd.s32 s16, s3;
	s20 =	simm.s32 $0x80  }
0x10: {  	s23 =	simm.s32 $0x7000;
	s22 =	sadd.s32 $0x2A400, s0;
	s25 =	sadd.s32 $0x1000, s6  }
0x11: {  	s9 =	sadd.s32 $0x2000, s6;
	s10 =	sadd.s32 $0x3000, s6;
	s11 =	sadd.s32 $0x4000, s6  }
0x12: {  	s12 =	sadd.s32 s1, s13;
	s13 =	sadd.s32 s5, s13;
	s1 =	simm.s32 $0x34200  }
0x13: {  	s14 =	smax.u32 s15, $0x1;
	s16 =	sshrl.u32 s17, $0x3;
	[dreg:$0x6] =	wrdreg s22  }
0x14: {  	s17 =	simm.s32 $0x9;
	[dreg:$0x7] =	wrdreg s25;
	s1 =	simm.s32 @!p0 $0x3E000  }
0x15: {  	s25 =	sshrl.u32 s26, $0x3;
	s26 =	simm.s32 $0x8000;
	s22 =	simm.s32 $0x8  }
0x16: {  	v0 =	vimm.bf16 $0.0e+00;
	s15 =	sadd.s32 s1, s0;
	s1 =	simm.s32 $0x3;
	s0 =	simm.s32 $0x7  }
.LBB2_1:
0x17: {  	s5 =	rddreg [dreg:$0x6]  }
0x18: {  	[spmem:s16], [sflag:s7] =	dma.local [hbm:s5], $0x9C4  }
0x19: {  	_ =	swait.ge [sflag:s17], $0x9C4  }
0x1a: {  	[sflag:s17] =	ssyncset.done $0x0  }
0x1b: {  	s24 =	simm.s32 $0x0;
	s5 =	simm.s32 $0x80;
	[sflag:s17] =	ssyncadd.s32 $0xFFFFF63C  }
.LBB2_2:
0x1c: {  	p0 =	sne.s32 s5, $0x3F80;
	[tilespmem:s24+$0x5000] =	vst v0;
	s8 =	smov.u32 s5;
	s5 =	sadd.s32 $0x80, s5  }
.Ltmp0:
0x1d: {  	[tilespmem:s24+$0x5010] =	vst v0;
	(pc) =	sbr.rel @p0 .LBB2_2-.Ltmp0, $2  }
0x1e: {  	_ =	sdelay $0x2  }
0x1f: {  	s24 =	sshra.s32 s8, $0x2  }
0x20: {  	[tilespmem:s24+$0x5000] =	vst v0  }
0x21: {  	[tilespmem:s24+$0x5010] =	vst v0  }
0x22: {  	[spmem:s6] =	stream.linear.scatter [tilespmem:s18], [sflag:$0x9], $0x1000, $0x38;
	[tilespmem:$0x12E20] =	vst v63  }
0x23: {  	_ =	swait.ge [sflag:s17], $0x1000  }
0x24: {  	[sflag:s17] =	ssyncset.done $0x0  }
0x25: {  	s5 =	rddreg [dreg:$0x7];
	[sflag:s17] =	ssyncadd.s32 $0xFFFFF000  }
0x26: {  	[spmem:s5] =	stream.linear.scatter [tilespmem:s18], [sflag:$0x9], $0x1000, $0x38;
	[tilespmem:$0x12E20] =	vst v63  }
0x27: {  	_ =	swait.ge [sflag:s17], $0x1000  }
0x28: {  	[sflag:s17] =	ssyncset.done $0x0  }
0x29: {  	[sflag:s17] =	ssyncadd.s32 $0xFFFFF000  }
0x2a: {  	[spmem:s9] =	stream.linear.scatter [tilespmem:s18], [sflag:$0x9], $0x1000, $0x38;
	[tilespmem:$0x12E20] =	vst v63  }
0x2b: {  	_ =	swait.ge [sflag:s17], $0x1000  }
0x2c: {  	[sflag:s17] =	ssyncset.done $0x0  }
0x2d: {  	[sflag:s17] =	ssyncadd.s32 $0xFFFFF000  }
0x2e: {  	[spmem:s10] =	stream.linear.scatter [tilespmem:s18], [sflag:$0x9], $0x1000, $0x38;
	[tilespmem:$0x12E20] =	vst v63  }
0x2f: {  	_ =	swait.ge [sflag:s17], $0x1000  }
0x30: {  	[sflag:s17] =	ssyncset.done $0x0  }
0x31: {  	[sflag:s17] =	ssyncadd.s32 $0xFFFFF000  }
0x32: {  	[spmem:s11] =	stream.linear.scatter [tilespmem:s18], [sflag:$0x9], $0x1000, $0x38;
	[tilespmem:$0x12E20] =	vst v63  }
0x33: {  	_ =	swait.ge [sflag:s17], $0x1000  }
0x34: {  	[sflag:s17] =	ssyncset.done $0x0  }
0x35: {  	s24 =	simm.s32 $0x0;
	[sflag:s17] =	ssyncadd.s32 $0xFFFFF000  }
0x36: {  	[tilespmem:s24], [sflag:$0x9] =	stream.linear.gather [hbm4b:s12+s24], $0x2800, $0x38;
	[tilespmem:$0x12E20] =	vst v63  }
0x37: {  	_ =	swait.ge [sflag:s17], $0x2800  }
0x38: {  	[sflag:s17] =	ssyncset.done $0x0  }
0x39: {  	s8 =	simm.s32 $0x2800;
	[sflag:s17] =	ssyncadd.s32 $0xFFFFD800  }
0x3a: {  	[tilespmem:s8], [sflag:$0x9] =	stream.linear.gather [hbm4b:s13+s24], $0x2800, $0x38;
	[tilespmem:$0x12E20] =	vst v63  }
0x3b: {  	_ =	swait.ge [sflag:s17], $0x2800  }
0x3c: {  	[sflag:s17] =	ssyncset.done $0x0  }
0x3d: {  	[sflag:s17] =	ssyncadd.s32 $0xFFFFD800  }
0x3e: {  	[bflag:$0x0] =	sbarrier.arrive $0xFFFF  }
0x3f: {  	[tilespmem:s18], [sflag:$0x1] =	stream.indirect.gather [spmem:s2], $0x20, s24, s20, $0xb8;
	[tilespmem:$0x12E20] =	vst v63  }
0x40: {  	_ = 	snop  }
0x41: {  	[tilespmem:s21], [sflag:$0x2] =	stream.indirect.gather [spmem:s2], $0x20, s20, s20, $0xb8;
	[tilespmem:$0x12E20] =	vst v63  }
0x42: {  	s24 =	simm.s32 $0x100  }
0x43: {  	[tilespmem:s23], [sflag:$0x3] =	stream.indirect.gather [spmem:s2], $0x20, s24, s20, $0xb8;
	[tilespmem:$0x12E20] =	vst v63  }
0x44: {  	s8 =	simm.s32 $0x180  }
0x45: {  	[tilespmem:s26], [sflag:$0x4] =	stream.indirect.gather [spmem:s2], $0x20, s8, s20, $0xb8;
	[tilespmem:$0x12E20] =	vst v63  }
0x46: {  	_ =	swait.ge [sflag:s28], $0x1000  }
0x47: {  	[sflag:s28] =	ssyncset.done $0x0  }
0x48: {  	s24 =	simm.s32 $0x2800;
	[sflag:s28] =	ssyncadd.s32 $0xFFFFF000  }
0x49: {  	[spmem:s3] =	stream.indirect.scatter.add.bf16 [tilespmem:s18], [sflag:$0x5], $0x20, s24, s20, $0xb8;
	[tilespmem:$0x12E20] =	vst v63  }
0x4a: {  	_ =	swait.ge [sflag:s29], $0x1000  }
0x4b: {  	[sflag:s29] =	ssyncset.done $0x0  }
0x4c: {  	s8 =	simm.s32 $0x200;
	[sflag:s29] =	ssyncadd.s32 $0xFFFFF000  }
0x4d: {  	[tilespmem:s18], [sflag:$0x1] =	stream.indirect.gather [spmem:s2], $0x20, s8, s20, $0xb8;
	[tilespmem:$0x12E20] =	vst v63  }
0x4e: {  	_ =	swait.ge [sflag:s30], $0x1000  }
0x4f: {  	[sflag:s30] =	ssyncset.done $0x0  }
0x50: {  	s24 =	simm.s32 $0x2880;
	[sflag:s30] =	ssyncadd.s32 $0xFFFFF000  }
0x51: {  	[spmem:s3] =	stream.indirect.scatter.add.bf16 [tilespmem:s21], [sflag:$0x6], $0x20, s24, s20, $0xb8;
	[tilespmem:$0x12E20] =	vst v63  }
0x52: {  	_ =	swait.ge [sflag:s31], $0x1000  }
0x53: {  	[sflag:s31] =	ssyncset.done $0x0  }
0x54: {  	s8 =	simm.s32 $0x280;
	[sflag:s31] =	ssyncadd.s32 $0xFFFFF000  }
0x55: {  	[tilespmem:s21], [sflag:$0x2] =	stream.indirect.gather [spmem:s2], $0x20, s8, s20, $0xb8;
	[tilespmem:$0x12E20] =	vst v63  }
0x56: {  	_ =	swait.ge [sflag:s1], $0x1000  }
0x57: {  	[sflag:s1] =	ssyncset.done $0x0  }
0x58: {  	s24 =	simm.s32 $0x2900;
	[sflag:s1] =	ssyncadd.s32 $0xFFFFF000  }
0x59: {  	[spmem:s3] =	stream.indirect.scatter.add.bf16 [tilespmem:s23], [sflag:$0x7], $0x20, s24, s20, $0xb8;
	[tilespmem:$0x12E20] =	vst v63  }
0x5a: {  	_ =	swait.ge [sflag:s0], $0x1000  }
0x5b: {  	[sflag:s0] =	ssyncset.done $0x0  }
0x5c: {  	s8 =	simm.s32 $0x300;
	[sflag:s0] =	ssyncadd.s32 $0xFFFFF000  }
0x5d: {  	[tilespmem:s23], [sflag:$0x3] =	stream.indirect.gather [spmem:s2], $0x20, s8, s20, $0xb8;
	[tilespmem:$0x12E20] =	vst v63  }
0x5e: {  	_ =	swait.ge [sflag:s19], $0x1000  }
0x5f: {  	[sflag:s19] =	ssyncset.done $0x0  }
0x60: {  	s24 =	simm.s32 $0x2980;
	[sflag:s19] =	ssyncadd.s32 $0xFFFFF000  }
0x61: {  	[spmem:s3] =	stream.indirect.scatter.add.bf16 [tilespmem:s26], [sflag:$0x8], $0x20, s24, s20, $0xb8;
	[tilespmem:$0x12E20] =	vst v63  }
0x62: {  	_ =	swait.ge [sflag:s22], $0x1000  }
0x63: {  	[sflag:s22] =	ssyncset.done $0x0  }
0x64: {  	s5 =	simm.s32 $0x380;
	s24 =	simm.s32 $0x800;
	[sflag:s22] =	ssyncadd.s32 $0xFFFFF000  }
.LBB2_4:
0x65: {  	[tilespmem:s26], [sflag:$0x4] =	stream.indirect.gather [spmem:s2], $0x20, s5, s20, $0xb8;
	[tilespmem:$0x12E20] =	vst v63  }
0x66: {  	s5 =	smov.u32 s24  }
0x67: {  	p0 =	sne.s32 s24, $0x9000;
	s24 =	sadd.s32 $0x800, s24;
	_ =	swait.ge [sflag:s28], $0x1000  }
0x68: {  	s5 =	sshra.s32 s5, $0x2;
	[sflag:s28] =	ssyncset.done $0x0  }
0x69: {  	s8 =	sadd.s32 $0x2800, s5;
	[sflag:s28] =	ssyncadd.s32 $0xFFFFF000  }
0x6a: {  	[spmem:s3] =	stream.indirect.scatter.add.bf16 [tilespmem:s18], [sflag:$0x5], $0x20, s8, s20, $0xb8;
	[tilespmem:$0x12E20] =	vst v63  }
0x6b: {  	_ =	swait.ge [sflag:s29], $0x1000  }
0x6c: {  	[sflag:s29] =	ssyncset.done $0x0  }
0x6d: {  	s8 =	sadd.s32 $0x200, s5;
	[sflag:s29] =	ssyncadd.s32 $0xFFFFF000  }
0x6e: {  	[tilespmem:s18], [sflag:$0x1] =	stream.indirect.gather [spmem:s2], $0x20, s8, s20, $0xb8;
	[tilespmem:$0x12E20] =	vst v63  }
0x6f: {  	_ =	swait.ge [sflag:s30], $0x1000  }
0x70: {  	[sflag:s30] =	ssyncset.done $0x0  }
0x71: {  	s8 =	sadd.s32 $0x2880, s5;
	[sflag:s30] =	ssyncadd.s32 $0xFFFFF000  }
0x72: {  	[spmem:s3] =	stream.indirect.scatter.add.bf16 [tilespmem:s21], [sflag:$0x6], $0x20, s8, s20, $0xb8;
	[tilespmem:$0x12E20] =	vst v63  }
0x73: {  	_ =	swait.ge [sflag:s31], $0x1000  }
0x74: {  	[sflag:s31] =	ssyncset.done $0x0  }
0x75: {  	s8 =	sadd.s32 $0x280, s5;
	[sflag:s31] =	ssyncadd.s32 $0xFFFFF000  }
0x76: {  	[tilespmem:s21], [sflag:$0x2] =	stream.indirect.gather [spmem:s2], $0x20, s8, s20, $0xb8;
	[tilespmem:$0x12E20] =	vst v63  }
0x77: {  	_ =	swait.ge [sflag:s1], $0x1000  }
0x78: {  	[sflag:s1] =	ssyncset.done $0x0  }
0x79: {  	s8 =	sadd.s32 $0x2900, s5;
	[sflag:s1] =	ssyncadd.s32 $0xFFFFF000  }
0x7a: {  	[spmem:s3] =	stream.indirect.scatter.add.bf16 [tilespmem:s23], [sflag:$0x7], $0x20, s8, s20, $0xb8;
	[tilespmem:$0x12E20] =	vst v63  }
0x7b: {  	_ =	swait.ge [sflag:s0], $0x1000  }
0x7c: {  	[sflag:s0] =	ssyncset.done $0x0  }
0x7d: {  	s8 =	sadd.s32 $0x300, s5;
	[sflag:s0] =	ssyncadd.s32 $0xFFFFF000  }
0x7e: {  	[tilespmem:s23], [sflag:$0x3] =	stream.indirect.gather [spmem:s2], $0x20, s8, s20, $0xb8;
	[tilespmem:$0x12E20] =	vst v63  }
0x7f: {  	_ =	swait.ge [sflag:s19], $0x1000  }
0x80: {  	[sflag:s19] =	ssyncset.done $0x0  }
.Ltmp1:
0x81: {  	s8 =	sadd.s32 $0x2980, s5;
	[sflag:s19] =	ssyncadd.s32 $0xFFFFF000;
	(pc) =	sbr.rel @p0 .LBB2_4-.Ltmp1, $4  }
0x82: {  	[spmem:s3] =	stream.indirect.scatter.add.bf16 [tilespmem:s26], [sflag:$0x8], $0x20, s8, s20, $0xb8;
	[tilespmem:$0x12E20] =	vst v63  }
0x83: {  	_ =	swait.ge [sflag:s22], $0x1000  }
0x84: {  	[sflag:s22] =	ssyncset.done $0x0  }
0x85: {  	s5 =	sadd.s32 $0x380, s5;
	[sflag:s22] =	ssyncadd.s32 $0xFFFFF000  }
0x86: {  	[tilespmem:s26], [sflag:$0x4] =	stream.indirect.gather [spmem:s2], $0x20, s5, s20, $0xb8;
	[tilespmem:$0x12E20] =	vst v63  }
0x87: {  	_ =	swait.ge [sflag:s28], $0x1000  }
0x88: {  	[sflag:s28] =	ssyncset.done $0x0  }
0x89: {  	s8 =	simm.s32 $0x4E00;
	[sflag:s28] =	ssyncadd.s32 $0xFFFFF000  }
0x8a: {  	[spmem:s3] =	stream.indirect.scatter.add.bf16 [tilespmem:s18], [sflag:$0x5], $0x20, s8, s20, $0xb8;
	[tilespmem:$0x12E20] =	vst v63  }
0x8b: {  	_ =	swait.ge [sflag:s30], $0x1000  }
0x8c: {  	[sflag:s30] =	ssyncset.done $0x0  }
0x8d: {  	s24 =	simm.s32 $0x4E80;
	[sflag:s30] =	ssyncadd.s32 $0xFFFFF000  }
0x8e: {  	[spmem:s3] =	stream.indirect.scatter.add.bf16 [tilespmem:s21], [sflag:$0x6], $0x20, s24, s20, $0xb8;
	[tilespmem:$0x12E20] =	vst v63  }
0x8f: {  	_ =	swait.ge [sflag:s1], $0x1000  }
0x90: {  	[sflag:s1] =	ssyncset.done $0x0  }
0x91: {  	s8 =	simm.s32 $0x4F00;
	[sflag:s1] =	ssyncadd.s32 $0xFFFFF000  }
0x92: {  	[spmem:s3] =	stream.indirect.scatter.add.bf16 [tilespmem:s23], [sflag:$0x7], $0x20, s8, s20, $0xb8;
	[tilespmem:$0x12E20] =	vst v63  }
0x93: {  	_ =	swait.ge [sflag:s19], $0x1000  }
0x94: {  	[sflag:s19] =	ssyncset.done $0x0  }
0x95: {  	s24 =	simm.s32 $0x4F80;
	[sflag:s19] =	ssyncadd.s32 $0xFFFFF000  }
0x96: {  	[spmem:s3] =	stream.indirect.scatter.add.bf16 [tilespmem:s26], [sflag:$0x8], $0x20, s24, s20, $0xb8;
	[tilespmem:$0x12E20] =	vst v63  }
0x97: {  	_ =	swait.ge [sflag:s29], $0x1000  }
0x98: {  	[sflag:s29] =	ssyncset.done $0x0  }
0x99: {  	[sflag:s29] =	ssyncadd.s32 $0xFFFFF000  }
0x9a: {  	_ =	swait.ge [sflag:s31], $0x1000  }
0x9b: {  	[sflag:s31] =	ssyncset.done $0x0  }
0x9c: {  	[sflag:s31] =	ssyncadd.s32 $0xFFFFF000  }
0x9d: {  	_ =	swait.ge [sflag:s0], $0x1000  }
0x9e: {  	[sflag:s0] =	ssyncset.done $0x0  }
0x9f: {  	[sflag:s0] =	ssyncadd.s32 $0xFFFFF000  }
0xa0: {  	_ =	swait.ge [sflag:s22], $0x1000  }
0xa1: {  	s4 =	sadd.s32 $0x1, s4;
	[sflag:s22] =	ssyncset.done $0x0  }
0xa2: {  	p0 =	sne.s32 s4, s14;
	[sflag:s22] =	ssyncadd.s32 $0xFFFFF000  }
.Ltmp2:
0xa3: {  	[bflag:$0x0] =	sbarrier.arrive $0xFFFF;
	(pc) =	sbr.rel @p0 .LBB2_1-.Ltmp2, $4  }
0xa4: {  	[hbm:s15], [sflag:s7] =	dma.local [spmem:s25], $0x9C4  }
0xa5: {  	_ =	swait.ge [sflag:s17], $0x9C4  }
0xa6: {  	[sflag:s17] =	ssyncset.done $0x0  }
0xa7: {  	[sflag:s17] =	ssyncadd.s32 $0xFFFFF63C  }
0xa8: {  	_ =	sfence.sel $0x180000  }
0xa9: {  	[bflag:$0x0] =	sbarrier.arrive $0xFFFF  }
0xaa: {  	_ =	strace $0x9000004D  }
0xab: {  	s0 =	stileid.u32;
	[bflag:$0x2] =	sbarrier.arrive $0xFFFF  }
0xac: {  	p0 =	sne.s32 s0, $0x0;
	s0 =	rddreg [dreg:$0x5]  }
0xad: {  	s0 =	sadd.s32 @!p0 $0x100000, s0  }
0xae: {  	[sflag:s0] =	ssyncadd.tile.s32 @!p0 $0x1;
	_ =	shalt  }
.Lfunc_end2:
_tile_overlayer_lowered:
.L_overlay_start_2:
0xaf: {  	(tag) =	ssettag $0x2  }
0xb0: {  	s0 =	rddreg [dreg:$0x0];
	s2 =	stileid.u32  }
0xb1: {  	s1 =	rddreg [dreg:$0x1];
	p0 =	sne.s32 s2, $0x0  }
0xb2: {  	s3 =	rddreg [dreg:$0x2];
	[bflag:$0x3] =	sbarrier.arrive $0xFFFF;
	s2 =	simm.s32 @!p0 $0x1C09  }
0xb3: {  	[timem:s3], [sflag:s2] =	dma.local @!p0 [hbm:s0], s1  }
0xb4: {  	s0 =	simm.s32 @!p0 $0x9  }
0xb5: {  	_ =	swait.ge @!p0 [sflag:s0], s1  }
0xb6: {  	s1 =	ssub.s32 @!p0 $0x0, s1;
	[sflag:s0] =	ssyncset.done @!p0 $0x0  }
0xb7: {  	[sflag:s0] =	ssyncadd.s32 @!p0 s1  }
0xb8: {  	[bflag:$0x3] =	sbarrier.arrive $0xFFFF  }
0xb9: {  	_ =	shalt  }

// kernel: kernel.8.cloned.1.call-start
scs
__scs_entry_jumppad:
0x0: {  	(pc) =	sbr.rel $0x88, $3  }
0x1: {  	(tag) =	ssettag $0x0;
	lr =	simm.s32 $0x1  }
0x2: {  	[smem:$0x3F96] =	sst lr;
	_ =	strace $0xD0000000  }
0x3: {  	_ = 	snop  }
0x4: {  	_ = 	snop  }
0x5: {  	_ = 	snop  }
0x6: {  	_ = 	snop  }
0x7: {  	_ = 	snop  }
__scs_overlays_trampoline_lowered:
0x8: {  	[smem:$0x3FA5] =	sst s0  }
0x9: {  	[smem:$0x3FA6] =	sst s1  }
0xa: {  	[smem:$0x3FA7] =	sst s2  }
0xb: {  	[smem:$0x3FA8] =	sst s3  }
0xc: {  	[smem:$0x3FA9] =	sst s4  }
0xd: {  	[smem:$0x3FAA] =	sst s5  }
0xe: {  	[smem:$0x3FAB] =	sst s6  }
0xf: {  	[smem:$0x3FAC] =	sst s7  }
0x10: {  	[smem:$0x3FAD] =	sst s8  }
0x11: {  	[smem:$0x3FAE] =	sst s9;
	s0 =	simm.s32 @!p0 $0x0  }
0x12: {  	s1 =	sld [smem:$0x3F94];
	s0 =	simm.s32 @p0 $0x1  }
0x13: {  	[smem:$0x3FAF] =	sst s0;
	s0 =	simm.s32 @!p1 $0x0  }
0x14: {  	s2 =	sld [smem:$0x3F93];
	s0 =	simm.s32 @p1 $0x1  }
0x15: {  	[smem:$0x3FB0] =	sst s0;
	s0 =	simm.s32 @!p2 $0x0  }
0x16: {  	s3 =	sld [smem:$0x3FDB];
	s0 =	simm.s32 @p2 $0x1  }
0x17: {  	s4 =	simm.s32 $0x1BF5;
	[smem:$0x3FB2] =	sst s0  }
0x18: {  	s0 =	sld [smem:$0x3F95];
	_ =	swait.ge [sflag:s4], $0x0  }
0x19: {  	s7 =	sld [smem:$0x3F96]  }
0x1a: {  	s8 =	sadd.s32 $0xFFFFE003, lr  }
0x1b: {  	s9 =	sadd.s32 $0xFFFFFEF7, lr;
	s5 =	simm.s32 $0xFFFFFFFF;
	p2 =	slt.u32 s8, $0xFFFFF086  }
0x1c: {  	p1 =	slt.u32 s9, $0xF7A;
	s5 =	simm.s32 @!p2 $0x0  }
0x1d: {  	s5 =	simm.s32 @p1 $0x1;
	p0 =	seq.s32 s7, s2  }
0x1e: {  	s7 =	smul.u32 @!p0 $0xF7A, s2;
	p2 =	seq.s32 @!p0 s5, $0x0  }
0x1f: {  	s9 =	smul.u32 $0xF7A, s1;
	s8 =	simm.s32 @!p0 $0x1BF5;
	p2 =	por !p2, p0  }
0x20: {  	[sflag:s8] =	ssyncset.s32 @!p0 $0xFFFFF086;
	s6 =	sadd.s32 @!p0 s3, s7;
	s7 =	simm.s32 @!p0 $0x108  }
0x21: {  	s3 =	sadd.s32 s3, s9;
	s6 =	sadd.s32 @!p0 $0x88, s6;
	s7 =	simm.s32 @p2 $0x1082  }
0x22: {  	[simem:s7], [sflag:s8] =	dma.local @!p0 [hbm:s6], $0xF7A  }
0x23: {  	s9 =	sor.u32 $0xD0000000, s2;
	s6 =	simm.s32 $0x108;
	_ =	swait.ge @!p0 [sflag:s8], $0x0  }
0x24: {  	s3 =	sadd.s32 $0x88, s3;
	s6 =	simm.s32 @!p1 $0x1082;
	[sflag:s4] =	ssyncset.s32 $0xFFFFF086  }
0x25: {  	[simem:s6], [sflag:s4] =	dma.local [hbm:s3], $0xF7A  }
0x26: {  	[smem:$0x3F96] =	sst s1;
	(tag) =	ssettag s2;
	_ =	strace s9  }
0x27: {  	s1 =	sld [smem:$0x3FA6]  }
0x28: {  	s2 =	sld [smem:$0x3FA7]  }
0x29: {  	s4 =	sld [smem:$0x3FA9]  }
0x2a: {  	p0 =	seq.s32 s5, $0x0;
	s5 =	sld [smem:$0x3FAA]  }
0x2b: {  	s6 =	sld [smem:$0x3FAB]  }
0x2c: {  	s7 =	sld [smem:$0x3FAC]  }
0x2d: {  	s3 =	simm.s32 $0x108;
	s8 =	sld [smem:$0x3FAD]  }
0x2e: {  	s3 =	simm.s32 @!p0 $0x1082;
	s9 =	sld [smem:$0x3FAE]  }
0x2f: {  	lr =	sadd.s32 s0, s3;
	s0 =	sld [smem:$0x3FA5]  }
0x30: {  	s3 =	sld [smem:$0x3FA8]  }
0x31: {  	[smem:$0x3FB1] =	sst s10  }
0x32: {  	s10 =	sld [smem:$0x3FAF];
	_ =	sdelay $0x3  }
0x33: {  	p0 =	seq.s32 s10, $0x1;
	s10 =	sld [smem:$0x3FB1];
	_ =	sdelay $0x3  }
0x34: {  	[smem:$0x3FB1] =	sst s10  }
0x35: {  	s10 =	sld [smem:$0x3FB0];
	_ =	sdelay $0x3  }
0x36: {  	p1 =	seq.s32 s10, $0x1;
	s10 =	sld [smem:$0x3FB1];
	_ =	sdelay $0x3  }
0x37: {  	[smem:$0x3FB1] =	sst s10  }
0x38: {  	s10 =	sld [smem:$0x3FB2]  }
0x39: {  	_ = 	snop;
	(pc) =	sbr.ind lr, $3  }
0x3a: {  	_ = 	snop  }
0x3b: {  	_ = 	snop  }
0x3c: {  	p2 =	seq.s32 s10, $0x1;
	s10 =	sld [smem:$0x3FB1]  }
0x3d: {  	_ =	shalt  }
0x3e: {  	_ =	shalt  }
0x3f: {  	_ =	shalt  }
0x40: {  	_ =	shalt  }
0x41: {  	_ =	shalt  }
0x42: {  	_ =	shalt  }
0x43: {  	_ =	shalt  }
0x44: {  	_ =	shalt  }
0x45: {  	_ =	shalt  }
0x46: {  	_ =	shalt  }
0x47: {  	_ =	shalt  }
0x48: {  	_ =	shalt  }
0x49: {  	_ =	shalt  }
0x4a: {  	_ =	shalt  }
0x4b: {  	_ =	shalt  }
0x4c: {  	_ =	shalt  }
0x4d: {  	_ =	shalt  }
0x4e: {  	_ =	shalt  }
0x4f: {  	_ =	shalt  }
0x50: {  	_ =	shalt  }
0x51: {  	_ =	shalt  }
0x52: {  	_ =	shalt  }
0x53: {  	_ =	shalt  }
0x54: {  	_ =	shalt  }
0x55: {  	_ =	shalt  }
0x56: {  	_ =	shalt  }
0x57: {  	_ =	shalt  }
0x58: {  	_ =	shalt  }
0x59: {  	_ =	shalt  }
0x5a: {  	_ =	shalt  }
0x5b: {  	_ =	shalt  }
0x5c: {  	_ =	shalt  }
0x5d: {  	_ =	shalt  }
0x5e: {  	_ =	shalt  }
0x5f: {  	_ =	shalt  }
0x60: {  	_ =	shalt  }
0x61: {  	_ =	shalt  }
0x62: {  	_ =	shalt  }
0x63: {  	_ =	shalt  }
0x64: {  	_ =	shalt  }
0x65: {  	_ =	shalt  }
0x66: {  	_ =	shalt  }
0x67: {  	_ =	shalt  }
0x68: {  	_ =	shalt  }
0x69: {  	_ =	shalt  }
0x6a: {  	_ =	shalt  }
0x6b: {  	_ =	shalt  }
0x6c: {  	_ =	shalt  }
0x6d: {  	_ =	shalt  }
0x6e: {  	_ =	shalt  }
0x6f: {  	_ =	shalt  }
0x70: {  	_ =	shalt  }
0x71: {  	_ =	shalt  }
0x72: {  	_ =	shalt  }
0x73: {  	_ =	shalt  }
0x74: {  	_ =	shalt  }
0x75: {  	_ =	shalt  }
0x76: {  	_ =	shalt  }
0x77: {  	_ =	shalt  }
0x78: {  	_ =	shalt  }
0x79: {  	_ =	shalt  }
0x7a: {  	_ =	shalt  }
0x7b: {  	_ =	shalt  }
0x7c: {  	_ =	shalt  }
0x7d: {  	_ =	shalt  }
0x7e: {  	_ =	shalt  }
0x7f: {  	_ =	shalt  }
0x80: {  	_ =	shalt  }
0x81: {  	_ =	shalt  }
0x82: {  	_ =	shalt  }
0x83: {  	_ =	shalt  }
0x84: {  	_ =	shalt  }
0x85: {  	_ =	shalt  }
0x86: {  	_ =	shalt  }
0x87: {  	_ =	shalt  }
.Lfunc_end0:
.L_simem_size_0:
called_computation_lowered:
.L_overlay_start_0:
0x88: {  	s2 =	sld [smem:$0x3FD9]  }
0x89: {  	s3 =	sld [smem:$0x3FFE];
	_ =	sdelay $0x1  }
0x8a: {  	s1 =	srdreg.scid  }
0x8b: {  	s0 =	sand.u32 $0x1, s1  }
0x8c: {  	s14 =	sshll.u32 s0, $0xA;
	s2 =	sadd.s32 s3, s2  }
0x8d: {  	s2 =	sadd.s32 s2, s14  }
0x8e: {  	[smem:$0x3FBD] =	sst s2  }
0x8f: {  	_ = 	snop  }
0x90: {  	s2 =	sld [smem:$0x3FD0];
	_ =	sdelay $0x2  }
0x91: {  	s15 =	simm.s32 $0xA;
	s4 =	simm.s32 $0x10  }
0x92: {  	[smem:s4], [sflag:s15] =	dma.local [hbm:s2], $0x1  }
0x93: {  	_ =	swait.eq [sflag:s15], $0x1  }
0x94: {  	[sflag:s15] =	ssyncset.done $0x0  }
0x95: {  	[sflag:s15] =	ssyncadd.s32 $0xFFFFFFFF  }
0x96: {  	s16 =	sld [smem:$0x11];
	(tm) =	ssettm $0x1  }
0x97: {  	s17 =	sld [smem:$0x3FFB];
	_ =	sdelay $0x3  }
0x98: {  	_ =	strace s17  }
0x99: {  	s3 =	sld [smem:$0x3FFC];
	_ =	sdelay $0x3  }
0x9a: {  	_ =	strace s3  }
0x9b: {  	s3 =	sld [smem:$0x3FFD];
	_ =	sdelay $0x3  }
0x9c: {  	_ =	strace s3  }
0x9d: {  	_ =	strace $0x8FFFFFFF  }
0x9e: {  	s18 =	sld [smem:$0x3FDB];
	_ =	sdelay $0x1  }
0x9f: {  	s19 =	simm.s32 $_scs_section_size  }
0xa0: {  	s5 =	simm.s32 $_size__tile_overlayer_lowered;
	s6 =	simm.s32 $_tile_overlayer_lowered  }
0xa1: {  	s22 =	simm.s32 $0x1BFF;
	s21 =	sshll.u32 s6, $0x1;
	s3 =	sadd.s32 s19, s18  }
0xa2: {  	s7 =	simm.s32 $0x0;
	s20 =	sshll.u32 s5, $0x1;
	s5 =	sadd.s32 s21, s3  }
0xa3: {  	[timem:s7], [sflag:s22] =	dma.local [hbm:s5], s20  }
0xa4: {  	_ =	swait.ge [sflag:s22], s20  }
0xa5: {  	s4 =	ssub.s32 $0x0, s20;
	[sflag:s22] =	ssyncset.done $0x0  }
0xa6: {  	[sflag:s22] =	ssyncadd.s32 s4;
	_ =	sdelay $0x1  }
0xa7: {  	s23 =	simm.s32 $0x1B8B  }
0xa8: {  	_ =	swait.ge [sflag:s23], $0x1  }
0xa9: {  	[sflag:s23] =	ssyncset.done $0x0  }
0xaa: {  	s25 =	simm.s32 $0x1B8E;
	s24 =	sld [smem:$0x3FFE];
	[sflag:s23] =	ssyncadd.s32 $0xFFFFFFFF  }
0xab: {  	s26 =	simm.s32 $execute0_lowered;
	[smem:$0x3FD2] =	sst s25  }
0xac: {  	s5 =	sshll.u32 s26, $0x1;
	_ =	strace $0x80000046;
	[dreg:$0x1] =	wrdreg $0xFFFFFFFF  }
0xad: {  	s28 =	simm.s32 $_size_execute0_lowered;
	s3 =	sadd.s32 s3, s5;
	[dreg:$0x0] =	wrdreg $0x0  }
0xae: {  	s5 =	sshll.u32 s28, $0x1;
	[dreg:$0x2] =	wrdreg s3  }
0xaf: {  	[dreg:$0x3] =	wrdreg s5  }
0xb0: {  	[dreg:$0x4] =	wrdreg $0xC0  }
0xb1: {  	_ =	task [dreg:s7], $0x5FFFF  }
0xb2: {  	[dreg:$0x1] =	wrdreg $0xFFFFFFFF  }
0xb3: {  	[dreg:$0x0] =	wrdreg $0x60  }
0xb4: {  	[dreg:$0x2] =	wrdreg s16  }
0xb5: {  	[dreg:$0x3] =	wrdreg s24  }
0xb6: {  	[dreg:$0x4] =	wrdreg $0x2B000  }
0xb7: {  	[dreg:$0x5] =	wrdreg $0x9  }
0xb8: {  	_ =	task.clear_ibuf [dreg:s7], $0x6FFFF;
	_ =	strace $0x90000046  }
0xb9: {  	s29 =	simm.s32 $0x9;
	_ =	strace $0x80000048  }
0xba: {  	_ =	swait.ge [sflag:s29], $0x1  }
0xbb: {  	[sflag:s29] =	ssyncadd.s32 $0xFFFFFFFF  }
0xbc: {  	_ =	strace $0x90000048  }
0xbd: {  	_ =	sfence  }
0xbe: {  	s30 =	sld [smem:$0x0];
	_ =	sdelay $0x2  }
0xbf: {  	s31 =	sshll.u32 s1, $0xD;
	s1 =	sshrl.u32 s1, $0x2  }
0xc0: {  	s3 =	sand.u32 $0x4000, s31;
	s1 =	sadd.s32 s1, s30  }
0xc1: {  	s0 =	sor.u32 s3, s0;
	s1 =	sshll.u32 s1, $0x11  }
0xc2: {  	s0 =	sor.u32 s1, s0  }
0xc3: {  	s0 =	sadd.s32 $0x8F2B, s0  }
0xc4: {  	[sflag:s0] =	ssyncadd.remote.s32 $0x1  }
0xc5: {  	_ =	sfence.sel $0xFFFF  }
0xc6: {  	[dreg:$0x0] =	wrdreg $0xFFFFFFFF;
	(pc) =	sbr.abs _section_cstart, $3  }
0xc7: {  	[dreg:$0x1] =	wrdreg $0xFFFFFFFF  }
0xc8: {  	_ =	task.clear_ibuf [dreg:s7], $0x2FFFF;
	_ =	strace $0x9FFFFFFF  }
0xc9: {  	(tm) =	ssettm $0x7FFFFFFF  }
tec
execute0_lowered:
.L_overlay_start_1:
0x0: {  	(tag) =	ssettag $0x1  }
0x1: {  	s5 =	rddreg [dreg:$0x0]  }
0x2: {  	s4 =	rddreg [dreg:$0x1];
	s1 =	srdreg.scid  }
0x3: {  	s0 =	stileid.u32;
	s2 =	rddreg [dreg:$0x2];
	s3 =	simm.s32 $0x0  }
0x4: {  	s11 =	simm.s32 $0x2800;
	s6 =	sand.u32 $0x1, s1;
	s1 =	rddreg [dreg:$0x3]  }
0x5: {  	s14 =	simm.s32 $0x0;
	s7 =	smul.u32 $0x280, s0;
	[smem:$0x7FF] =	sst s3  }
0x6: {  	s9 =	sshll.u32 s0, $0x1;
	s12 =	sshll.u32 s0, $0x6;
	s8 =	smul.u32 $0x2800, s6  }
0x7: {  	s10 =	ssub.s32 $0x2, s6;
	s6 =	sor.u32 s6, s9;
	_ =	strace $0x80000047  }
0x8: {  	s31 =	sshrl.u32 s10, $0x1;
	s6 =	smul.u32 $0x500, s6;
	s8 =	sadd.s32 s7, s8  }
0x9: {  	s12 =	sor.u32 $0x1C01, s12;
	s9 =	ssub.s32 s10, s31;
	s8 =	sshrl.u32 s8, $0x3  }
0xa: {  	s10 =	simm.s32 $0x80;
	s5 =	sadd.s32 s5, s6;
	s8 =	sadd.s32 s8, s4  }
0xb: {  	s4 =	sadd.s32 s7, s2;
	s7 =	smax.u32 s9, $0x1;
	s9 =	simm.s32 $0x1  }
0xc: {  	v0 =	vimm.f32 $1.000000000e+00;
	v1 =	vimm.f32 $0.0e+00;
	s6 =	sadd.s32 $0x3200, s8;
	s8 =	simm.s32 $0x2880;
	s13 =	sshrl.u32 s4, $0x3  }
.LBB2_1:
0xd: {  	[tilespmem:$0x2800] =	vst v0  }
0xe: {  	[tilespmem:$0x2810] =	vst v0  }
0xf: {  	[tilespmem:$0x2820] =	vst v0  }
0x10: {  	[tilespmem:$0x2830] =	vst v0  }
0x11: {  	[tilespmem:$0x2840] =	vst v0  }
0x12: {  	[tilespmem:$0x2850] =	vst v0  }
0x13: {  	[tilespmem:$0x2860] =	vst v0  }
0x14: {  	[tilespmem:$0x2870] =	vst v0  }
0x15: {  	[tilespmem:$0x2880] =	vst v1  }
0x16: {  	[tilespmem:$0x2890] =	vst v1  }
0x17: {  	[tilespmem:$0x28A0] =	vst v1  }
0x18: {  	[tilespmem:$0x28B0] =	vst v1  }
0x19: {  	[tilespmem:$0x28C0] =	vst v1  }
0x1a: {  	[tilespmem:$0x28D0] =	vst v1  }
0x1b: {  	[tilespmem:$0x28E0] =	vst v1  }
0x1c: {  	[tilespmem:$0x28F0] =	vst v1  }
0x1d: {  	[tilespmem:$0x2900] =	vst v1  }
0x1e: {  	[tilespmem:$0x2910] =	vst v1  }
0x1f: {  	[tilespmem:$0x2920] =	vst v1  }
0x20: {  	[tilespmem:$0x2930] =	vst v1  }
0x21: {  	[tilespmem:$0x2940] =	vst v1  }
0x22: {  	[tilespmem:$0x2950] =	vst v1  }
0x23: {  	[tilespmem:$0x2960] =	vst v1  }
0x24: {  	[tilespmem:$0x2970] =	vst v1  }
0x25: {  	[tilespmem:$0x2980] =	vst v1  }
0x26: {  	[tilespmem:$0x2990] =	vst v1  }
0x27: {  	[tilespmem:$0x29A0] =	vst v1  }
0x28: {  	[tilespmem:$0x29B0] =	vst v1  }
0x29: {  	[tilespmem:$0x29C0] =	vst v1  }
0x2a: {  	[tilespmem:$0x29D0] =	vst v1  }
0x2b: {  	[tilespmem:$0x29E0] =	vst v1  }
0x2c: {  	[tilespmem:$0x29F0] =	vst v1  }
0x2d: {  	[tilespmem:$0x2A00] =	vst v1  }
0x2e: {  	[tilespmem:$0x2A10] =	vst v1  }
0x2f: {  	[tilespmem:$0x2A20] =	vst v1  }
0x30: {  	[tilespmem:$0x2A30] =	vst v1  }
0x31: {  	[tilespmem:$0x2A40] =	vst v1  }
0x32: {  	[tilespmem:$0x2A50] =	vst v1  }
0x33: {  	[tilespmem:$0x2A60] =	vst v1  }
0x34: {  	[tilespmem:$0x2A70] =	vst v1  }
0x35: {  	[tilespmem:$0x2A80] =	vst v1  }
0x36: {  	[tilespmem:$0x2A90] =	vst v1  }
0x37: {  	[tilespmem:$0x2AA0] =	vst v1  }
0x38: {  	[tilespmem:$0x2AB0] =	vst v1  }
0x39: {  	[tilespmem:$0x2AC0] =	vst v1  }
0x3a: {  	[tilespmem:$0x2AD0] =	vst v1  }
0x3b: {  	[tilespmem:$0x2AE0] =	vst v1  }
0x3c: {  	[tilespmem:$0x2AF0] =	vst v1  }
0x3d: {  	[spmem:s4] =	stream.linear.scatter [tilespmem:s8], [sflag:$0x1], $0x280, $0x38;
	[tilespmem:$0x2D80] =	vst v63  }
0x3e: {  	_ =	swait.ge [sflag:s9], $0x280  }
0x3f: {  	[sflag:s9] =	ssyncset.done $0x0  }
0x40: {  	[sflag:s9] =	ssyncadd.s32 $0xFFFFFD80  }
0x41: {  	[tilespmem:s3], [sflag:$0x1] =	stream.linear.gather [hbm4b:s5+s3], $0x2800, $0x38;
	[tilespmem:$0x2D80] =	vst v63  }
0x42: {  	_ =	swait.ge [sflag:s9], $0x2800  }
0x43: {  	[sflag:s9] =	ssyncset.done $0x0  }
0x44: {  	[sflag:s9] =	ssyncadd.s32 $0xFFFFD800  }
0x45: {  	s15 =	simm.s32 $0x0;
	[bflag:$0x0] =	sbarrier.arrive $0xFFFF  }
0x46: {  	[spmem:s2] =	stream.indirect.scatter.add.f32 [tilespmem:s11], [sflag:$0x1], $0x1, s15, s10, $0xb8;
	[tilespmem:$0x2D80] =	vst v63  }
0x47: {  	_ =	swait.ge [sflag:s9], $0x80  }
0x48: {  	s15 =	simm.s32 $0x200;
	[sflag:s9] =	ssyncset.done $0x0  }
.LBB2_2:
0x49: {  	s16 =	sshra.s32 s15, $0x2;
	[sflag:s9] =	ssyncadd.s32 $0xFFFFFF80;
	p0 =	sne.s32 s15, $0x9E00  }
0x4a: {  	[spmem:s2] =	stream.indirect.scatter.add.f32 [tilespmem:s11], [sflag:$0x1], $0x1, s16, s10, $0xb8;
	[tilespmem:$0x2D80] =	vst v63  }
.Ltmp0:
0x4b: {  	_ = 	snop;
	(pc) =	sbr.rel @p0 .LBB2_2-.Ltmp0, $4  }
0x4c: {  	_ = 	snop  }
0x4d: {  	s15 =	sadd.s32 $0x200, s15  }
0x4e: {  	_ =	swait.ge [sflag:s9], $0x80  }
0x4f: {  	[sflag:s9] =	ssyncset.done $0x0  }
0x50: {  	s14 =	sadd.s32 $0x1, s14  }
0x51: {  	[sflag:s9] =	ssyncadd.s32 $0xFFFFFF80;
	p0 =	sne.s32 s14, s7  }
.Ltmp1:
0x52: {  	[bflag:$0x0] =	sbarrier.arrive $0xFFFF;
	(pc) =	sbr.rel @p0 .LBB2_1-.Ltmp1, $4  }
0x53: {  	[hbm:s6], [sflag:s12] =	dma.local [spmem:s13], $0x50  }
0x54: {  	_ =	swait.ge [sflag:s9], $0x50  }
0x55: {  	[sflag:s9] =	ssyncset.done $0x0  }
0x56: {  	[sflag:s9] =	ssyncadd.s32 $0xFFFFFFB0  }
0x57: {  	_ =	sfence.sel $0x180000  }
0x58: {  	[bflag:$0x0] =	sbarrier.arrive $0xFFFF  }
0x59: {  	p0 =	sne.s32 s0, $0x0;
	_ =	strace $0x90000047  }
0x5a: {  	s0 =	sadd.s32 @!p0 $0x100000, s1;
	[bflag:$0x2] =	sbarrier.arrive $0xFFFF  }
0x5b: {  	[sflag:s0] =	ssyncadd.tile.s32 @!p0 $0x1;
	_ =	shalt  }
.Lfunc_end2:
_tile_overlayer_lowered:
.L_overlay_start_2:
0x5c: {  	(tag) =	ssettag $0x2  }
0x5d: {  	s0 =	rddreg [dreg:$0x0];
	s2 =	stileid.u32  }
0x5e: {  	s1 =	rddreg [dreg:$0x1];
	p0 =	sne.s32 s2, $0x0  }
0x5f: {  	s3 =	rddreg [dreg:$0x2];
	[bflag:$0x3] =	sbarrier.arrive $0xFFFF;
	s2 =	simm.s32 @!p0 $0x1C01  }
0x60: {  	[timem:s3], [sflag:s2] =	dma.local @!p0 [hbm:s0], s1  }
0x61: {  	s0 =	simm.s32 @!p0 $0x1  }
0x62: {  	_ =	swait.ge @!p0 [sflag:s0], s1  }
0x63: {  	s1 =	ssub.s32 @!p0 $0x0, s1;
	[sflag:s0] =	ssyncset.done @!p0 $0x0  }
0x64: {  	[sflag:s0] =	ssyncadd.s32 @!p0 s1  }
0x65: {  	[bflag:$0x3] =	sbarrier.arrive $0xFFFF  }
0x66: {  	_ =	shalt  }

</sc_bundles>
